<compile_context>
chip_gen: v7x
topology: tpu7x:2x2x1
jax: 0.10.2.dev20260603
libtpu: 0.0.44.dev20260713+nightly
codegen_flags: <defaults>
</compile_context>

<pallas_src>
import functools

import jax
import jax.numpy as jnp
from jax import lax
from jax.experimental import pallas as pl
from jax.experimental.pallas import tpu as pltpu
from jax.experimental.pallas import tpu_sc as plsc

NC, NS, L = 2, 16, 16
NW = NC * NS
CH = 80
NB = 3
NBI = 4
FR = 128
TC_R = 1000


def _pad_rows(n):
    rpt = -(-(-(-n // NS)) // FR) * FR
    return rpt, NS * rpt


def _fill_f32(ref, nrows, ncols16, value):
    v = jnp.full((L,), value, jnp.float32)

    def row(i, _):
        def col(j, __):
            ref[i, pl.ds(j * L, L)] = v
            return 0
        return lax.fori_loop(0, ncols16, col, 0)

    lax.fori_loop(0, nrows, row, 0)


def _mesh():
    return plsc.VectorSubcoreMesh(core_axis_name="c", subcore_axis_name="s")


_SC_PARAMS = pltpu.CompilerParams(use_tc_tiling_on_sc=False)


@functools.lru_cache(maxsize=None)
def _deg_kernel(n_nodes, nit, arrlen):
    rpt, n_pad = _pad_rows(n_nodes)

    @functools.partial(
        pl.kernel,
        out_type=jax.ShapeDtypeStruct((NC, n_pad, L), jnp.float32),
        mesh=_mesh(),
        scratch_types=[
            pltpu.VMEM((NBI, CH), jnp.int32),
            pltpu.VMEM((CH, L), jnp.float32),
            pltpu.VMEM_SHARED((n_pad, L), jnp.float32),
            pltpu.SemaphoreType.DMA((NBI,)),
            pltpu.SemaphoreType.DMA((NBI,)),
        ],
        compiler_params=_SC_PARAMS,
    )
    def deg(srcf_hbm, dacc_hbm, iring, ones_v, dacc_sh, isem, ssem):
        c = lax.axis_index("c")
        s = lax.axis_index("s")
        wid = c * NS + s

        _fill_f32(ones_v, CH, 1, 0.0)

        def zloop(j, _):
            pltpu.sync_copy(ones_v, dacc_sh.at[pl.ds(s * rpt + j * CH, CH)])
            return 0
        lax.fori_loop(0, rpt // CH, zloop, 0)
        _fill_f32(ones_v, CH, 1, 1.0)
        plsc.subcore_barrier()

        def istart(j):
            b = lax.rem(j, NBI)
            pltpu.async_copy(srcf_hbm.at[pl.ds((wid * nit + j) * CH, CH)],
                             iring.at[b], isem.at[b])

        def iwait(j):
            b = lax.rem(j, NBI)
            pltpu.make_async_copy(srcf_hbm.at[pl.ds((wid * nit + j) * CH, CH)],
                                  iring.at[b], isem.at[b]).wait()

        def sstart(i):
            b = lax.rem(i, NBI)
            pltpu.async_copy(ones_v, dacc_sh.at[iring.at[b]], ssem.at[b],
                             add=True)

        def swait(i):
            b = lax.rem(i, NBI)
            pltpu.make_async_copy(ones_v, dacc_sh.at[iring.at[b]],
                                  ssem.at[b]).wait()

        istart(0)
        istart(1)

        def chunk(i, _):
            jj = i + 2
            @pl.when(jj < nit)
            def _():
                @pl.when(jj >= NBI)
                def _():
                    swait(jj - NBI)
                istart(jj)
            iwait(i)
            sstart(i)
            return 0
        lax.fori_loop(0, nit, chunk, 0)

        def drain(t, _):
            swait(nit - NBI + t)
            return 0
        lax.fori_loop(0, NBI, drain, 0)
        plsc.subcore_barrier()

        def flush(j, _):
            r0 = s * rpt + j * FR
            pltpu.sync_copy(dacc_sh.at[pl.ds(r0, FR)], dacc_hbm.at[c, pl.ds(r0, FR)])
            return 0
        lax.fori_loop(0, rpt // FR, flush, 0)

    return deg


@functools.lru_cache(maxsize=None)
def _spmm_kernel(n_nodes, nit, d, dst_base):
    rpt, n_pad = _pad_rows(n_nodes)

    @functools.partial(
        pl.kernel,
        out_type=jax.ShapeDtypeStruct((NC, n_pad, d), jnp.float32),
        mesh=_mesh(),
        scratch_types=[
            pltpu.VMEM((NBI, CH), jnp.int32),
            pltpu.VMEM((NBI, CH), jnp.int32),
            pltpu.VMEM((NB, CH, d), jnp.float32),
            pltpu.VMEM_SHARED((n_pad, d), jnp.float32),
            pltpu.SemaphoreType.DMA((NBI,)),
            pltpu.SemaphoreType.DMA((NB,)),
            pltpu.SemaphoreType.DMA((NB,)),
        ],
        compiler_params=_SC_PARAMS,
    )
    def spmm(hw_hbm, ef_hbm, sout_hbm, isr_v, idr_v, rows_v,
             s_sh, isem, gsem, ssem):
        c = lax.axis_index("c")
        s = lax.axis_index("s")
        wid = c * NS + s

        def istart(j):
            b = lax.rem(j, NBI)
            off = (wid * nit + j) * CH
            pltpu.async_copy(ef_hbm.at[pl.ds(off, CH)], isr_v.at[b], isem.at[b])
            pltpu.async_copy(ef_hbm.at[pl.ds(dst_base + off, CH)], idr_v.at[b],
                             isem.at[b])

        def iwait(j):
            b = lax.rem(j, NBI)
            off = (wid * nit + j) * CH
            pltpu.make_async_copy(
                ef_hbm.at[pl.ds(off, CH)], isr_v.at[b], isem.at[b]).wait()
            pltpu.make_async_copy(
                ef_hbm.at[pl.ds(dst_base + off, CH)], idr_v.at[b],
                isem.at[b]).wait()

        def gstart(j):
            pltpu.async_copy(hw_hbm.at[isr_v.at[lax.rem(j, NBI)]],
                             rows_v.at[lax.rem(j, NB)], gsem.at[lax.rem(j, NB)])

        def gwait(j):
            pltpu.make_async_copy(hw_hbm.at[isr_v.at[lax.rem(j, NBI)]],
                                  rows_v.at[lax.rem(j, NB)],
                                  gsem.at[lax.rem(j, NB)]).wait()

        def sstart(i):
            pltpu.async_copy(rows_v.at[lax.rem(i, NB)],
                             s_sh.at[idr_v.at[lax.rem(i, NBI)]],
                             ssem.at[lax.rem(i, NB)], add=True)

        def swait(i):
            pltpu.make_async_copy(rows_v.at[lax.rem(i, NB)],
                                  s_sh.at[idr_v.at[lax.rem(i, NBI)]],
                                  ssem.at[lax.rem(i, NB)]).wait()

        istart(0)
        istart(1)
        iwait(0)
        gstart(0)

        def zfill(i, _):
            def col(j, __):
                rows_v[NB - 1, i, pl.ds(j * L, L)] = jnp.zeros((L,), jnp.float32)
                return 0
            return lax.fori_loop(0, d // L, col, 0)
        lax.fori_loop(0, CH, zfill, 0)

        def zloop(j, _):
            pltpu.sync_copy(rows_v.at[NB - 1], s_sh.at[pl.ds(s * rpt + j * CH, CH)])
            return 0
        lax.fori_loop(0, rpt // CH, zloop, 0)
        plsc.subcore_barrier()

        def chunk(i, _):
            j2 = i + 2
            @pl.when(j2 < nit)
            def _():
                istart(j2)
            j1 = i + 1
            @pl.when(j1 < nit)
            def _():
                @pl.when(j1 >= NB)
                def _():
                    swait(j1 - NB)
                iwait(j1)
                gstart(j1)
            gwait(i)
            sstart(i)
            return 0
        lax.fori_loop(0, nit, chunk, 0)

        def drain(t, _):
            swait(nit - NB + t)
            return 0
        lax.fori_loop(0, NB, drain, 0)
        plsc.subcore_barrier()

        def flush(j, _):
            r0 = s * rpt + j * FR
            pltpu.sync_copy(s_sh.at[pl.ds(r0, FR)], sout_hbm.at[c, pl.ds(r0, FR)])
            return 0
        lax.fori_loop(0, rpt // FR, flush, 0)

    return spmm


def _dinv(dacc_blk):
    deg = dacc_blk[0, :, 0:1] + dacc_blk[1, :, 0:1] + 1.0
    return lax.rsqrt(deg)


@functools.lru_cache(maxsize=None)
def _tc_mm(n, d):
    def body(x_ref, w_ref, b_ref, out_ref):
        hw = jnp.dot(x_ref[...], w_ref[...], preferred_element_type=jnp.float32)
        out_ref[...] = hw + b_ref[...]

    return pl.pallas_call(
        body,
        grid=(n // TC_R,),
        in_specs=[
            pl.BlockSpec((TC_R, d), lambda i: (i, 0)),
            pl.BlockSpec((d, d), lambda i: (0, 0)),
            pl.BlockSpec((1, d), lambda i: (0, 0)),
        ],
        out_specs=pl.BlockSpec((TC_R, d), lambda i: (i, 0)),
        out_shape=jax.ShapeDtypeStruct((n, d), jnp.float32),
    )


@functools.lru_cache(maxsize=None)
def _tc_scale(n, d):
    def body(hw_ref, dacc_ref, out_ref):
        out_ref[...] = hw_ref[...] * _dinv(dacc_ref[...])

    return pl.pallas_call(
        body,
        grid=(n // TC_R,),
        in_specs=[
            pl.BlockSpec((TC_R, d), lambda i: (i, 0)),
            pl.BlockSpec((NC, TC_R, L), lambda i: (0, i, 0)),
        ],
        out_specs=pl.BlockSpec((TC_R, d), lambda i: (i, 0)),
        out_shape=jax.ShapeDtypeStruct((n, d), jnp.float32),
    )


@functools.lru_cache(maxsize=None)
def _tc_mid(n, d):
    def body(dacc_ref, s_ref, hwp_ref, w_ref, b_ref, out_ref):
        dinv = _dinv(dacc_ref[...])
        sm = s_ref[0] + s_ref[1] + hwp_ref[...]
        h = jnp.maximum(dinv * sm, 0.0)
        hw = jnp.dot(h, w_ref[...], preferred_element_type=jnp.float32)
        out_ref[...] = (hw + b_ref[...]) * dinv

    return pl.pallas_call(
        body,
        grid=(n // TC_R,),
        in_specs=[
            pl.BlockSpec((NC, TC_R, L), lambda i: (0, i, 0)),
            pl.BlockSpec((NC, TC_R, d), lambda i: (0, i, 0)),
            pl.BlockSpec((TC_R, d), lambda i: (i, 0)),
            pl.BlockSpec((d, d), lambda i: (0, 0)),
            pl.BlockSpec((1, d), lambda i: (0, 0)),
        ],
        out_specs=pl.BlockSpec((TC_R, d), lambda i: (i, 0)),
        out_shape=jax.ShapeDtypeStruct((n, d), jnp.float32),
    )


@functools.lru_cache(maxsize=None)
def _tc_last(n, d):
    def body(dacc_ref, s_ref, hwp_ref, out_ref):
        dinv = _dinv(dacc_ref[...])
        sm = s_ref[0] + s_ref[1] + hwp_ref[...]
        out_ref[...] = jnp.maximum(dinv * sm, 0.0)

    return pl.pallas_call(
        body,
        grid=(n // TC_R,),
        in_specs=[
            pl.BlockSpec((NC, TC_R, L), lambda i: (0, i, 0)),
            pl.BlockSpec((NC, TC_R, d), lambda i: (0, i, 0)),
            pl.BlockSpec((TC_R, d), lambda i: (i, 0)),
        ],
        out_specs=pl.BlockSpec((TC_R, d), lambda i: (i, 0)),
        out_shape=jax.ShapeDtypeStruct((n, d), jnp.float32),
    )


def kernel(edge_index, X, W1, b1, W2, b2):
    n, d = X.shape
    e = edge_index.shape[1]
    assert n % TC_R == 0 and d % L == 0

    _, n_pad = _pad_rows(n)
    block = NW * CH
    nit = max(8, -(-e // block))
    e_pad = NW * nit * CH
    npadlen = e_pad - e

    b1r = b1.reshape(1, d)
    b2r = b2.reshape(1, d)
    if npadlen == 0:
        ef = edge_index.reshape(2 * e)
        ef_deg = ef
        dst_base = e
    else:
        src = edge_index[0]
        dst = edge_index[1]
        pad_last = jnp.full((npadlen,), n_pad - 1, jnp.int32)
        ef = jnp.concatenate(
            [src, jnp.zeros((npadlen,), jnp.int32), dst, pad_last])
        ef_deg = jnp.concatenate([src, pad_last])
        dst_base = e_pad

    dacc = _deg_kernel(n, nit, ef_deg.shape[0])(ef_deg)
    hw1 = _tc_mm(n, d)(X, W1, b1r)
    hw1p = _tc_scale(n, d)(hw1, dacc)
    s1 = _spmm_kernel(n, nit, d, dst_base)(hw1p, ef)
    hw2p = _tc_mid(n, d)(dacc, s1, hw1p, W2, b2r)
    s2 = _spmm_kernel(n, nit, d, dst_base)(hw2p, ef)
    return _tc_last(n, d)(dacc, s2, hw2p)

# --- scband reference (transcript-rebuilt; emitter-appended) ---
"""Pipeline reference for scband-gcn-83949430767931 (READ-ONLY COPY).

The authoritative reference and input builder live on the scoring server;
editing this copy changes nothing except your own understanding.
"""

import jax, jax.numpy as jnp
import numpy as np

N_NODES = 10000
N_EDGES = 320000
D = 128


def setup_inputs(seed: int = 0) -> dict:
    key = jax.random.key(seed)
    k1, k2, k3, k4, k5, k6 = jax.random.split(key, 6)
    X = jax.random.normal(k1, (N_NODES, D), dtype=jnp.float32)
    edge_index = jax.random.randint(k2, (2, N_EDGES), 0, N_NODES, dtype=jnp.int32)
    s = 1.0 / np.sqrt(D)
    W1 = jax.random.uniform(k3, (D, D), jnp.float32, -s, s)
    b1 = jax.random.uniform(k4, (D,), jnp.float32, -s, s)
    W2 = jax.random.uniform(k5, (D, D), jnp.float32, -s, s)
    b2 = jax.random.uniform(k6, (D,), jnp.float32, -s, s)
    return {"edge_index": edge_index, "X": X, "W1": W1, "b1": b1, "W2": W2, "b2": b2}


def reference(edge_index, X, W1, b1, W2, b2):
    # A_hat = A + I; symmetric-ish normalization D^{-1/2} A_hat^T D^{-1/2}
    src = edge_index[0]
    dst = edge_index[1]
    n = X.shape[0]
    # rowsum of A + I (edge (src,dst) contributes to row src)
    deg = jnp.zeros((n,), X.dtype).at[src].add(1.0) + 1.0
    d_inv_sqrt = jnp.where(deg > 0, 1.0 / jnp.sqrt(deg), 0.0)
    # final matrix entry for edge (src,dst) lands at (dst, src) after transpose
    edge_val = d_inv_sqrt[dst] * d_inv_sqrt[src]
    self_val = d_inv_sqrt * d_inv_sqrt

    def spmm(H):
        msg = H[src] * edge_val[:, None]          # gather + scale
        out = jnp.zeros_like(H).at[dst].add(msg)  # scatter-add
        out = out + self_val[:, None] * H         # self loops
        return out

    H = X
    for W, b in ((W1, b1), (W2, b2)):
        Hw = H @ W + b  # dropout p=0.0 -> identity
        H = jax.nn.relu(spmm(Hw))
    return H

if __name__ == "__main__":
    import jax
    _d = setup_inputs()
    print(jax.jit(kernel)(*tuple(_d.values())))

</pallas_src>

<mosaic_0001>
#map = affine_map<(d0, d1) -> (0, 0)>
#map1 = affine_map<(d0, d1) -> (0)>
#map2 = affine_map<(d0, d1) -> (0, 0, 0)>
module attributes {stable_mosaic.version = 14 : i64} {
  func.func @spmm(%arg0: i32, %arg1: i32, %arg2: memref<10000x128xf32, #tpu.memory_space<hbm>>, %arg3: memref<640000xi32, #tpu.memory_space<hbm>>, %arg4: memref<2x10240x128xf32, #tpu.memory_space<hbm>>, %arg5: memref<4x80xi32, #tpu.memory_space<vmem>>, %arg6: memref<4x80xi32, #tpu.memory_space<vmem>>, %arg7: memref<3x80x128xf32, #tpu.memory_space<vmem>>, %arg8: memref<10240x128xf32, #tpu.memory_space<vmem_shared>>, %arg9: memref<4x!tpu.dma_semaphore, #tpu.memory_space<semaphore_mem>>, %arg10: memref<3x!tpu.dma_semaphore, #tpu.memory_space<semaphore_mem>>, %arg11: memref<3x!tpu.dma_semaphore, #tpu.memory_space<semaphore_mem>>) attributes {dimension_semantics = [#tpu.dimension_semantics<core_parallel>, #tpu.dimension_semantics<subcore_parallel>], iteration_bounds = array<i64: 2, 16>, scalar_prefetch = 0 : i64, scratch_operands = 7 : i64, tpu.core_type = #tpu.core_type<sc_vector_subcore>, window_params = [{transform_indices = #map}, {transform_indices = #map1}, {transform_indices = #map2}]} {
    %mul3A = arith.constant 16 : i32
    %mul3A_0 = arith.muli %arg0, %mul3A : i32
    %add3A = arith.addi %mul3A_0, %arg1 : i32
    %rem3A = arith.constant 0 : i32
    %rem3A_1 = arith.constant 4 : i32
    %rem3A_2 = arith.remsi %rem3A, %rem3A_1 : i32
    %mul3A_3 = arith.constant 125 : i32
    %mul3A_4 = arith.muli %add3A, %mul3A_3 : i32
    %add3A_5 = arith.constant 0 : i32
    %add3A_6 = arith.addi %mul3A_4, %add3A_5 : i32
    %mul3A_7 = arith.constant 80 : i32
    %mul3A_8 = arith.muli %add3A_6, %mul3A_7 : i32
    %dma_start3A = arith.constant 0 : i32
    %dma_start3A_9 = tpu.memref_slice %arg5[%rem3A_2, %dma_start3A] : memref<4x80xi32, #tpu.memory_space<vmem>> -> memref<1x80xi32, #tpu.memory_space<vmem>>
    %dma_start3A_10 = tpu.memref_squeeze %dma_start3A_9 : memref<1x80xi32, #tpu.memory_space<vmem>> -> memref<80xi32, #tpu.memory_space<vmem>>
    %dma_start3A_11 = tpu.memref_slice %arg3[%mul3A_8] : memref<640000xi32, #tpu.memory_space<hbm>> -> memref<80xi32, #tpu.memory_space<hbm>>
    %dma_start3A_12 = tpu.memref_slice %arg9[%rem3A_2] : memref<4x!tpu.dma_semaphore, #tpu.memory_space<semaphore_mem>> -> memref<1x!tpu.dma_semaphore, #tpu.memory_space<semaphore_mem>>
    %dma_start3A_13 = tpu.memref_squeeze %dma_start3A_12 : memref<1x!tpu.dma_semaphore, #tpu.memory_space<semaphore_mem>> -> memref<!tpu.dma_semaphore, #tpu.memory_space<semaphore_mem>>
    %dma_start3A_14 = arith.constant 0 : i32
    %dma_start3A_15 = tpu.memref_slice %arg5[%rem3A_2, %dma_start3A_14] : memref<4x80xi32, #tpu.memory_space<vmem>> -> memref<1x80xi32, #tpu.memory_space<vmem>>
    %dma_start3A_16 = tpu.memref_squeeze %dma_start3A_15 : memref<1x80xi32, #tpu.memory_space<vmem>> -> memref<80xi32, #tpu.memory_space<vmem>>
    %dma_start3A_17 = tpu.memref_slice %arg3[%mul3A_8] : memref<640000xi32, #tpu.memory_space<hbm>> -> memref<80xi32, #tpu.memory_space<hbm>>
    tpu.enqueue_dma source(%dma_start3A_17 : memref<80xi32, #tpu.memory_space<hbm>>) target(%dma_start3A_16 : memref<80xi32, #tpu.memory_space<vmem>>) target_semaphore(%dma_start3A_13 : memref<!tpu.dma_semaphore, #tpu.memory_space<semaphore_mem>>)
    %add3A_18 = arith.constant 320000 : i32
    %add3A_19 = arith.addi %add3A_18, %mul3A_8 : i32
    %dma_start3A_20 = arith.constant 0 : i32
    %dma_start3A_21 = tpu.memref_slice %arg6[%rem3A_2, %dma_start3A_20] : memref<4x80xi32, #tpu.memory_space<vmem>> -> memref<1x80xi32, #tpu.memory_space<vmem>>
    %dma_start3A_22 = tpu.memref_squeeze %dma_start3A_21 : memref<1x80xi32, #tpu.memory_space<vmem>> -> memref<80xi32, #tpu.memory_space<vmem>>
    %dma_start3A_23 = tpu.memref_slice %arg3[%add3A_19] : memref<640000xi32, #tpu.memory_space<hbm>> -> memref<80xi32, #tpu.memory_space<hbm>>
    %dma_start3A_24 = tpu.memref_slice %arg9[%rem3A_2] : memref<4x!tpu.dma_semaphore, #tpu.memory_space<semaphore_mem>> -> memref<1x!tpu.dma_semaphore, #tpu.memory_space<semaphore_mem>>
    %dma_start3A_25 = tpu.memref_squeeze %dma_start3A_24 : memref<1x!tpu.dma_semaphore, #tpu.memory_space<semaphore_mem>> -> memref<!tpu.dma_semaphore, #tpu.memory_space<semaphore_mem>>
    %dma_start3A_26 = arith.constant 0 : i32
    %dma_start3A_27 = tpu.memref_slice %arg6[%rem3A_2, %dma_start3A_26] : memref<4x80xi32, #tpu.memory_space<vmem>> -> memref<1x80xi32, #tpu.memory_space<vmem>>
    %dma_start3A_28 = tpu.memref_squeeze %dma_start3A_27 : memref<1x80xi32, #tpu.memory_space<vmem>> -> memref<80xi32, #tpu.memory_space<vmem>>
    %dma_start3A_29 = tpu.memref_slice %arg3[%add3A_19] : memref<640000xi32, #tpu.memory_space<hbm>> -> memref<80xi32, #tpu.memory_space<hbm>>
    tpu.enqueue_dma source(%dma_start3A_29 : memref<80xi32, #tpu.memory_space<hbm>>) target(%dma_start3A_28 : memref<80xi32, #tpu.memory_space<vmem>>) target_semaphore(%dma_start3A_25 : memref<!tpu.dma_semaphore, #tpu.memory_space<semaphore_mem>>)
    %rem3A_30 = arith.constant 1 : i32
    %rem3A_31 = arith.constant 4 : i32
    %rem3A_32 = arith.remsi %rem3A_30, %rem3A_31 : i32
    %mul3A_33 = arith.constant 125 : i32
    %mul3A_34 = arith.muli %add3A, %mul3A_33 : i32
    %add3A_35 = arith.constant 1 : i32
    %add3A_36 = arith.addi %mul3A_34, %add3A_35 : i32
    %mul3A_37 = arith.constant 80 : i32
    %mul3A_38 = arith.muli %add3A_36, %mul3A_37 : i32
    %dma_start3A_39 = arith.constant 0 : i32
    %dma_start3A_40 = tpu.memref_slice %arg5[%rem3A_32, %dma_start3A_39] : memref<4x80xi32, #tpu.memory_space<vmem>> -> memref<1x80xi32, #tpu.memory_space<vmem>>
    %dma_start3A_41 = tpu.memref_squeeze %dma_start3A_40 : memref<1x80xi32, #tpu.memory_space<vmem>> -> memref<80xi32, #tpu.memory_space<vmem>>
    %dma_start3A_42 = tpu.memref_slice %arg3[%mul3A_38] : memref<640000xi32, #tpu.memory_space<hbm>> -> memref<80xi32, #tpu.memory_space<hbm>>
    %dma_start3A_43 = tpu.memref_slice %arg9[%rem3A_32] : memref<4x!tpu.dma_semaphore, #tpu.memory_space<semaphore_mem>> -> memref<1x!tpu.dma_semaphore, #tpu.memory_space<semaphore_mem>>
    %dma_start3A_44 = tpu.memref_squeeze %dma_start3A_43 : memref<1x!tpu.dma_semaphore, #tpu.memory_space<semaphore_mem>> -> memref<!tpu.dma_semaphore, #tpu.memory_space<semaphore_mem>>
    %dma_start3A_45 = arith.constant 0 : i32
    %dma_start3A_46 = tpu.memref_slice %arg5[%rem3A_32, %dma_start3A_45] : memref<4x80xi32, #tpu.memory_space<vmem>> -> memref<1x80xi32, #tpu.memory_space<vmem>>
    %dma_start3A_47 = tpu.memref_squeeze %dma_start3A_46 : memref<1x80xi32, #tpu.memory_space<vmem>> -> memref<80xi32, #tpu.memory_space<vmem>>
    %dma_start3A_48 = tpu.memref_slice %arg3[%mul3A_38] : memref<640000xi32, #tpu.memory_space<hbm>> -> memref<80xi32, #tpu.memory_space<hbm>>
    tpu.enqueue_dma source(%dma_start3A_48 : memref<80xi32, #tpu.memory_space<hbm>>) target(%dma_start3A_47 : memref<80xi32, #tpu.memory_space<vmem>>) target_semaphore(%dma_start3A_44 : memref<!tpu.dma_semaphore, #tpu.memory_space<semaphore_mem>>)
    %add3A_49 = arith.constant 320000 : i32
    %add3A_50 = arith.addi %add3A_49, %mul3A_38 : i32
    %dma_start3A_51 = arith.constant 0 : i32
    %dma_start3A_52 = tpu.memref_slice %arg6[%rem3A_32, %dma_start3A_51] : memref<4x80xi32, #tpu.memory_space<vmem>> -> memref<1x80xi32, #tpu.memory_space<vmem>>
    %dma_start3A_53 = tpu.memref_squeeze %dma_start3A_52 : memref<1x80xi32, #tpu.memory_space<vmem>> -> memref<80xi32, #tpu.memory_space<vmem>>
    %dma_start3A_54 = tpu.memref_slice %arg3[%add3A_50] : memref<640000xi32, #tpu.memory_space<hbm>> -> memref<80xi32, #tpu.memory_space<hbm>>
    %dma_start3A_55 = tpu.memref_slice %arg9[%rem3A_32] : memref<4x!tpu.dma_semaphore, #tpu.memory_space<semaphore_mem>> -> memref<1x!tpu.dma_semaphore, #tpu.memory_space<semaphore_mem>>
    %dma_start3A_56 = tpu.memref_squeeze %dma_start3A_55 : memref<1x!tpu.dma_semaphore, #tpu.memory_space<semaphore_mem>> -> memref<!tpu.dma_semaphore, #tpu.memory_space<semaphore_mem>>
    %dma_start3A_57 = arith.constant 0 : i32
    %dma_start3A_58 = tpu.memref_slice %arg6[%rem3A_32, %dma_start3A_57] : memref<4x80xi32, #tpu.memory_space<vmem>> -> memref<1x80xi32, #tpu.memory_space<vmem>>
    %dma_start3A_59 = tpu.memref_squeeze %dma_start3A_58 : memref<1x80xi32, #tpu.memory_space<vmem>> -> memref<80xi32, #tpu.memory_space<vmem>>
    %dma_start3A_60 = tpu.memref_slice %arg3[%add3A_50] : memref<640000xi32, #tpu.memory_space<hbm>> -> memref<80xi32, #tpu.memory_space<hbm>>
    tpu.enqueue_dma source(%dma_start3A_60 : memref<80xi32, #tpu.memory_space<hbm>>) target(%dma_start3A_59 : memref<80xi32, #tpu.memory_space<vmem>>) target_semaphore(%dma_start3A_56 : memref<!tpu.dma_semaphore, #tpu.memory_space<semaphore_mem>>)
    %rem3A_61 = arith.constant 0 : i32
    %rem3A_62 = arith.constant 4 : i32
    %rem3A_63 = arith.remsi %rem3A_61, %rem3A_62 : i32
    %mul3A_64 = arith.constant 125 : i32
    %mul3A_65 = arith.muli %add3A, %mul3A_64 : i32
    %add3A_66 = arith.constant 0 : i32
    %add3A_67 = arith.addi %mul3A_65, %add3A_66 : i32
    %mul3A_68 = arith.constant 80 : i32
    %mul3A_69 = arith.muli %add3A_67, %mul3A_68 : i32
    %dma_wait3A = arith.constant 0 : i32
    %dma_wait3A_70 = tpu.memref_slice %arg5[%rem3A_63, %dma_wait3A] : memref<4x80xi32, #tpu.memory_space<vmem>> -> memref<1x80xi32, #tpu.memory_space<vmem>>
    %dma_wait3A_71 = tpu.memref_squeeze %dma_wait3A_70 : memref<1x80xi32, #tpu.memory_space<vmem>> -> memref<80xi32, #tpu.memory_space<vmem>>
    %dma_wait3A_72 = tpu.memref_slice %arg3[%mul3A_69] : memref<640000xi32, #tpu.memory_space<hbm>> -> memref<80xi32, #tpu.memory_space<hbm>>
    %dma_wait3A_73 = tpu.memref_slice %arg9[%rem3A_63] : memref<4x!tpu.dma_semaphore, #tpu.memory_space<semaphore_mem>> -> memref<1x!tpu.dma_semaphore, #tpu.memory_space<semaphore_mem>>
    %dma_wait3A_74 = tpu.memref_squeeze %dma_wait3A_73 : memref<1x!tpu.dma_semaphore, #tpu.memory_space<semaphore_mem>> -> memref<!tpu.dma_semaphore, #tpu.memory_space<semaphore_mem>>
    %dma_wait3A_75 = arith.constant 0 : i32
    %dma_wait3A_76 = tpu.memref_slice %arg5[%rem3A_63, %dma_wait3A_75] : memref<4x80xi32, #tpu.memory_space<vmem>> -> memref<1x80xi32, #tpu.memory_space<vmem>>
    %dma_wait3A_77 = tpu.memref_squeeze %dma_wait3A_76 : memref<1x80xi32, #tpu.memory_space<vmem>> -> memref<80xi32, #tpu.memory_space<vmem>>
    %dma_wait3A_78 = tpu.memref_slice %arg3[%mul3A_69] : memref<640000xi32, #tpu.memory_space<hbm>> -> memref<80xi32, #tpu.memory_space<hbm>>
    tpu.wait_dma2 semaphore(%dma_wait3A_74 : memref<!tpu.dma_semaphore, #tpu.memory_space<semaphore_mem>>) src(%dma_wait3A_78 : memref<80xi32, #tpu.memory_space<hbm>>) dst(%dma_wait3A_77 : memref<80xi32, #tpu.memory_space<vmem>>)
    %add3A_79 = arith.constant 320000 : i32
    %add3A_80 = arith.addi %add3A_79, %mul3A_69 : i32
    %dma_wait3A_81 = arith.constant 0 : i32
    %dma_wait3A_82 = tpu.memref_slice %arg6[%rem3A_63, %dma_wait3A_81] : memref<4x80xi32, #tpu.memory_space<vmem>> -> memref<1x80xi32, #tpu.memory_space<vmem>>
    %dma_wait3A_83 = tpu.memref_squeeze %dma_wait3A_82 : memref<1x80xi32, #tpu.memory_space<vmem>> -> memref<80xi32, #tpu.memory_space<vmem>>
    %dma_wait3A_84 = tpu.memref_slice %arg3[%add3A_80] : memref<640000xi32, #tpu.memory_space<hbm>> -> memref<80xi32, #tpu.memory_space<hbm>>
    %dma_wait3A_85 = tpu.memref_slice %arg9[%rem3A_63] : memref<4x!tpu.dma_semaphore, #tpu.memory_space<semaphore_mem>> -> memref<1x!tpu.dma_semaphore, #tpu.memory_space<semaphore_mem>>
    %dma_wait3A_86 = tpu.memref_squeeze %dma_wait3A_85 : memref<1x!tpu.dma_semaphore, #tpu.memory_space<semaphore_mem>> -> memref<!tpu.dma_semaphore, #tpu.memory_space<semaphore_mem>>
    %dma_wait3A_87 = arith.constant 0 : i32
    %dma_wait3A_88 = tpu.memref_slice %arg6[%rem3A_63, %dma_wait3A_87] : memref<4x80xi32, #tpu.memory_space<vmem>> -> memref<1x80xi32, #tpu.memory_space<vmem>>
    %dma_wait3A_89 = tpu.memref_squeeze %dma_wait3A_88 : memref<1x80xi32, #tpu.memory_space<vmem>> -> memref<80xi32, #tpu.memory_space<vmem>>
    %dma_wait3A_90 = tpu.memref_slice %arg3[%add3A_80] : memref<640000xi32, #tpu.memory_space<hbm>> -> memref<80xi32, #tpu.memory_space<hbm>>
    tpu.wait_dma2 semaphore(%dma_wait3A_86 : memref<!tpu.dma_semaphore, #tpu.memory_space<semaphore_mem>>) src(%dma_wait3A_90 : memref<80xi32, #tpu.memory_space<hbm>>) dst(%dma_wait3A_89 : memref<80xi32, #tpu.memory_space<vmem>>)
    %rem3A_91 = arith.constant 0 : i32
    %rem3A_92 = arith.constant 4 : i32
    %rem3A_93 = arith.remsi %rem3A_91, %rem3A_92 : i32
    %rem3A_94 = arith.constant 0 : i32
    %rem3A_95 = arith.constant 3 : i32
    %rem3A_96 = arith.remsi %rem3A_94, %rem3A_95 : i32
    %rem3A_97 = arith.constant 0 : i32
    %rem3A_98 = arith.constant 3 : i32
    %rem3A_99 = arith.remsi %rem3A_97, %rem3A_98 : i32
    %dma_start3A_100 = arith.constant 0 : i32
    %dma_start3A_101 = arith.constant 0 : i32
    %dma_start3A_102 = tpu.memref_slice %arg7[%rem3A_96, %dma_start3A_100, %dma_start3A_101] : memref<3x80x128xf32, #tpu.memory_space<vmem>> -> memref<1x80x128xf32, #tpu.memory_space<vmem>>
    %dma_start3A_103 = tpu.memref_squeeze %dma_start3A_102 : memref<1x80x128xf32, #tpu.memory_space<vmem>> -> memref<80x128xf32, #tpu.memory_space<vmem>>
    %dma_start3A_104 = arith.constant 0 : i32
    %dma_start3A_105 = tpu.memref_slice %arg5[%rem3A_93, %dma_start3A_104] : memref<4x80xi32, #tpu.memory_space<vmem>> -> memref<1x80xi32, #tpu.memory_space<vmem>>
    %dma_start3A_106 = tpu.memref_squeeze %dma_start3A_105 : memref<1x80xi32, #tpu.memory_space<vmem>> -> memref<80xi32, #tpu.memory_space<vmem>>
    %dma_start3A_107 = arith.constant 0 : i32
    %dma_start3A_108 = arith.constant 0 : i32
    %dma_start3A_109 = tpu.memref_slice %arg2[%dma_start3A_107, %dma_start3A_108] : memref<10000x128xf32, #tpu.memory_space<hbm>> -> memref<10000x128xf32, #tpu.memory_space<hbm>>
    %dma_start3A_110 = tpu.memref_slice %arg10[%rem3A_99] : memref<3x!tpu.dma_semaphore, #tpu.memory_space<semaphore_mem>> -> memref<1x!tpu.dma_semaphore, #tpu.memory_space<semaphore_mem>>
    %dma_start3A_111 = tpu.memref_squeeze %dma_start3A_110 : memref<1x!tpu.dma_semaphore, #tpu.memory_space<semaphore_mem>> -> memref<!tpu.dma_semaphore, #tpu.memory_space<semaphore_mem>>
    tpu.enqueue_indirect_dma source(%dma_start3A_109 : memref<10000x128xf32, #tpu.memory_space<hbm>>) target(%dma_start3A_103 : memref<80x128xf32, #tpu.memory_space<vmem>>) offsets(%dma_start3A_106 : memref<80xi32, #tpu.memory_space<vmem>>) semaphore(%dma_start3A_111 : memref<!tpu.dma_semaphore, #tpu.memory_space<semaphore_mem>>)
    %scan3A = arith.constant 0 : i32
    %scan3A_112 = arith.constant 0 : i32
    %scan3A_113 = arith.constant 80 : i32
    %scan3A_114 = arith.addi %scan3A_112, %scan3A_113 : i32
    %scan3A_115 = arith.constant 1 : i32
    %scan3A_116 = scf.for %scan3A_147 = %scan3A_112 to %scan3A_114 step %scan3A_115 iter_args(%scan3A_148 = %scan3A) -> (i32)  : i32 {
      %scan3A_149 = arith.constant 0 : i32
      %scan3A_150 = arith.constant 0 : i32
      %scan3A_151 = arith.constant 8 : i32
      %scan3A_152 = arith.addi %scan3A_150, %scan3A_151 : i32
      %scan3A_153 = arith.constant 1 : i32
      %scan3A_154 = scf.for %scan3A_156 = %scan3A_150 to %scan3A_152 step %scan3A_153 iter_args(%scan3A_157 = %scan3A_149) -> (i32)  : i32 {
        %broadcast_in_dim3A = arith.constant 0.000000e+00 : f32
        %broadcast_in_dim3A_158 = vector.broadcast %broadcast_in_dim3A : f32 to vector<16xf32>
        %mul3A_159 = arith.constant 16 : i32
        %mul3A_160 = arith.muli %scan3A_156, %mul3A_159 : i32
        %swap3A = arith.constant 2 : i32
        %swap3A_161 = arith.index_cast %swap3A : i32 to index
        %swap3A_162 = arith.index_cast %scan3A_147 : i32 to index
        %swap3A_163 = arith.index_cast %mul3A_160 : i32 to index
        %swap3A_164 = tpu.vector_load %arg7[%swap3A_161, %swap3A_162, %swap3A_163] {strides = array<i32>} : memref<3x80x128xf32, #tpu.memory_space<vmem>>, vector<1x1x16xf32>,
        %swap3A_165 = vector.shape_cast %swap3A_164 : vector<1x1x16xf32> to vector<16xf32>
        %swap3A_166 = vector.shape_cast %broadcast_in_dim3A_158 : vector<16xf32> to vector<1x1x16xf32>
        tpu.vector_store %arg7[%swap3A_161, %swap3A_162, %swap3A_163], %swap3A_166 {strides = array<i32>} : memref<3x80x128xf32, #tpu.memory_space<vmem>>, vector<1x1x16xf32>,
        %scan3A_167 = arith.constant 0 : i32
        scf.yield %scan3A_167 : i32
      }
      %scan3A_155 = arith.constant 8 : i32
      scf.yield %scan3A_154 : i32
    }
    %scan3A_117 = arith.constant 80 : i32
    %scan3A_118 = arith.constant 0 : i32
    %scan3A_119 = arith.constant 0 : i32
    %scan3A_120 = arith.constant 8 : i32
    %scan3A_121 = arith.addi %scan3A_119, %scan3A_120 : i32
    %scan3A_122 = arith.constant 1 : i32
    %scan3A_123 = scf.for %scan3A_147 = %scan3A_119 to %scan3A_121 step %scan3A_122 iter_args(%scan3A_148 = %scan3A_118) -> (i32)  : i32 {
      %mul3A_149 = arith.constant 640 : i32
      %mul3A_150 = arith.muli %arg1, %mul3A_149 : i32
      %mul3A_151 = arith.constant 80 : i32
      %mul3A_152 = arith.muli %scan3A_147, %mul3A_151 : i32
      %add3A_153 = arith.addi %mul3A_150, %mul3A_152 : i32
      %run_scoped3A = arith.constant 2 : i32
      "tpu.region"() ({
        %run_scoped3A_155 = tpu.sem_alloc : memref<!tpu.dma_semaphore, #tpu.memory_space<semaphore_mem>>
        %dma_start3A_156 = arith.constant 0 : i32
        %dma_start3A_157 = arith.constant 0 : i32
        %dma_start3A_158 = tpu.memref_slice %arg7[%run_scoped3A, %dma_start3A_156, %dma_start3A_157] : memref<3x80x128xf32, #tpu.memory_space<vmem>> -> memref<1x80x128xf32, #tpu.memory_space<vmem>>
        %dma_start3A_159 = tpu.memref_squeeze %dma_start3A_158 : memref<1x80x128xf32, #tpu.memory_space<vmem>> -> memref<80x128xf32, #tpu.memory_space<vmem>>
        %dma_start3A_160 = arith.constant 0 : i32
        %dma_start3A_161 = tpu.memref_slice %arg8[%add3A_153, %dma_start3A_160] : memref<10240x128xf32, #tpu.memory_space<vmem_shared>> -> memref<80x128xf32, #tpu.memory_space<vmem_shared>>
        %dma_start3A_162 = arith.constant 0 : i32
        %dma_start3A_163 = tpu.memref_slice %arg8[%add3A_153, %dma_start3A_162] : memref<10240x128xf32, #tpu.memory_space<vmem_shared>> -> memref<80x128xf32, #tpu.memory_space<vmem_shared>>
        %dma_start3A_164 = arith.constant 0 : i32
        %dma_start3A_165 = arith.constant 0 : i32
        %dma_start3A_166 = tpu.memref_slice %arg7[%run_scoped3A, %dma_start3A_164, %dma_start3A_165] : memref<3x80x128xf32, #tpu.memory_space<vmem>> -> memref<1x80x128xf32, #tpu.memory_space<vmem>>
        %dma_start3A_167 = tpu.memref_squeeze %dma_start3A_166 : memref<1x80x128xf32, #tpu.memory_space<vmem>> -> memref<80x128xf32, #tpu.memory_space<vmem>>
        tpu.enqueue_dma source(%dma_start3A_167 : memref<80x128xf32, #tpu.memory_space<vmem>>) target(%dma_start3A_163 : memref<80x128xf32, #tpu.memory_space<vmem_shared>>) target_semaphore(%run_scoped3A_155 : memref<!tpu.dma_semaphore, #tpu.memory_space<semaphore_mem>>)
        %dma_wait3A_168 = arith.constant 0 : i32
        %dma_wait3A_169 = arith.constant 0 : i32
        %dma_wait3A_170 = tpu.memref_slice %arg7[%run_scoped3A, %dma_wait3A_168, %dma_wait3A_169] : memref<3x80x128xf32, #tpu.memory_space<vmem>> -> memref<1x80x128xf32, #tpu.memory_space<vmem>>
        %dma_wait3A_171 = tpu.memref_squeeze %dma_wait3A_170 : memref<1x80x128xf32, #tpu.memory_space<vmem>> -> memref<80x128xf32, #tpu.memory_space<vmem>>
        %dma_wait3A_172 = arith.constant 0 : i32
        %dma_wait3A_173 = tpu.memref_slice %arg8[%add3A_153, %dma_wait3A_172] : memref<10240x128xf32, #tpu.memory_space<vmem_shared>> -> memref<80x128xf32, #tpu.memory_space<vmem_shared>>
        %dma_wait3A_174 = arith.constant 0 : i32
        %dma_wait3A_175 = tpu.memref_slice %arg8[%add3A_153, %dma_wait3A_174] : memref<10240x128xf32, #tpu.memory_space<vmem_shared>> -> memref<80x128xf32, #tpu.memory_space<vmem_shared>>
        %dma_wait3A_176 = arith.constant 0 : i32
        %dma_wait3A_177 = arith.constant 0 : i32
        %dma_wait3A_178 = tpu.memref_slice %arg7[%run_scoped3A, %dma_wait3A_176, %dma_wait3A_177] : memref<3x80x128xf32, #tpu.memory_space<vmem>> -> memref<1x80x128xf32, #tpu.memory_space<vmem>>
        %dma_wait3A_179 = tpu.memref_squeeze %dma_wait3A_178 : memref<1x80x128xf32, #tpu.memory_space<vmem>> -> memref<80x128xf32, #tpu.memory_space<vmem>>
        tpu.wait_dma2 semaphore(%run_scoped3A_155 : memref<!tpu.dma_semaphore, #tpu.memory_space<semaphore_mem>>) src(%dma_wait3A_179 : memref<80x128xf32, #tpu.memory_space<vmem>>) dst(%dma_wait3A_175 : memref<80x128xf32, #tpu.memory_space<vmem_shared>>)
        tpu.yield
      }) : () -> ()
      %scan3A_154 = arith.constant 0 : i32
      scf.yield %scan3A_154 : i32
    }
    %scan3A_124 = arith.constant 8 : i32
    %barrier3A = arith.constant 0 : index
    tpu.barrier barrier_id(%barrier3A)
    %scan3A_125 = arith.constant 0 : i32
    %scan3A_126 = arith.constant 0 : i32
    %scan3A_127 = arith.constant 125 : i32
    %scan3A_128 = arith.addi %scan3A_126, %scan3A_127 : i32
    %scan3A_129 = arith.constant 1 : i32
    %scan3A_130 = scf.for %scan3A_147 = %scan3A_126 to %scan3A_128 step %scan3A_129 iter_args(%scan3A_148 = %scan3A_125) -> (i32)  : i32 {
      %add3A_149 = arith.constant 2 : i32
      %add3A_150 = arith.addi %scan3A_147, %add3A_149 : i32
      %lt3A = arith.constant 125 : i32
      %lt3A_151 = arith.cmpi slt, %add3A_150, %lt3A : i32
      %convert_element_type3A = arith.extui %lt3A_151 : i1 to i32
      %cond3A = arith.constant 0 : i32
      %cond3A_152 = arith.cmpi ne, %convert_element_type3A, %cond3A : i32
      scf.if %cond3A_152 {
        %rem3A_197 = arith.constant 4 : i32
        %rem3A_198 = arith.remsi %add3A_150, %rem3A_197 : i32
        %mul3A_199 = arith.constant 125 : i32
        %mul3A_200 = arith.muli %add3A, %mul3A_199 : i32
        %add3A_201 = arith.addi %mul3A_200, %add3A_150 : i32
        %mul3A_202 = arith.constant 80 : i32
        %mul3A_203 = arith.muli %add3A_201, %mul3A_202 : i32
        %dma_start3A_204 = arith.constant 0 : i32
        %dma_start3A_205 = tpu.memref_slice %arg5[%rem3A_198, %dma_start3A_204] : memref<4x80xi32, #tpu.memory_space<vmem>> -> memref<1x80xi32, #tpu.memory_space<vmem>>
        %dma_start3A_206 = tpu.memref_squeeze %dma_start3A_205 : memref<1x80xi32, #tpu.memory_space<vmem>> -> memref<80xi32, #tpu.memory_space<vmem>>
        %dma_start3A_207 = tpu.memref_slice %arg3[%mul3A_203] : memref<640000xi32, #tpu.memory_space<hbm>> -> memref<80xi32, #tpu.memory_space<hbm>>
        %dma_start3A_208 = tpu.memref_slice %arg9[%rem3A_198] : memref<4x!tpu.dma_semaphore, #tpu.memory_space<semaphore_mem>> -> memref<1x!tpu.dma_semaphore, #tpu.memory_space<semaphore_mem>>
        %dma_start3A_209 = tpu.memref_squeeze %dma_start3A_208 : memref<1x!tpu.dma_semaphore, #tpu.memory_space<semaphore_mem>> -> memref<!tpu.dma_semaphore, #tpu.memory_space<semaphore_mem>>
        %dma_start3A_210 = arith.constant 0 : i32
        %dma_start3A_211 = tpu.memref_slice %arg5[%rem3A_198, %dma_start3A_210] : memref<4x80xi32, #tpu.memory_space<vmem>> -> memref<1x80xi32, #tpu.memory_space<vmem>>
        %dma_start3A_212 = tpu.memref_squeeze %dma_start3A_211 : memref<1x80xi32, #tpu.memory_space<vmem>> -> memref<80xi32, #tpu.memory_space<vmem>>
        %dma_start3A_213 = tpu.memref_slice %arg3[%mul3A_203] : memref<640000xi32, #tpu.memory_space<hbm>> -> memref<80xi32, #tpu.memory_space<hbm>>
        tpu.enqueue_dma source(%dma_start3A_213 : memref<80xi32, #tpu.memory_space<hbm>>) target(%dma_start3A_212 : memref<80xi32, #tpu.memory_space<vmem>>) target_semaphore(%dma_start3A_209 : memref<!tpu.dma_semaphore, #tpu.memory_space<semaphore_mem>>)
        %add3A_214 = arith.constant 320000 : i32
        %add3A_215 = arith.addi %add3A_214, %mul3A_203 : i32
        %dma_start3A_216 = arith.constant 0 : i32
        %dma_start3A_217 = tpu.memref_slice %arg6[%rem3A_198, %dma_start3A_216] : memref<4x80xi32, #tpu.memory_space<vmem>> -> memref<1x80xi32, #tpu.memory_space<vmem>>
        %dma_start3A_218 = tpu.memref_squeeze %dma_start3A_217 : memref<1x80xi32, #tpu.memory_space<vmem>> -> memref<80xi32, #tpu.memory_space<vmem>>
        %dma_start3A_219 = tpu.memref_slice %arg3[%add3A_215] : memref<640000xi32, #tpu.memory_space<hbm>> -> memref<80xi32, #tpu.memory_space<hbm>>
        %dma_start3A_220 = tpu.memref_slice %arg9[%rem3A_198] : memref<4x!tpu.dma_semaphore, #tpu.memory_space<semaphore_mem>> -> memref<1x!tpu.dma_semaphore, #tpu.memory_space<semaphore_mem>>
        %dma_start3A_221 = tpu.memref_squeeze %dma_start3A_220 : memref<1x!tpu.dma_semaphore, #tpu.memory_space<semaphore_mem>> -> memref<!tpu.dma_semaphore, #tpu.memory_space<semaphore_mem>>
        %dma_start3A_222 = arith.constant 0 : i32
        %dma_start3A_223 = tpu.memref_slice %arg6[%rem3A_198, %dma_start3A_222] : memref<4x80xi32, #tpu.memory_space<vmem>> -> memref<1x80xi32, #tpu.memory_space<vmem>>
        %dma_start3A_224 = tpu.memref_squeeze %dma_start3A_223 : memref<1x80xi32, #tpu.memory_space<vmem>> -> memref<80xi32, #tpu.memory_space<vmem>>
        %dma_start3A_225 = tpu.memref_slice %arg3[%add3A_215] : memref<640000xi32, #tpu.memory_space<hbm>> -> memref<80xi32, #tpu.memory_space<hbm>>
        tpu.enqueue_dma source(%dma_start3A_225 : memref<80xi32, #tpu.memory_space<hbm>>) target(%dma_start3A_224 : memref<80xi32, #tpu.memory_space<vmem>>) target_semaphore(%dma_start3A_221 : memref<!tpu.dma_semaphore, #tpu.memory_space<semaphore_mem>>)
      } else {
      }
      %add3A_153 = arith.constant 1 : i32
      %add3A_154 = arith.addi %scan3A_147, %add3A_153 : i32
      %lt3A_155 = arith.constant 125 : i32
      %lt3A_156 = arith.cmpi slt, %add3A_154, %lt3A_155 : i32
      %convert_element_type3A_157 = arith.extui %lt3A_156 : i1 to i32
      %cond3A_158 = arith.constant 0 : i32
      %cond3A_159 = arith.cmpi ne, %convert_element_type3A_157, %cond3A_158 : i32
      scf.if %cond3A_159 {
        %ge3A = arith.constant 3 : i32
        %ge3A_197 = arith.cmpi sge, %add3A_154, %ge3A : i32
        %convert_element_type3A_198 = arith.extui %ge3A_197 : i1 to i32
        %cond3A_199 = arith.constant 0 : i32
        %cond3A_200 = arith.cmpi ne, %convert_element_type3A_198, %cond3A_199 : i32
        scf.if %cond3A_200 {
          %sub3A = arith.constant 3 : i32
          %sub3A_248 = arith.subi %add3A_154, %sub3A : i32
          %rem3A_249 = arith.constant 3 : i32
          %rem3A_250 = arith.remsi %sub3A_248, %rem3A_249 : i32
          %rem3A_251 = arith.constant 4 : i32
          %rem3A_252 = arith.remsi %sub3A_248, %rem3A_251 : i32
          %rem3A_253 = arith.constant 3 : i32
          %rem3A_254 = arith.remsi %sub3A_248, %rem3A_253 : i32
          %dma_wait3A_255 = arith.constant 0 : i32
          %dma_wait3A_256 = arith.constant 0 : i32
          %dma_wait3A_257 = tpu.memref_slice %arg7[%rem3A_250, %dma_wait3A_255, %dma_wait3A_256] : memref<3x80x128xf32, #tpu.memory_space<vmem>> -> memref<1x80x128xf32, #tpu.memory_space<vmem>>
          %dma_wait3A_258 = tpu.memref_squeeze %dma_wait3A_257 : memref<1x80x128xf32, #tpu.memory_space<vmem>> -> memref<80x128xf32, #tpu.memory_space<vmem>>
          %dma_wait3A_259 = arith.constant 0 : i32
          %dma_wait3A_260 = tpu.memref_slice %arg6[%rem3A_252, %dma_wait3A_259] : memref<4x80xi32, #tpu.memory_space<vmem>> -> memref<1x80xi32, #tpu.memory_space<vmem>>
          %dma_wait3A_261 = tpu.memref_squeeze %dma_wait3A_260 : memref<1x80xi32, #tpu.memory_space<vmem>> -> memref<80xi32, #tpu.memory_space<vmem>>
          %dma_wait3A_262 = arith.constant 0 : i32
          %dma_wait3A_263 = arith.constant 0 : i32
          %dma_wait3A_264 = tpu.memref_slice %arg8[%dma_wait3A_262, %dma_wait3A_263] : memref<10240x128xf32, #tpu.memory_space<vmem_shared>> -> memref<10240x128xf32, #tpu.memory_space<vmem_shared>>
          %dma_wait3A_265 = tpu.memref_slice %arg11[%rem3A_254] : memref<3x!tpu.dma_semaphore, #tpu.memory_space<semaphore_mem>> -> memref<1x!tpu.dma_semaphore, #tpu.memory_space<semaphore_mem>>
          %dma_wait3A_266 = tpu.memref_squeeze %dma_wait3A_265 : memref<1x!tpu.dma_semaphore, #tpu.memory_space<semaphore_mem>> -> memref<!tpu.dma_semaphore, #tpu.memory_space<semaphore_mem>>
          tpu.wait_indirect_dma semaphore(%dma_wait3A_266 : memref<!tpu.dma_semaphore, #tpu.memory_space<semaphore_mem>>) src(%dma_wait3A_258 : memref<80x128xf32, #tpu.memory_space<vmem>>) dst(%dma_wait3A_264 : memref<10240x128xf32, #tpu.memory_space<vmem_shared>>)
        } else {
        }
        %rem3A_201 = arith.constant 4 : i32
        %rem3A_202 = arith.remsi %add3A_154, %rem3A_201 : i32
        %mul3A_203 = arith.constant 125 : i32
        %mul3A_204 = arith.muli %add3A, %mul3A_203 : i32
        %add3A_205 = arith.addi %mul3A_204, %add3A_154 : i32
        %mul3A_206 = arith.constant 80 : i32
        %mul3A_207 = arith.muli %add3A_205, %mul3A_206 : i32
        %dma_wait3A_208 = arith.constant 0 : i32
        %dma_wait3A_209 = tpu.memref_slice %arg5[%rem3A_202, %dma_wait3A_208] : memref<4x80xi32, #tpu.memory_space<vmem>> -> memref<1x80xi32, #tpu.memory_space<vmem>>
        %dma_wait3A_210 = tpu.memref_squeeze %dma_wait3A_209 : memref<1x80xi32, #tpu.memory_space<vmem>> -> memref<80xi32, #tpu.memory_space<vmem>>
        %dma_wait3A_211 = tpu.memref_slice %arg3[%mul3A_207] : memref<640000xi32, #tpu.memory_space<hbm>> -> memref<80xi32, #tpu.memory_space<hbm>>
        %dma_wait3A_212 = tpu.memref_slice %arg9[%rem3A_202] : memref<4x!tpu.dma_semaphore, #tpu.memory_space<semaphore_mem>> -> memref<1x!tpu.dma_semaphore, #tpu.memory_space<semaphore_mem>>
        %dma_wait3A_213 = tpu.memref_squeeze %dma_wait3A_212 : memref<1x!tpu.dma_semaphore, #tpu.memory_space<semaphore_mem>> -> memref<!tpu.dma_semaphore, #tpu.memory_space<semaphore_mem>>
        %dma_wait3A_214 = arith.constant 0 : i32
        %dma_wait3A_215 = tpu.memref_slice %arg5[%rem3A_202, %dma_wait3A_214] : memref<4x80xi32, #tpu.memory_space<vmem>> -> memref<1x80xi32, #tpu.memory_space<vmem>>
        %dma_wait3A_216 = tpu.memref_squeeze %dma_wait3A_215 : memref<1x80xi32, #tpu.memory_space<vmem>> -> memref<80xi32, #tpu.memory_space<vmem>>
        %dma_wait3A_217 = tpu.memref_slice %arg3[%mul3A_207] : memref<640000xi32, #tpu.memory_space<hbm>> -> memref<80xi32, #tpu.memory_space<hbm>>
        tpu.wait_dma2 semaphore(%dma_wait3A_213 : memref<!tpu.dma_semaphore, #tpu.memory_space<semaphore_mem>>) src(%dma_wait3A_217 : memref<80xi32, #tpu.memory_space<hbm>>) dst(%dma_wait3A_216 : memref<80xi32, #tpu.memory_space<vmem>>)
        %add3A_218 = arith.constant 320000 : i32
        %add3A_219 = arith.addi %add3A_218, %mul3A_207 : i32
        %dma_wait3A_220 = arith.constant 0 : i32
        %dma_wait3A_221 = tpu.memref_slice %arg6[%rem3A_202, %dma_wait3A_220] : memref<4x80xi32, #tpu.memory_space<vmem>> -> memref<1x80xi32, #tpu.memory_space<vmem>>
        %dma_wait3A_222 = tpu.memref_squeeze %dma_wait3A_221 : memref<1x80xi32, #tpu.memory_space<vmem>> -> memref<80xi32, #tpu.memory_space<vmem>>
        %dma_wait3A_223 = tpu.memref_slice %arg3[%add3A_219] : memref<640000xi32, #tpu.memory_space<hbm>> -> memref<80xi32, #tpu.memory_space<hbm>>
        %dma_wait3A_224 = tpu.memref_slice %arg9[%rem3A_202] : memref<4x!tpu.dma_semaphore, #tpu.memory_space<semaphore_mem>> -> memref<1x!tpu.dma_semaphore, #tpu.memory_space<semaphore_mem>>
        %dma_wait3A_225 = tpu.memref_squeeze %dma_wait3A_224 : memref<1x!tpu.dma_semaphore, #tpu.memory_space<semaphore_mem>> -> memref<!tpu.dma_semaphore, #tpu.memory_space<semaphore_mem>>
        %dma_wait3A_226 = arith.constant 0 : i32
        %dma_wait3A_227 = tpu.memref_slice %arg6[%rem3A_202, %dma_wait3A_226] : memref<4x80xi32, #tpu.memory_space<vmem>> -> memref<1x80xi32, #tpu.memory_space<vmem>>
        %dma_wait3A_228 = tpu.memref_squeeze %dma_wait3A_227 : memref<1x80xi32, #tpu.memory_space<vmem>> -> memref<80xi32, #tpu.memory_space<vmem>>
        %dma_wait3A_229 = tpu.memref_slice %arg3[%add3A_219] : memref<640000xi32, #tpu.memory_space<hbm>> -> memref<80xi32, #tpu.memory_space<hbm>>
        tpu.wait_dma2 semaphore(%dma_wait3A_225 : memref<!tpu.dma_semaphore, #tpu.memory_space<semaphore_mem>>) src(%dma_wait3A_229 : memref<80xi32, #tpu.memory_space<hbm>>) dst(%dma_wait3A_228 : memref<80xi32, #tpu.memory_space<vmem>>)
        %rem3A_230 = arith.constant 4 : i32
        %rem3A_231 = arith.remsi %add3A_154, %rem3A_230 : i32
        %rem3A_232 = arith.constant 3 : i32
        %rem3A_233 = arith.remsi %add3A_154, %rem3A_232 : i32
        %rem3A_234 = arith.constant 3 : i32
        %rem3A_235 = arith.remsi %add3A_154, %rem3A_234 : i32
        %dma_start3A_236 = arith.constant 0 : i32
        %dma_start3A_237 = arith.constant 0 : i32
        %dma_start3A_238 = tpu.memref_slice %arg7[%rem3A_233, %dma_start3A_236, %dma_start3A_237] : memref<3x80x128xf32, #tpu.memory_space<vmem>> -> memref<1x80x128xf32, #tpu.memory_space<vmem>>
        %dma_start3A_239 = tpu.memref_squeeze %dma_start3A_238 : memref<1x80x128xf32, #tpu.memory_space<vmem>> -> memref<80x128xf32, #tpu.memory_space<vmem>>
        %dma_start3A_240 = arith.constant 0 : i32
        %dma_start3A_241 = tpu.memref_slice %arg5[%rem3A_231, %dma_start3A_240] : memref<4x80xi32, #tpu.memory_space<vmem>> -> memref<1x80xi32, #tpu.memory_space<vmem>>
        %dma_start3A_242 = tpu.memref_squeeze %dma_start3A_241 : memref<1x80xi32, #tpu.memory_space<vmem>> -> memref<80xi32, #tpu.memory_space<vmem>>
        %dma_start3A_243 = arith.constant 0 : i32
        %dma_start3A_244 = arith.constant 0 : i32
        %dma_start3A_245 = tpu.memref_slice %arg2[%dma_start3A_243, %dma_start3A_244] : memref<10000x128xf32, #tpu.memory_space<hbm>> -> memref<10000x128xf32, #tpu.memory_space<hbm>>
        %dma_start3A_246 = tpu.memref_slice %arg10[%rem3A_235] : memref<3x!tpu.dma_semaphore, #tpu.memory_space<semaphore_mem>> -> memref<1x!tpu.dma_semaphore, #tpu.memory_space<semaphore_mem>>
        %dma_start3A_247 = tpu.memref_squeeze %dma_start3A_246 : memref<1x!tpu.dma_semaphore, #tpu.memory_space<semaphore_mem>> -> memref<!tpu.dma_semaphore, #tpu.memory_space<semaphore_mem>>
        tpu.enqueue_indirect_dma source(%dma_start3A_245 : memref<10000x128xf32, #tpu.memory_space<hbm>>) target(%dma_start3A_239 : memref<80x128xf32, #tpu.memory_space<vmem>>) offsets(%dma_start3A_242 : memref<80xi32, #tpu.memory_space<vmem>>) semaphore(%dma_start3A_247 : memref<!tpu.dma_semaphore, #tpu.memory_space<semaphore_mem>>)
      } else {
      }
      %rem3A_160 = arith.constant 4 : i32
      %rem3A_161 = arith.remsi %scan3A_147, %rem3A_160 : i32
      %rem3A_162 = arith.constant 3 : i32
      %rem3A_163 = arith.remsi %scan3A_147, %rem3A_162 : i32
      %rem3A_164 = arith.constant 3 : i32
      %rem3A_165 = arith.remsi %scan3A_147, %rem3A_164 : i32
      %dma_wait3A_166 = arith.constant 0 : i32
      %dma_wait3A_167 = arith.constant 0 : i32
      %dma_wait3A_168 = tpu.memref_slice %arg7[%rem3A_163, %dma_wait3A_166, %dma_wait3A_167] : memref<3x80x128xf32, #tpu.memory_space<vmem>> -> memref<1x80x128xf32, #tpu.memory_space<vmem>>
      %dma_wait3A_169 = tpu.memref_squeeze %dma_wait3A_168 : memref<1x80x128xf32, #tpu.memory_space<vmem>> -> memref<80x128xf32, #tpu.memory_space<vmem>>
      %dma_wait3A_170 = arith.constant 0 : i32
      %dma_wait3A_171 = tpu.memref_slice %arg5[%rem3A_161, %dma_wait3A_170] : memref<4x80xi32, #tpu.memory_space<vmem>> -> memref<1x80xi32, #tpu.memory_space<vmem>>
      %dma_wait3A_172 = tpu.memref_squeeze %dma_wait3A_171 : memref<1x80xi32, #tpu.memory_space<vmem>> -> memref<80xi32, #tpu.memory_space<vmem>>
      %dma_wait3A_173 = arith.constant 0 : i32
      %dma_wait3A_174 = arith.constant 0 : i32
      %dma_wait3A_175 = tpu.memref_slice %arg2[%dma_wait3A_173, %dma_wait3A_174] : memref<10000x128xf32, #tpu.memory_space<hbm>> -> memref<10000x128xf32, #tpu.memory_space<hbm>>
      %dma_wait3A_176 = tpu.memref_slice %arg10[%rem3A_165] : memref<3x!tpu.dma_semaphore, #tpu.memory_space<semaphore_mem>> -> memref<1x!tpu.dma_semaphore, #tpu.memory_space<semaphore_mem>>
      %dma_wait3A_177 = tpu.memref_squeeze %dma_wait3A_176 : memref<1x!tpu.dma_semaphore, #tpu.memory_space<semaphore_mem>> -> memref<!tpu.dma_semaphore, #tpu.memory_space<semaphore_mem>>
      tpu.wait_indirect_dma semaphore(%dma_wait3A_177 : memref<!tpu.dma_semaphore, #tpu.memory_space<semaphore_mem>>) src(%dma_wait3A_175 : memref<10000x128xf32, #tpu.memory_space<hbm>>) dst(%dma_wait3A_169 : memref<80x128xf32, #tpu.memory_space<vmem>>)
      %rem3A_178 = arith.constant 3 : i32
      %rem3A_179 = arith.remsi %scan3A_147, %rem3A_178 : i32
      %rem3A_180 = arith.constant 4 : i32
      %rem3A_181 = arith.remsi %scan3A_147, %rem3A_180 : i32
      %rem3A_182 = arith.constant 3 : i32
      %rem3A_183 = arith.remsi %scan3A_147, %rem3A_182 : i32
      %dma_start3A_184 = arith.constant 0 : i32
      %dma_start3A_185 = arith.constant 0 : i32
      %dma_start3A_186 = tpu.memref_slice %arg7[%rem3A_179, %dma_start3A_184, %dma_start3A_185] : memref<3x80x128xf32, #tpu.memory_space<vmem>> -> memref<1x80x128xf32, #tpu.memory_space<vmem>>
      %dma_start3A_187 = tpu.memref_squeeze %dma_start3A_186 : memref<1x80x128xf32, #tpu.memory_space<vmem>> -> memref<80x128xf32, #tpu.memory_space<vmem>>
      %dma_start3A_188 = arith.constant 0 : i32
      %dma_start3A_189 = tpu.memref_slice %arg6[%rem3A_181, %dma_start3A_188] : memref<4x80xi32, #tpu.memory_space<vmem>> -> memref<1x80xi32, #tpu.memory_space<vmem>>
      %dma_start3A_190 = tpu.memref_squeeze %dma_start3A_189 : memref<1x80xi32, #tpu.memory_space<vmem>> -> memref<80xi32, #tpu.memory_space<vmem>>
      %dma_start3A_191 = arith.constant 0 : i32
      %dma_start3A_192 = arith.constant 0 : i32
      %dma_start3A_193 = tpu.memref_slice %arg8[%dma_start3A_191, %dma_start3A_192] : memref<10240x128xf32, #tpu.memory_space<vmem_shared>> -> memref<10240x128xf32, #tpu.memory_space<vmem_shared>>
      %dma_start3A_194 = tpu.memref_slice %arg11[%rem3A_183] : memref<3x!tpu.dma_semaphore, #tpu.memory_space<semaphore_mem>> -> memref<1x!tpu.dma_semaphore, #tpu.memory_space<semaphore_mem>>
      %dma_start3A_195 = tpu.memref_squeeze %dma_start3A_194 : memref<1x!tpu.dma_semaphore, #tpu.memory_space<semaphore_mem>> -> memref<!tpu.dma_semaphore, #tpu.memory_space<semaphore_mem>>
      tpu.enqueue_indirect_dma source(%dma_start3A_187 : memref<80x128xf32, #tpu.memory_space<vmem>>) target(%dma_start3A_193 : memref<10240x128xf32, #tpu.memory_space<vmem_shared>>) offsets(%dma_start3A_190 : memref<80xi32, #tpu.memory_space<vmem>>) semaphore(%dma_start3A_195 : memref<!tpu.dma_semaphore, #tpu.memory_space<semaphore_mem>>) {add = true}
      %scan3A_196 = arith.constant 0 : i32
      scf.yield %scan3A_196 : i32
    }
    %scan3A_131 = arith.constant 125 : i32
    %scan3A_132 = arith.constant 0 : i32
    %scan3A_133 = arith.constant 0 : i32
    %scan3A_134 = arith.constant 3 : i32
    %scan3A_135 = arith.addi %scan3A_133, %scan3A_134 : i32
    %scan3A_136 = arith.constant 1 : i32
    %scan3A_137 = scf.for %scan3A_147 = %scan3A_133 to %scan3A_135 step %scan3A_136 iter_args(%scan3A_148 = %scan3A_132) -> (i32)  : i32 {
      %add3A_149 = arith.constant 122 : i32
      %add3A_150 = arith.addi %add3A_149, %scan3A_147 : i32
      %rem3A_151 = arith.constant 3 : i32
      %rem3A_152 = arith.remsi %add3A_150, %rem3A_151 : i32
      %rem3A_153 = arith.constant 4 : i32
      %rem3A_154 = arith.remsi %add3A_150, %rem3A_153 : i32
      %rem3A_155 = arith.constant 3 : i32
      %rem3A_156 = arith.remsi %add3A_150, %rem3A_155 : i32
      %dma_wait3A_157 = arith.constant 0 : i32
      %dma_wait3A_158 = arith.constant 0 : i32
      %dma_wait3A_159 = tpu.memref_slice %arg7[%rem3A_152, %dma_wait3A_157, %dma_wait3A_158] : memref<3x80x128xf32, #tpu.memory_space<vmem>> -> memref<1x80x128xf32, #tpu.memory_space<vmem>>
      %dma_wait3A_160 = tpu.memref_squeeze %dma_wait3A_159 : memref<1x80x128xf32, #tpu.memory_space<vmem>> -> memref<80x128xf32, #tpu.memory_space<vmem>>
      %dma_wait3A_161 = arith.constant 0 : i32
      %dma_wait3A_162 = tpu.memref_slice %arg6[%rem3A_154, %dma_wait3A_161] : memref<4x80xi32, #tpu.memory_space<vmem>> -> memref<1x80xi32, #tpu.memory_space<vmem>>
      %dma_wait3A_163 = tpu.memref_squeeze %dma_wait3A_162 : memref<1x80xi32, #tpu.memory_space<vmem>> -> memref<80xi32, #tpu.memory_space<vmem>>
      %dma_wait3A_164 = arith.constant 0 : i32
      %dma_wait3A_165 = arith.constant 0 : i32
      %dma_wait3A_166 = tpu.memref_slice %arg8[%dma_wait3A_164, %dma_wait3A_165] : memref<10240x128xf32, #tpu.memory_space<vmem_shared>> -> memref<10240x128xf32, #tpu.memory_space<vmem_shared>>
      %dma_wait3A_167 = tpu.memref_slice %arg11[%rem3A_156] : memref<3x!tpu.dma_semaphore, #tpu.memory_space<semaphore_mem>> -> memref<1x!tpu.dma_semaphore, #tpu.memory_space<semaphore_mem>>
      %dma_wait3A_168 = tpu.memref_squeeze %dma_wait3A_167 : memref<1x!tpu.dma_semaphore, #tpu.memory_space<semaphore_mem>> -> memref<!tpu.dma_semaphore, #tpu.memory_space<semaphore_mem>>
      tpu.wait_indirect_dma semaphore(%dma_wait3A_168 : memref<!tpu.dma_semaphore, #tpu.memory_space<semaphore_mem>>) src(%dma_wait3A_160 : memref<80x128xf32, #tpu.memory_space<vmem>>) dst(%dma_wait3A_166 : memref<10240x128xf32, #tpu.memory_space<vmem_shared>>)
      %scan3A_169 = arith.constant 0 : i32
      scf.yield %scan3A_169 : i32
    }
    %scan3A_138 = arith.constant 3 : i32
    %barrier3A_139 = arith.constant 0 : index
    tpu.barrier barrier_id(%barrier3A_139)
    %scan3A_140 = arith.constant 0 : i32
    %scan3A_141 = arith.constant 0 : i32
    %scan3A_142 = arith.constant 5 : i32
    %scan3A_143 = arith.addi %scan3A_141, %scan3A_142 : i32
    %scan3A_144 = arith.constant 1 : i32
    %scan3A_145 = scf.for %scan3A_147 = %scan3A_141 to %scan3A_143 step %scan3A_144 iter_args(%scan3A_148 = %scan3A_140) -> (i32)  : i32 {
      %mul3A_149 = arith.constant 640 : i32
      %mul3A_150 = arith.muli %arg1, %mul3A_149 : i32
      %mul3A_151 = arith.constant 128 : i32
      %mul3A_152 = arith.muli %scan3A_147, %mul3A_151 : i32
      %add3A_153 = arith.addi %mul3A_150, %mul3A_152 : i32
      "tpu.region"() ({
        %run_scoped3A = tpu.sem_alloc : memref<!tpu.dma_semaphore, #tpu.memory_space<semaphore_mem>>
        %dma_start3A_155 = arith.constant 0 : i32
        %dma_start3A_156 = tpu.memref_slice %arg4[%arg0, %add3A_153, %dma_start3A_155] : memref<2x10240x128xf32, #tpu.memory_space<hbm>> -> memref<1x128x128xf32, #tpu.memory_space<hbm>>
        %dma_start3A_157 = tpu.memref_squeeze %dma_start3A_156 : memref<1x128x128xf32, #tpu.memory_space<hbm>> -> memref<128x128xf32, #tpu.memory_space<hbm>>
        %dma_start3A_158 = arith.constant 0 : i32
        %dma_start3A_159 = tpu.memref_slice %arg8[%add3A_153, %dma_start3A_158] : memref<10240x128xf32, #tpu.memory_space<vmem_shared>> -> memref<128x128xf32, #tpu.memory_space<vmem_shared>>
        tpu.enqueue_dma source(%dma_start3A_159 : memref<128x128xf32, #tpu.memory_space<vmem_shared>>) target(%dma_start3A_157 : memref<128x128xf32, #tpu.memory_space<hbm>>) target_semaphore(%run_scoped3A : memref<!tpu.dma_semaphore, #tpu.memory_space<semaphore_mem>>)
        %dma_wait3A_160 = arith.constant 0 : i32
        %dma_wait3A_161 = tpu.memref_slice %arg4[%arg0, %add3A_153, %dma_wait3A_160] : memref<2x10240x128xf32, #tpu.memory_space<hbm>> -> memref<1x128x128xf32, #tpu.memory_space<hbm>>
        %dma_wait3A_162 = tpu.memref_squeeze %dma_wait3A_161 : memref<1x128x128xf32, #tpu.memory_space<hbm>> -> memref<128x128xf32, #tpu.memory_space<hbm>>
        %dma_wait3A_163 = arith.constant 0 : i32
        %dma_wait3A_164 = tpu.memref_slice %arg8[%add3A_153, %dma_wait3A_163] : memref<10240x128xf32, #tpu.memory_space<vmem_shared>> -> memref<128x128xf32, #tpu.memory_space<vmem_shared>>
        tpu.wait_dma2 semaphore(%run_scoped3A : memref<!tpu.dma_semaphore, #tpu.memory_space<semaphore_mem>>) src(%dma_wait3A_164 : memref<128x128xf32, #tpu.memory_space<vmem_shared>>) dst(%dma_wait3A_162 : memref<128x128xf32, #tpu.memory_space<hbm>>)
        tpu.yield
      }) : () -> ()
      %scan3A_154 = arith.constant 0 : i32
      scf.yield %scan3A_154 : i32
    }
    %scan3A_146 = arith.constant 5 : i32
    return
  }
}

#map = affine_map<(d0, d1) -> (0, 0)>
#map1 = affine_map<(d0, d1) -> (0)>
#map2 = affine_map<(d0, d1) -> (0, 0, 0)>
module attributes {stable_mosaic.version = 14 : i64} {
  func.func @spmm(%arg0: i32, %arg1: i32, %arg2: memref<10000x128xf32, #tpu.memory_space<hbm>>, %arg3: memref<640000xi32, #tpu.memory_space<hbm>>, %arg4: memref<2x10240x128xf32, #tpu.memory_space<hbm>>, %arg5: memref<4x80xi32, #tpu.memory_space<vmem>>, %arg6: memref<4x80xi32, #tpu.memory_space<vmem>>, %arg7: memref<3x80x128xf32, #tpu.memory_space<vmem>>, %arg8: memref<10240x128xf32, #tpu.memory_space<vmem_shared>>, %arg9: memref<4x!tpu.dma_semaphore, #tpu.memory_space<semaphore_mem>>, %arg10: memref<3x!tpu.dma_semaphore, #tpu.memory_space<semaphore_mem>>, %arg11: memref<3x!tpu.dma_semaphore, #tpu.memory_space<semaphore_mem>>) attributes {dimension_semantics = [#tpu.dimension_semantics<core_parallel>, #tpu.dimension_semantics<subcore_parallel>], iteration_bounds = array<i64: 2, 16>, scalar_prefetch = 0 : i64, scratch_operands = 7 : i64, tpu.core_type = #tpu.core_type<sc_vector_subcore>, window_params = [{transform_indices = #map}, {transform_indices = #map1}, {transform_indices = #map2}]} {
    %mul3A = arith.constant 16 : i32
    %mul3A_0 = arith.muli %arg0, %mul3A : i32
    %add3A = arith.addi %mul3A_0, %arg1 : i32
    %rem3A = arith.constant 0 : i32
    %rem3A_1 = arith.constant 4 : i32
    %rem3A_2 = arith.remsi %rem3A, %rem3A_1 : i32
    %mul3A_3 = arith.constant 125 : i32
    %mul3A_4 = arith.muli %add3A, %mul3A_3 : i32
    %add3A_5 = arith.constant 0 : i32
    %add3A_6 = arith.addi %mul3A_4, %add3A_5 : i32
    %mul3A_7 = arith.constant 80 : i32
    %mul3A_8 = arith.muli %add3A_6, %mul3A_7 : i32
    %dma_start3A = arith.constant 0 : i32
    %dma_start3A_9 = tpu.memref_slice %arg5[%rem3A_2, %dma_start3A] : memref<4x80xi32, #tpu.memory_space<vmem>> -> memref<1x80xi32, #tpu.memory_space<vmem>>
    %dma_start3A_10 = tpu.memref_squeeze %dma_start3A_9 : memref<1x80xi32, #tpu.memory_space<vmem>> -> memref<80xi32, #tpu.memory_space<vmem>>
    %dma_start3A_11 = tpu.memref_slice %arg3[%mul3A_8] : memref<640000xi32, #tpu.memory_space<hbm>> -> memref<80xi32, #tpu.memory_space<hbm>>
    %dma_start3A_12 = tpu.memref_slice %arg9[%rem3A_2] : memref<4x!tpu.dma_semaphore, #tpu.memory_space<semaphore_mem>> -> memref<1x!tpu.dma_semaphore, #tpu.memory_space<semaphore_mem>>
    %dma_start3A_13 = tpu.memref_squeeze %dma_start3A_12 : memref<1x!tpu.dma_semaphore, #tpu.memory_space<semaphore_mem>> -> memref<!tpu.dma_semaphore, #tpu.memory_space<semaphore_mem>>
    %dma_start3A_14 = arith.constant 0 : i32
    %dma_start3A_15 = tpu.memref_slice %arg5[%rem3A_2, %dma_start3A_14] : memref<4x80xi32, #tpu.memory_space<vmem>> -> memref<1x80xi32, #tpu.memory_space<vmem>>
    %dma_start3A_16 = tpu.memref_squeeze %dma_start3A_15 : memref<1x80xi32, #tpu.memory_space<vmem>> -> memref<80xi32, #tpu.memory_space<vmem>>
    %dma_start3A_17 = tpu.memref_slice %arg3[%mul3A_8] : memref<640000xi32, #tpu.memory_space<hbm>> -> memref<80xi32, #tpu.memory_space<hbm>>
    tpu.enqueue_dma source(%dma_start3A_17 : memref<80xi32, #tpu.memory_space<hbm>>) target(%dma_start3A_16 : memref<80xi32, #tpu.memory_space<vmem>>) target_semaphore(%dma_start3A_13 : memref<!tpu.dma_semaphore, #tpu.memory_space<semaphore_mem>>)
    %add3A_18 = arith.constant 320000 : i32
    %add3A_19 = arith.addi %add3A_18, %mul3A_8 : i32
    %dma_start3A_20 = arith.constant 0 : i32
    %dma_start3A_21 = tpu.memref_slice %arg6[%rem3A_2, %dma_start3A_20] : memref<4x80xi32, #tpu.memory_space<vmem>> -> memref<1x80xi32, #tpu.memory_space<vmem>>
    %dma_start3A_22 = tpu.memref_squeeze %dma_start3A_21 : memref<1x80xi32, #tpu.memory_space<vmem>> -> memref<80xi32, #tpu.memory_space<vmem>>
    %dma_start3A_23 = tpu.memref_slice %arg3[%add3A_19] : memref<640000xi32, #tpu.memory_space<hbm>> -> memref<80xi32, #tpu.memory_space<hbm>>
    %dma_start3A_24 = tpu.memref_slice %arg9[%rem3A_2] : memref<4x!tpu.dma_semaphore, #tpu.memory_space<semaphore_mem>> -> memref<1x!tpu.dma_semaphore, #tpu.memory_space<semaphore_mem>>
    %dma_start3A_25 = tpu.memref_squeeze %dma_start3A_24 : memref<1x!tpu.dma_semaphore, #tpu.memory_space<semaphore_mem>> -> memref<!tpu.dma_semaphore, #tpu.memory_space<semaphore_mem>>
    %dma_start3A_26 = arith.constant 0 : i32
    %dma_start3A_27 = tpu.memref_slice %arg6[%rem3A_2, %dma_start3A_26] : memref<4x80xi32, #tpu.memory_space<vmem>> -> memref<1x80xi32, #tpu.memory_space<vmem>>
    %dma_start3A_28 = tpu.memref_squeeze %dma_start3A_27 : memref<1x80xi32, #tpu.memory_space<vmem>> -> memref<80xi32, #tpu.memory_space<vmem>>
    %dma_start3A_29 = tpu.memref_slice %arg3[%add3A_19] : memref<640000xi32, #tpu.memory_space<hbm>> -> memref<80xi32, #tpu.memory_space<hbm>>
    tpu.enqueue_dma source(%dma_start3A_29 : memref<80xi32, #tpu.memory_space<hbm>>) target(%dma_start3A_28 : memref<80xi32, #tpu.memory_space<vmem>>) target_semaphore(%dma_start3A_25 : memref<!tpu.dma_semaphore, #tpu.memory_space<semaphore_mem>>)
    %rem3A_30 = arith.constant 1 : i32
    %rem3A_31 = arith.constant 4 : i32
    %rem3A_32 = arith.remsi %rem3A_30, %rem3A_31 : i32
    %mul3A_33 = arith.constant 125 : i32
    %mul3A_34 = arith.muli %add3A, %mul3A_33 : i32
    %add3A_35 = arith.constant 1 : i32
    %add3A_36 = arith.addi %mul3A_34, %add3A_35 : i32
    %mul3A_37 = arith.constant 80 : i32
    %mul3A_38 = arith.muli %add3A_36, %mul3A_37 : i32
    %dma_start3A_39 = arith.constant 0 : i32
    %dma_start3A_40 = tpu.memref_slice %arg5[%rem3A_32, %dma_start3A_39] : memref<4x80xi32, #tpu.memory_space<vmem>> -> memref<1x80xi32, #tpu.memory_space<vmem>>
    %dma_start3A_41 = tpu.memref_squeeze %dma_start3A_40 : memref<1x80xi32, #tpu.memory_space<vmem>> -> memref<80xi32, #tpu.memory_space<vmem>>
    %dma_start3A_42 = tpu.memref_slice %arg3[%mul3A_38] : memref<640000xi32, #tpu.memory_space<hbm>> -> memref<80xi32, #tpu.memory_space<hbm>>
    %dma_start3A_43 = tpu.memref_slice %arg9[%rem3A_32] : memref<4x!tpu.dma_semaphore, #tpu.memory_space<semaphore_mem>> -> memref<1x!tpu.dma_semaphore, #tpu.memory_space<semaphore_mem>>
    %dma_start3A_44 = tpu.memref_squeeze %dma_start3A_43 : memref<1x!tpu.dma_semaphore, #tpu.memory_space<semaphore_mem>> -> memref<!tpu.dma_semaphore, #tpu.memory_space<semaphore_mem>>
    %dma_start3A_45 = arith.constant 0 : i32
    %dma_start3A_46 = tpu.memref_slice %arg5[%rem3A_32, %dma_start3A_45] : memref<4x80xi32, #tpu.memory_space<vmem>> -> memref<1x80xi32, #tpu.memory_space<vmem>>
    %dma_start3A_47 = tpu.memref_squeeze %dma_start3A_46 : memref<1x80xi32, #tpu.memory_space<vmem>> -> memref<80xi32, #tpu.memory_space<vmem>>
    %dma_start3A_48 = tpu.memref_slice %arg3[%mul3A_38] : memref<640000xi32, #tpu.memory_space<hbm>> -> memref<80xi32, #tpu.memory_space<hbm>>
    tpu.enqueue_dma source(%dma_start3A_48 : memref<80xi32, #tpu.memory_space<hbm>>) target(%dma_start3A_47 : memref<80xi32, #tpu.memory_space<vmem>>) target_semaphore(%dma_start3A_44 : memref<!tpu.dma_semaphore, #tpu.memory_space<semaphore_mem>>)
    %add3A_49 = arith.constant 320000 : i32
    %add3A_50 = arith.addi %add3A_49, %mul3A_38 : i32
    %dma_start3A_51 = arith.constant 0 : i32
    %dma_start3A_52 = tpu.memref_slice %arg6[%rem3A_32, %dma_start3A_51] : memref<4x80xi32, #tpu.memory_space<vmem>> -> memref<1x80xi32, #tpu.memory_space<vmem>>
    %dma_start3A_53 = tpu.memref_squeeze %dma_start3A_52 : memref<1x80xi32, #tpu.memory_space<vmem>> -> memref<80xi32, #tpu.memory_space<vmem>>
    %dma_start3A_54 = tpu.memref_slice %arg3[%add3A_50] : memref<640000xi32, #tpu.memory_space<hbm>> -> memref<80xi32, #tpu.memory_space<hbm>>
    %dma_start3A_55 = tpu.memref_slice %arg9[%rem3A_32] : memref<4x!tpu.dma_semaphore, #tpu.memory_space<semaphore_mem>> -> memref<1x!tpu.dma_semaphore, #tpu.memory_space<semaphore_mem>>
    %dma_start3A_56 = tpu.memref_squeeze %dma_start3A_55 : memref<1x!tpu.dma_semaphore, #tpu.memory_space<semaphore_mem>> -> memref<!tpu.dma_semaphore, #tpu.memory_space<semaphore_mem>>
    %dma_start3A_57 = arith.constant 0 : i32
    %dma_start3A_58 = tpu.memref_slice %arg6[%rem3A_32, %dma_start3A_57] : memref<4x80xi32, #tpu.memory_space<vmem>> -> memref<1x80xi32, #tpu.memory_space<vmem>>
    %dma_start3A_59 = tpu.memref_squeeze %dma_start3A_58 : memref<1x80xi32, #tpu.memory_space<vmem>> -> memref<80xi32, #tpu.memory_space<vmem>>
    %dma_start3A_60 = tpu.memref_slice %arg3[%add3A_50] : memref<640000xi32, #tpu.memory_space<hbm>> -> memref<80xi32, #tpu.memory_space<hbm>>
    tpu.enqueue_dma source(%dma_start3A_60 : memref<80xi32, #tpu.memory_space<hbm>>) target(%dma_start3A_59 : memref<80xi32, #tpu.memory_space<vmem>>) target_semaphore(%dma_start3A_56 : memref<!tpu.dma_semaphore, #tpu.memory_space<semaphore_mem>>)
    %rem3A_61 = arith.constant 0 : i32
    %rem3A_62 = arith.constant 4 : i32
    %rem3A_63 = arith.remsi %rem3A_61, %rem3A_62 : i32
    %mul3A_64 = arith.constant 125 : i32
    %mul3A_65 = arith.muli %add3A, %mul3A_64 : i32
    %add3A_66 = arith.constant 0 : i32
    %add3A_67 = arith.addi %mul3A_65, %add3A_66 : i32
    %mul3A_68 = arith.constant 80 : i32
    %mul3A_69 = arith.muli %add3A_67, %mul3A_68 : i32
    %dma_wait3A = arith.constant 0 : i32
    %dma_wait3A_70 = tpu.memref_slice %arg5[%rem3A_63, %dma_wait3A] : memref<4x80xi32, #tpu.memory_space<vmem>> -> memref<1x80xi32, #tpu.memory_space<vmem>>
    %dma_wait3A_71 = tpu.memref_squeeze %dma_wait3A_70 : memref<1x80xi32, #tpu.memory_space<vmem>> -> memref<80xi32, #tpu.memory_space<vmem>>
    %dma_wait3A_72 = tpu.memref_slice %arg3[%mul3A_69] : memref<640000xi32, #tpu.memory_space<hbm>> -> memref<80xi32, #tpu.memory_space<hbm>>
    %dma_wait3A_73 = tpu.memref_slice %arg9[%rem3A_63] : memref<4x!tpu.dma_semaphore, #tpu.memory_space<semaphore_mem>> -> memref<1x!tpu.dma_semaphore, #tpu.memory_space<semaphore_mem>>
    %dma_wait3A_74 = tpu.memref_squeeze %dma_wait3A_73 : memref<1x!tpu.dma_semaphore, #tpu.memory_space<semaphore_mem>> -> memref<!tpu.dma_semaphore, #tpu.memory_space<semaphore_mem>>
    %dma_wait3A_75 = arith.constant 0 : i32
    %dma_wait3A_76 = tpu.memref_slice %arg5[%rem3A_63, %dma_wait3A_75] : memref<4x80xi32, #tpu.memory_space<vmem>> -> memref<1x80xi32, #tpu.memory_space<vmem>>
    %dma_wait3A_77 = tpu.memref_squeeze %dma_wait3A_76 : memref<1x80xi32, #tpu.memory_space<vmem>> -> memref<80xi32, #tpu.memory_space<vmem>>
    %dma_wait3A_78 = tpu.memref_slice %arg3[%mul3A_69] : memref<640000xi32, #tpu.memory_space<hbm>> -> memref<80xi32, #tpu.memory_space<hbm>>
    tpu.wait_dma2 semaphore(%dma_wait3A_74 : memref<!tpu.dma_semaphore, #tpu.memory_space<semaphore_mem>>) src(%dma_wait3A_78 : memref<80xi32, #tpu.memory_space<hbm>>) dst(%dma_wait3A_77 : memref<80xi32, #tpu.memory_space<vmem>>)
    %add3A_79 = arith.constant 320000 : i32
    %add3A_80 = arith.addi %add3A_79, %mul3A_69 : i32
    %dma_wait3A_81 = arith.constant 0 : i32
    %dma_wait3A_82 = tpu.memref_slice %arg6[%rem3A_63, %dma_wait3A_81] : memref<4x80xi32, #tpu.memory_space<vmem>> -> memref<1x80xi32, #tpu.memory_space<vmem>>
    %dma_wait3A_83 = tpu.memref_squeeze %dma_wait3A_82 : memref<1x80xi32, #tpu.memory_space<vmem>> -> memref<80xi32, #tpu.memory_space<vmem>>
    %dma_wait3A_84 = tpu.memref_slice %arg3[%add3A_80] : memref<640000xi32, #tpu.memory_space<hbm>> -> memref<80xi32, #tpu.memory_space<hbm>>
    %dma_wait3A_85 = tpu.memref_slice %arg9[%rem3A_63] : memref<4x!tpu.dma_semaphore, #tpu.memory_space<semaphore_mem>> -> memref<1x!tpu.dma_semaphore, #tpu.memory_space<semaphore_mem>>
    %dma_wait3A_86 = tpu.memref_squeeze %dma_wait3A_85 : memref<1x!tpu.dma_semaphore, #tpu.memory_space<semaphore_mem>> -> memref<!tpu.dma_semaphore, #tpu.memory_space<semaphore_mem>>
    %dma_wait3A_87 = arith.constant 0 : i32
    %dma_wait3A_88 = tpu.memref_slice %arg6[%rem3A_63, %dma_wait3A_87] : memref<4x80xi32, #tpu.memory_space<vmem>> -> memref<1x80xi32, #tpu.memory_space<vmem>>
    %dma_wait3A_89 = tpu.memref_squeeze %dma_wait3A_88 : memref<1x80xi32, #tpu.memory_space<vmem>> -> memref<80xi32, #tpu.memory_space<vmem>>
    %dma_wait3A_90 = tpu.memref_slice %arg3[%add3A_80] : memref<640000xi32, #tpu.memory_space<hbm>> -> memref<80xi32, #tpu.memory_space<hbm>>
    tpu.wait_dma2 semaphore(%dma_wait3A_86 : memref<!tpu.dma_semaphore, #tpu.memory_space<semaphore_mem>>) src(%dma_wait3A_90 : memref<80xi32, #tpu.memory_space<hbm>>) dst(%dma_wait3A_89 : memref<80xi32, #tpu.memory_space<vmem>>)
    %rem3A_91 = arith.constant 0 : i32
    %rem3A_92 = arith.constant 4 : i32
    %rem3A_93 = arith.remsi %rem3A_91, %rem3A_92 : i32
    %rem3A_94 = arith.constant 0 : i32
    %rem3A_95 = arith.constant 3 : i32
    %rem3A_96 = arith.remsi %rem3A_94, %rem3A_95 : i32
    %rem3A_97 = arith.constant 0 : i32
    %rem3A_98 = arith.constant 3 : i32
    %rem3A_99 = arith.remsi %rem3A_97, %rem3A_98 : i32
    %dma_start3A_100 = arith.constant 0 : i32
    %dma_start3A_101 = arith.constant 0 : i32
    %dma_start3A_102 = tpu.memref_slice %arg7[%rem3A_96, %dma_start3A_100, %dma_start3A_101] : memref<3x80x128xf32, #tpu.memory_space<vmem>> -> memref<1x80x128xf32, #tpu.memory_space<vmem>>
    %dma_start3A_103 = tpu.memref_squeeze %dma_start3A_102 : memref<1x80x128xf32, #tpu.memory_space<vmem>> -> memref<80x128xf32, #tpu.memory_space<vmem>>
    %dma_start3A_104 = arith.constant 0 : i32
    %dma_start3A_105 = tpu.memref_slice %arg5[%rem3A_93, %dma_start3A_104] : memref<4x80xi32, #tpu.memory_space<vmem>> -> memref<1x80xi32, #tpu.memory_space<vmem>>
    %dma_start3A_106 = tpu.memref_squeeze %dma_start3A_105 : memref<1x80xi32, #tpu.memory_space<vmem>> -> memref<80xi32, #tpu.memory_space<vmem>>
    %dma_start3A_107 = arith.constant 0 : i32
    %dma_start3A_108 = arith.constant 0 : i32
    %dma_start3A_109 = tpu.memref_slice %arg2[%dma_start3A_107, %dma_start3A_108] : memref<10000x128xf32, #tpu.memory_space<hbm>> -> memref<10000x128xf32, #tpu.memory_space<hbm>>
    %dma_start3A_110 = tpu.memref_slice %arg10[%rem3A_99] : memref<3x!tpu.dma_semaphore, #tpu.memory_space<semaphore_mem>> -> memref<1x!tpu.dma_semaphore, #tpu.memory_space<semaphore_mem>>
    %dma_start3A_111 = tpu.memref_squeeze %dma_start3A_110 : memref<1x!tpu.dma_semaphore, #tpu.memory_space<semaphore_mem>> -> memref<!tpu.dma_semaphore, #tpu.memory_space<semaphore_mem>>
    tpu.enqueue_indirect_dma source(%dma_start3A_109 : memref<10000x128xf32, #tpu.memory_space<hbm>>) target(%dma_start3A_103 : memref<80x128xf32, #tpu.memory_space<vmem>>) offsets(%dma_start3A_106 : memref<80xi32, #tpu.memory_space<vmem>>) semaphore(%dma_start3A_111 : memref<!tpu.dma_semaphore, #tpu.memory_space<semaphore_mem>>)
    %scan3A = arith.constant 0 : i32
    %scan3A_112 = arith.constant 0 : i32
    %scan3A_113 = arith.constant 80 : i32
    %scan3A_114 = arith.addi %scan3A_112, %scan3A_113 : i32
    %scan3A_115 = arith.constant 1 : i32
    %scan3A_116 = scf.for %scan3A_147 = %scan3A_112 to %scan3A_114 step %scan3A_115 iter_args(%scan3A_148 = %scan3A) -> (i32)  : i32 {
      %scan3A_149 = arith.constant 0 : i32
      %scan3A_150 = arith.constant 0 : i32
      %scan3A_151 = arith.constant 8 : i32
      %scan3A_152 = arith.addi %scan3A_150, %scan3A_151 : i32
      %scan3A_153 = arith.constant 1 : i32
      %scan3A_154 = scf.for %scan3A_156 = %scan3A_150 to %scan3A_152 step %scan3A_153 iter_args(%scan3A_157 = %scan3A_149) -> (i32)  : i32 {
        %broadcast_in_dim3A = arith.constant 0.000000e+00 : f32
        %broadcast_in_dim3A_158 = vector.broadcast %broadcast_in_dim3A : f32 to vector<16xf32>
        %mul3A_159 = arith.constant 16 : i32
        %mul3A_160 = arith.muli %scan3A_156, %mul3A_159 : i32
        %swap3A = arith.constant 2 : i32
        %swap3A_161 = arith.index_cast %swap3A : i32 to index
        %swap3A_162 = arith.index_cast %scan3A_147 : i32 to index
        %swap3A_163 = arith.index_cast %mul3A_160 : i32 to index
        %swap3A_164 = tpu.vector_load %arg7[%swap3A_161, %swap3A_162, %swap3A_163] {strides = array<i32>} : memref<3x80x128xf32, #tpu.memory_space<vmem>>, vector<1x1x16xf32>,
        %swap3A_165 = vector.shape_cast %swap3A_164 : vector<1x1x16xf32> to vector<16xf32>
        %swap3A_166 = vector.shape_cast %broadcast_in_dim3A_158 : vector<16xf32> to vector<1x1x16xf32>
        tpu.vector_store %arg7[%swap3A_161, %swap3A_162, %swap3A_163], %swap3A_166 {strides = array<i32>} : memref<3x80x128xf32, #tpu.memory_space<vmem>>, vector<1x1x16xf32>,
        %scan3A_167 = arith.constant 0 : i32
        scf.yield %scan3A_167 : i32
      }
      %scan3A_155 = arith.constant 8 : i32
      scf.yield %scan3A_154 : i32
    }
    %scan3A_117 = arith.constant 80 : i32
    %scan3A_118 = arith.constant 0 : i32
    %scan3A_119 = arith.constant 0 : i32
    %scan3A_120 = arith.constant 8 : i32
    %scan3A_121 = arith.addi %scan3A_119, %scan3A_120 : i32
    %scan3A_122 = arith.constant 1 : i32
    %scan3A_123 = scf.for %scan3A_147 = %scan3A_119 to %scan3A_121 step %scan3A_122 iter_args(%scan3A_148 = %scan3A_118) -> (i32)  : i32 {
      %mul3A_149 = arith.constant 640 : i32
      %mul3A_150 = arith.muli %arg1, %mul3A_149 : i32
      %mul3A_151 = arith.constant 80 : i32
      %mul3A_152 = arith.muli %scan3A_147, %mul3A_151 : i32
      %add3A_153 = arith.addi %mul3A_150, %mul3A_152 : i32
      %run_scoped3A = arith.constant 2 : i32
      "tpu.region"() ({
        %run_scoped3A_155 = tpu.sem_alloc : memref<!tpu.dma_semaphore, #tpu.memory_space<semaphore_mem>>
        %dma_start3A_156 = arith.constant 0 : i32
        %dma_start3A_157 = arith.constant 0 : i32
        %dma_start3A_158 = tpu.memref_slice %arg7[%run_scoped3A, %dma_start3A_156, %dma_start3A_157] : memref<3x80x128xf32, #tpu.memory_space<vmem>> -> memref<1x80x128xf32, #tpu.memory_space<vmem>>
        %dma_start3A_159 = tpu.memref_squeeze %dma_start3A_158 : memref<1x80x128xf32, #tpu.memory_space<vmem>> -> memref<80x128xf32, #tpu.memory_space<vmem>>
        %dma_start3A_160 = arith.constant 0 : i32
        %dma_start3A_161 = tpu.memref_slice %arg8[%add3A_153, %dma_start3A_160] : memref<10240x128xf32, #tpu.memory_space<vmem_shared>> -> memref<80x128xf32, #tpu.memory_space<vmem_shared>>
        %dma_start3A_162 = arith.constant 0 : i32
        %dma_start3A_163 = tpu.memref_slice %arg8[%add3A_153, %dma_start3A_162] : memref<10240x128xf32, #tpu.memory_space<vmem_shared>> -> memref<80x128xf32, #tpu.memory_space<vmem_shared>>
        %dma_start3A_164 = arith.constant 0 : i32
        %dma_start3A_165 = arith.constant 0 : i32
        %dma_start3A_166 = tpu.memref_slice %arg7[%run_scoped3A, %dma_start3A_164, %dma_start3A_165] : memref<3x80x128xf32, #tpu.memory_space<vmem>> -> memref<1x80x128xf32, #tpu.memory_space<vmem>>
        %dma_start3A_167 = tpu.memref_squeeze %dma_start3A_166 : memref<1x80x128xf32, #tpu.memory_space<vmem>> -> memref<80x128xf32, #tpu.memory_space<vmem>>
        tpu.enqueue_dma source(%dma_start3A_167 : memref<80x128xf32, #tpu.memory_space<vmem>>) target(%dma_start3A_163 : memref<80x128xf32, #tpu.memory_space<vmem_shared>>) target_semaphore(%run_scoped3A_155 : memref<!tpu.dma_semaphore, #tpu.memory_space<semaphore_mem>>)
        %dma_wait3A_168 = arith.constant 0 : i32
        %dma_wait3A_169 = arith.constant 0 : i32
        %dma_wait3A_170 = tpu.memref_slice %arg7[%run_scoped3A, %dma_wait3A_168, %dma_wait3A_169] : memref<3x80x128xf32, #tpu.memory_space<vmem>> -> memref<1x80x128xf32, #tpu.memory_space<vmem>>
        %dma_wait3A_171 = tpu.memref_squeeze %dma_wait3A_170 : memref<1x80x128xf32, #tpu.memory_space<vmem>> -> memref<80x128xf32, #tpu.memory_space<vmem>>
        %dma_wait3A_172 = arith.constant 0 : i32
        %dma_wait3A_173 = tpu.memref_slice %arg8[%add3A_153, %dma_wait3A_172] : memref<10240x128xf32, #tpu.memory_space<vmem_shared>> -> memref<80x128xf32, #tpu.memory_space<vmem_shared>>
        %dma_wait3A_174 = arith.constant 0 : i32
        %dma_wait3A_175 = tpu.memref_slice %arg8[%add3A_153, %dma_wait3A_174] : memref<10240x128xf32, #tpu.memory_space<vmem_shared>> -> memref<80x128xf32, #tpu.memory_space<vmem_shared>>
        %dma_wait3A_176 = arith.constant 0 : i32
        %dma_wait3A_177 = arith.constant 0 : i32
        %dma_wait3A_178 = tpu.memref_slice %arg7[%run_scoped3A, %dma_wait3A_176, %dma_wait3A_177] : memref<3x80x128xf32, #tpu.memory_space<vmem>> -> memref<1x80x128xf32, #tpu.memory_space<vmem>>
        %dma_wait3A_179 = tpu.memref_squeeze %dma_wait3A_178 : memref<1x80x128xf32, #tpu.memory_space<vmem>> -> memref<80x128xf32, #tpu.memory_space<vmem>>
        tpu.wait_dma2 semaphore(%run_scoped3A_155 : memref<!tpu.dma_semaphore, #tpu.memory_space<semaphore_mem>>) src(%dma_wait3A_179 : memref<80x128xf32, #tpu.memory_space<vmem>>) dst(%dma_wait3A_175 : memref<80x128xf32, #tpu.memory_space<vmem_shared>>)
        tpu.yield
      }) : () -> ()
      %scan3A_154 = arith.constant 0 : i32
      scf.yield %scan3A_154 : i32
    }
    %scan3A_124 = arith.constant 8 : i32
    %barrier3A = arith.constant 0 : index
    tpu.barrier barrier_id(%barrier3A)
    %scan3A_125 = arith.constant 0 : i32
    %scan3A_126 = arith.constant 0 : i32
    %scan3A_127 = arith.constant 125 : i32
    %scan3A_128 = arith.addi %scan3A_126, %scan3A_127 : i32
    %scan3A_129 = arith.constant 1 : i32
    %scan3A_130 = scf.for %scan3A_147 = %scan3A_126 to %scan3A_128 step %scan3A_129 iter_args(%scan3A_148 = %scan3A_125) -> (i32)  : i32 {
      %add3A_149 = arith.constant 2 : i32
      %add3A_150 = arith.addi %scan3A_147, %add3A_149 : i32
      %lt3A = arith.constant 125 : i32
      %lt3A_151 = arith.cmpi slt, %add3A_150, %lt3A : i32
      %convert_element_type3A = arith.extui %lt3A_151 : i1 to i32
      %cond3A = arith.constant 0 : i32
      %cond3A_152 = arith.cmpi ne, %convert_element_type3A, %cond3A : i32
      scf.if %cond3A_152 {
        %rem3A_197 = arith.constant 4 : i32
        %rem3A_198 = arith.remsi %add3A_150, %rem3A_197 : i32
        %mul3A_199 = arith.constant 125 : i32
        %mul3A_200 = arith.muli %add3A, %mul3A_199 : i32
        %add3A_201 = arith.addi %mul3A_200, %add3A_150 : i32
        %mul3A_202 = arith.constant 80 : i32
        %mul3A_203 = arith.muli %add3A_201, %mul3A_202 : i32
        %dma_start3A_204 = arith.constant 0 : i32
        %dma_start3A_205 = tpu.memref_slice %arg5[%rem3A_198, %dma_start3A_204] : memref<4x80xi32, #tpu.memory_space<vmem>> -> memref<1x80xi32, #tpu.memory_space<vmem>>
        %dma_start3A_206 = tpu.memref_squeeze %dma_start3A_205 : memref<1x80xi32, #tpu.memory_space<vmem>> -> memref<80xi32, #tpu.memory_space<vmem>>
        %dma_start3A_207 = tpu.memref_slice %arg3[%mul3A_203] : memref<640000xi32, #tpu.memory_space<hbm>> -> memref<80xi32, #tpu.memory_space<hbm>>
        %dma_start3A_208 = tpu.memref_slice %arg9[%rem3A_198] : memref<4x!tpu.dma_semaphore, #tpu.memory_space<semaphore_mem>> -> memref<1x!tpu.dma_semaphore, #tpu.memory_space<semaphore_mem>>
        %dma_start3A_209 = tpu.memref_squeeze %dma_start3A_208 : memref<1x!tpu.dma_semaphore, #tpu.memory_space<semaphore_mem>> -> memref<!tpu.dma_semaphore, #tpu.memory_space<semaphore_mem>>
        %dma_start3A_210 = arith.constant 0 : i32
        %dma_start3A_211 = tpu.memref_slice %arg5[%rem3A_198, %dma_start3A_210] : memref<4x80xi32, #tpu.memory_space<vmem>> -> memref<1x80xi32, #tpu.memory_space<vmem>>
        %dma_start3A_212 = tpu.memref_squeeze %dma_start3A_211 : memref<1x80xi32, #tpu.memory_space<vmem>> -> memref<80xi32, #tpu.memory_space<vmem>>
        %dma_start3A_213 = tpu.memref_slice %arg3[%mul3A_203] : memref<640000xi32, #tpu.memory_space<hbm>> -> memref<80xi32, #tpu.memory_space<hbm>>
        tpu.enqueue_dma source(%dma_start3A_213 : memref<80xi32, #tpu.memory_space<hbm>>) target(%dma_start3A_212 : memref<80xi32, #tpu.memory_space<vmem>>) target_semaphore(%dma_start3A_209 : memref<!tpu.dma_semaphore, #tpu.memory_space<semaphore_mem>>)
        %add3A_214 = arith.constant 320000 : i32
        %add3A_215 = arith.addi %add3A_214, %mul3A_203 : i32
        %dma_start3A_216 = arith.constant 0 : i32
        %dma_start3A_217 = tpu.memref_slice %arg6[%rem3A_198, %dma_start3A_216] : memref<4x80xi32, #tpu.memory_space<vmem>> -> memref<1x80xi32, #tpu.memory_space<vmem>>
        %dma_start3A_218 = tpu.memref_squeeze %dma_start3A_217 : memref<1x80xi32, #tpu.memory_space<vmem>> -> memref<80xi32, #tpu.memory_space<vmem>>
        %dma_start3A_219 = tpu.memref_slice %arg3[%add3A_215] : memref<640000xi32, #tpu.memory_space<hbm>> -> memref<80xi32, #tpu.memory_space<hbm>>
        %dma_start3A_220 = tpu.memref_slice %arg9[%rem3A_198] : memref<4x!tpu.dma_semaphore, #tpu.memory_space<semaphore_mem>> -> memref<1x!tpu.dma_semaphore, #tpu.memory_space<semaphore_mem>>
        %dma_start3A_221 = tpu.memref_squeeze %dma_start3A_220 : memref<1x!tpu.dma_semaphore, #tpu.memory_space<semaphore_mem>> -> memref<!tpu.dma_semaphore, #tpu.memory_space<semaphore_mem>>
        %dma_start3A_222 = arith.constant 0 : i32
        %dma_start3A_223 = tpu.memref_slice %arg6[%rem3A_198, %dma_start3A_222] : memref<4x80xi32, #tpu.memory_space<vmem>> -> memref<1x80xi32, #tpu.memory_space<vmem>>
        %dma_start3A_224 = tpu.memref_squeeze %dma_start3A_223 : memref<1x80xi32, #tpu.memory_space<vmem>> -> memref<80xi32, #tpu.memory_space<vmem>>
        %dma_start3A_225 = tpu.memref_slice %arg3[%add3A_215] : memref<640000xi32, #tpu.memory_space<hbm>> -> memref<80xi32, #tpu.memory_space<hbm>>
        tpu.enqueue_dma source(%dma_start3A_225 : memref<80xi32, #tpu.memory_space<hbm>>) target(%dma_start3A_224 : memref<80xi32, #tpu.memory_space<vmem>>) target_semaphore(%dma_start3A_221 : memref<!tpu.dma_semaphore, #tpu.memory_space<semaphore_mem>>)
      } else {
      }
      %add3A_153 = arith.constant 1 : i32
      %add3A_154 = arith.addi %scan3A_147, %add3A_153 : i32
      %lt3A_155 = arith.constant 125 : i32
      %lt3A_156 = arith.cmpi slt, %add3A_154, %lt3A_155 : i32
      %convert_element_type3A_157 = arith.extui %lt3A_156 : i1 to i32
      %cond3A_158 = arith.constant 0 : i32
      %cond3A_159 = arith.cmpi ne, %convert_element_type3A_157, %cond3A_158 : i32
      scf.if %cond3A_159 {
        %ge3A = arith.constant 3 : i32
        %ge3A_197 = arith.cmpi sge, %add3A_154, %ge3A : i32
        %convert_element_type3A_198 = arith.extui %ge3A_197 : i1 to i32
        %cond3A_199 = arith.constant 0 : i32
        %cond3A_200 = arith.cmpi ne, %convert_element_type3A_198, %cond3A_199 : i32
        scf.if %cond3A_200 {
          %sub3A = arith.constant 3 : i32
          %sub3A_248 = arith.subi %add3A_154, %sub3A : i32
          %rem3A_249 = arith.constant 3 : i32
          %rem3A_250 = arith.remsi %sub3A_248, %rem3A_249 : i32
          %rem3A_251 = arith.constant 4 : i32
          %rem3A_252 = arith.remsi %sub3A_248, %rem3A_251 : i32
          %rem3A_253 = arith.constant 3 : i32
          %rem3A_254 = arith.remsi %sub3A_248, %rem3A_253 : i32
          %dma_wait3A_255 = arith.constant 0 : i32
          %dma_wait3A_256 = arith.constant 0 : i32
          %dma_wait3A_257 = tpu.memref_slice %arg7[%rem3A_250, %dma_wait3A_255, %dma_wait3A_256] : memref<3x80x128xf32, #tpu.memory_space<vmem>> -> memref<1x80x128xf32, #tpu.memory_space<vmem>>
          %dma_wait3A_258 = tpu.memref_squeeze %dma_wait3A_257 : memref<1x80x128xf32, #tpu.memory_space<vmem>> -> memref<80x128xf32, #tpu.memory_space<vmem>>
          %dma_wait3A_259 = arith.constant 0 : i32
          %dma_wait3A_260 = tpu.memref_slice %arg6[%rem3A_252, %dma_wait3A_259] : memref<4x80xi32, #tpu.memory_space<vmem>> -> memref<1x80xi32, #tpu.memory_space<vmem>>
          %dma_wait3A_261 = tpu.memref_squeeze %dma_wait3A_260 : memref<1x80xi32, #tpu.memory_space<vmem>> -> memref<80xi32, #tpu.memory_space<vmem>>
          %dma_wait3A_262 = arith.constant 0 : i32
          %dma_wait3A_263 = arith.constant 0 : i32
          %dma_wait3A_264 = tpu.memref_slice %arg8[%dma_wait3A_262, %dma_wait3A_263] : memref<10240x128xf32, #tpu.memory_space<vmem_shared>> -> memref<10240x128xf32, #tpu.memory_space<vmem_shared>>
          %dma_wait3A_265 = tpu.memref_slice %arg11[%rem3A_254] : memref<3x!tpu.dma_semaphore, #tpu.memory_space<semaphore_mem>> -> memref<1x!tpu.dma_semaphore, #tpu.memory_space<semaphore_mem>>
          %dma_wait3A_266 = tpu.memref_squeeze %dma_wait3A_265 : memref<1x!tpu.dma_semaphore, #tpu.memory_space<semaphore_mem>> -> memref<!tpu.dma_semaphore, #tpu.memory_space<semaphore_mem>>
          tpu.wait_indirect_dma semaphore(%dma_wait3A_266 : memref<!tpu.dma_semaphore, #tpu.memory_space<semaphore_mem>>) src(%dma_wait3A_258 : memref<80x128xf32, #tpu.memory_space<vmem>>) dst(%dma_wait3A_264 : memref<10240x128xf32, #tpu.memory_space<vmem_shared>>)
        } else {
        }
        %rem3A_201 = arith.constant 4 : i32
        %rem3A_202 = arith.remsi %add3A_154, %rem3A_201 : i32
        %mul3A_203 = arith.constant 125 : i32
        %mul3A_204 = arith.muli %add3A, %mul3A_203 : i32
        %add3A_205 = arith.addi %mul3A_204, %add3A_154 : i32
        %mul3A_206 = arith.constant 80 : i32
        %mul3A_207 = arith.muli %add3A_205, %mul3A_206 : i32
        %dma_wait3A_208 = arith.constant 0 : i32
        %dma_wait3A_209 = tpu.memref_slice %arg5[%rem3A_202, %dma_wait3A_208] : memref<4x80xi32, #tpu.memory_space<vmem>> -> memref<1x80xi32, #tpu.memory_space<vmem>>
        %dma_wait3A_210 = tpu.memref_squeeze %dma_wait3A_209 : memref<1x80xi32, #tpu.memory_space<vmem>> -> memref<80xi32, #tpu.memory_space<vmem>>
        %dma_wait3A_211 = tpu.memref_slice %arg3[%mul3A_207] : memref<640000xi32, #tpu.memory_space<hbm>> -> memref<80xi32, #tpu.memory_space<hbm>>
        %dma_wait3A_212 = tpu.memref_slice %arg9[%rem3A_202] : memref<4x!tpu.dma_semaphore, #tpu.memory_space<semaphore_mem>> -> memref<1x!tpu.dma_semaphore, #tpu.memory_space<semaphore_mem>>
        %dma_wait3A_213 = tpu.memref_squeeze %dma_wait3A_212 : memref<1x!tpu.dma_semaphore, #tpu.memory_space<semaphore_mem>> -> memref<!tpu.dma_semaphore, #tpu.memory_space<semaphore_mem>>
        %dma_wait3A_214 = arith.constant 0 : i32
        %dma_wait3A_215 = tpu.memref_slice %arg5[%rem3A_202, %dma_wait3A_214] : memref<4x80xi32, #tpu.memory_space<vmem>> -> memref<1x80xi32, #tpu.memory_space<vmem>>
        %dma_wait3A_216 = tpu.memref_squeeze %dma_wait3A_215 : memref<1x80xi32, #tpu.memory_space<vmem>> -> memref<80xi32, #tpu.memory_space<vmem>>
        %dma_wait3A_217 = tpu.memref_slice %arg3[%mul3A_207] : memref<640000xi32, #tpu.memory_space<hbm>> -> memref<80xi32, #tpu.memory_space<hbm>>
        tpu.wait_dma2 semaphore(%dma_wait3A_213 : memref<!tpu.dma_semaphore, #tpu.memory_space<semaphore_mem>>) src(%dma_wait3A_217 : memref<80xi32, #tpu.memory_space<hbm>>) dst(%dma_wait3A_216 : memref<80xi32, #tpu.memory_space<vmem>>)
        %add3A_218 = arith.constant 320000 : i32
        %add3A_219 = arith.addi %add3A_218, %mul3A_207 : i32
        %dma_wait3A_220 = arith.constant 0 : i32
        %dma_wait3A_221 = tpu.memref_slice %arg6[%rem3A_202, %dma_wait3A_220] : memref<4x80xi32, #tpu.memory_space<vmem>> -> memref<1x80xi32, #tpu.memory_space<vmem>>
        %dma_wait3A_222 = tpu.memref_squeeze %dma_wait3A_221 : memref<1x80xi32, #tpu.memory_space<vmem>> -> memref<80xi32, #tpu.memory_space<vmem>>
        %dma_wait3A_223 = tpu.memref_slice %arg3[%add3A_219] : memref<640000xi32, #tpu.memory_space<hbm>> -> memref<80xi32, #tpu.memory_space<hbm>>
        %dma_wait3A_224 = tpu.memref_slice %arg9[%rem3A_202] : memref<4x!tpu.dma_semaphore, #tpu.memory_space<semaphore_mem>> -> memref<1x!tpu.dma_semaphore, #tpu.memory_space<semaphore_mem>>
        %dma_wait3A_225 = tpu.memref_squeeze %dma_wait3A_224 : memref<1x!tpu.dma_semaphore, #tpu.memory_space<semaphore_mem>> -> memref<!tpu.dma_semaphore, #tpu.memory_space<semaphore_mem>>
        %dma_wait3A_226 = arith.constant 0 : i32
        %dma_wait3A_227 = tpu.memref_slice %arg6[%rem3A_202, %dma_wait3A_226] : memref<4x80xi32, #tpu.memory_space<vmem>> -> memref<1x80xi32, #tpu.memory_space<vmem>>
        %dma_wait3A_228 = tpu.memref_squeeze %dma_wait3A_227 : memref<1x80xi32, #tpu.memory_space<vmem>> -> memref<80xi32, #tpu.memory_space<vmem>>
        %dma_wait3A_229 = tpu.memref_slice %arg3[%add3A_219] : memref<640000xi32, #tpu.memory_space<hbm>> -> memref<80xi32, #tpu.memory_space<hbm>>
        tpu.wait_dma2 semaphore(%dma_wait3A_225 : memref<!tpu.dma_semaphore, #tpu.memory_space<semaphore_mem>>) src(%dma_wait3A_229 : memref<80xi32, #tpu.memory_space<hbm>>) dst(%dma_wait3A_228 : memref<80xi32, #tpu.memory_space<vmem>>)
        %rem3A_230 = arith.constant 4 : i32
        %rem3A_231 = arith.remsi %add3A_154, %rem3A_230 : i32
        %rem3A_232 = arith.constant 3 : i32
        %rem3A_233 = arith.remsi %add3A_154, %rem3A_232 : i32
        %rem3A_234 = arith.constant 3 : i32
        %rem3A_235 = arith.remsi %add3A_154, %rem3A_234 : i32
        %dma_start3A_236 = arith.constant 0 : i32
        %dma_start3A_237 = arith.constant 0 : i32
        %dma_start3A_238 = tpu.memref_slice %arg7[%rem3A_233, %dma_start3A_236, %dma_start3A_237] : memref<3x80x128xf32, #tpu.memory_space<vmem>> -> memref<1x80x128xf32, #tpu.memory_space<vmem>>
        %dma_start3A_239 = tpu.memref_squeeze %dma_start3A_238 : memref<1x80x128xf32, #tpu.memory_space<vmem>> -> memref<80x128xf32, #tpu.memory_space<vmem>>
        %dma_start3A_240 = arith.constant 0 : i32
        %dma_start3A_241 = tpu.memref_slice %arg5[%rem3A_231, %dma_start3A_240] : memref<4x80xi32, #tpu.memory_space<vmem>> -> memref<1x80xi32, #tpu.memory_space<vmem>>
        %dma_start3A_242 = tpu.memref_squeeze %dma_start3A_241 : memref<1x80xi32, #tpu.memory_space<vmem>> -> memref<80xi32, #tpu.memory_space<vmem>>
        %dma_start3A_243 = arith.constant 0 : i32
        %dma_start3A_244 = arith.constant 0 : i32
        %dma_start3A_245 = tpu.memref_slice %arg2[%dma_start3A_243, %dma_start3A_244] : memref<10000x128xf32, #tpu.memory_space<hbm>> -> memref<10000x128xf32, #tpu.memory_space<hbm>>
        %dma_start3A_246 = tpu.memref_slice %arg10[%rem3A_235] : memref<3x!tpu.dma_semaphore, #tpu.memory_space<semaphore_mem>> -> memref<1x!tpu.dma_semaphore, #tpu.memory_space<semaphore_mem>>
        %dma_start3A_247 = tpu.memref_squeeze %dma_start3A_246 : memref<1x!tpu.dma_semaphore, #tpu.memory_space<semaphore_mem>> -> memref<!tpu.dma_semaphore, #tpu.memory_space<semaphore_mem>>
        tpu.enqueue_indirect_dma source(%dma_start3A_245 : memref<10000x128xf32, #tpu.memory_space<hbm>>) target(%dma_start3A_239 : memref<80x128xf32, #tpu.memory_space<vmem>>) offsets(%dma_start3A_242 : memref<80xi32, #tpu.memory_space<vmem>>) semaphore(%dma_start3A_247 : memref<!tpu.dma_semaphore, #tpu.memory_space<semaphore_mem>>)
      } else {
      }
      %rem3A_160 = arith.constant 4 : i32
      %rem3A_161 = arith.remsi %scan3A_147, %rem3A_160 : i32
      %rem3A_162 = arith.constant 3 : i32
      %rem3A_163 = arith.remsi %scan3A_147, %rem3A_162 : i32
      %rem3A_164 = arith.constant 3 : i32
      %rem3A_165 = arith.remsi %scan3A_147, %rem3A_164 : i32
      %dma_wait3A_166 = arith.constant 0 : i32
      %dma_wait3A_167 = arith.constant 0 : i32
      %dma_wait3A_168 = tpu.memref_slice %arg7[%rem3A_163, %dma_wait3A_166, %dma_wait3A_167] : memref<3x80x128xf32, #tpu.memory_space<vmem>> -> memref<1x80x128xf32, #tpu.memory_space<vmem>>
      %dma_wait3A_169 = tpu.memref_squeeze %dma_wait3A_168 : memref<1x80x128xf32, #tpu.memory_space<vmem>> -> memref<80x128xf32, #tpu.memory_space<vmem>>
      %dma_wait3A_170 = arith.constant 0 : i32
      %dma_wait3A_171 = tpu.memref_slice %arg5[%rem3A_161, %dma_wait3A_170] : memref<4x80xi32, #tpu.memory_space<vmem>> -> memref<1x80xi32, #tpu.memory_space<vmem>>
      %dma_wait3A_172 = tpu.memref_squeeze %dma_wait3A_171 : memref<1x80xi32, #tpu.memory_space<vmem>> -> memref<80xi32, #tpu.memory_space<vmem>>
      %dma_wait3A_173 = arith.constant 0 : i32
      %dma_wait3A_174 = arith.constant 0 : i32
      %dma_wait3A_175 = tpu.memref_slice %arg2[%dma_wait3A_173, %dma_wait3A_174] : memref<10000x128xf32, #tpu.memory_space<hbm>> -> memref<10000x128xf32, #tpu.memory_space<hbm>>
      %dma_wait3A_176 = tpu.memref_slice %arg10[%rem3A_165] : memref<3x!tpu.dma_semaphore, #tpu.memory_space<semaphore_mem>> -> memref<1x!tpu.dma_semaphore, #tpu.memory_space<semaphore_mem>>
      %dma_wait3A_177 = tpu.memref_squeeze %dma_wait3A_176 : memref<1x!tpu.dma_semaphore, #tpu.memory_space<semaphore_mem>> -> memref<!tpu.dma_semaphore, #tpu.memory_space<semaphore_mem>>
      tpu.wait_indirect_dma semaphore(%dma_wait3A_177 : memref<!tpu.dma_semaphore, #tpu.memory_space<semaphore_mem>>) src(%dma_wait3A_175 : memref<10000x128xf32, #tpu.memory_space<hbm>>) dst(%dma_wait3A_169 : memref<80x128xf32, #tpu.memory_space<vmem>>)
      %rem3A_178 = arith.constant 3 : i32
      %rem3A_179 = arith.remsi %scan3A_147, %rem3A_178 : i32
      %rem3A_180 = arith.constant 4 : i32
      %rem3A_181 = arith.remsi %scan3A_147, %rem3A_180 : i32
      %rem3A_182 = arith.constant 3 : i32
      %rem3A_183 = arith.remsi %scan3A_147, %rem3A_182 : i32
      %dma_start3A_184 = arith.constant 0 : i32
      %dma_start3A_185 = arith.constant 0 : i32
      %dma_start3A_186 = tpu.memref_slice %arg7[%rem3A_179, %dma_start3A_184, %dma_start3A_185] : memref<3x80x128xf32, #tpu.memory_space<vmem>> -> memref<1x80x128xf32, #tpu.memory_space<vmem>>
      %dma_start3A_187 = tpu.memref_squeeze %dma_start3A_186 : memref<1x80x128xf32, #tpu.memory_space<vmem>> -> memref<80x128xf32, #tpu.memory_space<vmem>>
      %dma_start3A_188 = arith.constant 0 : i32
      %dma_start3A_189 = tpu.memref_slice %arg6[%rem3A_181, %dma_start3A_188] : memref<4x80xi32, #tpu.memory_space<vmem>> -> memref<1x80xi32, #tpu.memory_space<vmem>>
      %dma_start3A_190 = tpu.memref_squeeze %dma_start3A_189 : memref<1x80xi32, #tpu.memory_space<vmem>> -> memref<80xi32, #tpu.memory_space<vmem>>
      %dma_start3A_191 = arith.constant 0 : i32
      %dma_start3A_192 = arith.constant 0 : i32
      %dma_start3A_193 = tpu.memref_slice %arg8[%dma_start3A_191, %dma_start3A_192] : memref<10240x128xf32, #tpu.memory_space<vmem_shared>> -> memref<10240x128xf32, #tpu.memory_space<vmem_shared>>
      %dma_start3A_194 = tpu.memref_slice %arg11[%rem3A_183] : memref<3x!tpu.dma_semaphore, #tpu.memory_space<semaphore_mem>> -> memref<1x!tpu.dma_semaphore, #tpu.memory_space<semaphore_mem>>
      %dma_start3A_195 = tpu.memref_squeeze %dma_start3A_194 : memref<1x!tpu.dma_semaphore, #tpu.memory_space<semaphore_mem>> -> memref<!tpu.dma_semaphore, #tpu.memory_space<semaphore_mem>>
      tpu.enqueue_indirect_dma source(%dma_start3A_187 : memref<80x128xf32, #tpu.memory_space<vmem>>) target(%dma_start3A_193 : memref<10240x128xf32, #tpu.memory_space<vmem_shared>>) offsets(%dma_start3A_190 : memref<80xi32, #tpu.memory_space<vmem>>) semaphore(%dma_start3A_195 : memref<!tpu.dma_semaphore, #tpu.memory_space<semaphore_mem>>) {add = true}
      %scan3A_196 = arith.constant 0 : i32
      scf.yield %scan3A_196 : i32
    }
    %scan3A_131 = arith.constant 125 : i32
    %scan3A_132 = arith.constant 0 : i32
    %scan3A_133 = arith.constant 0 : i32
    %scan3A_134 = arith.constant 3 : i32
    %scan3A_135 = arith.addi %scan3A_133, %scan3A_134 : i32
    %scan3A_136 = arith.constant 1 : i32
    %scan3A_137 = scf.for %scan3A_147 = %scan3A_133 to %scan3A_135 step %scan3A_136 iter_args(%scan3A_148 = %scan3A_132) -> (i32)  : i32 {
      %add3A_149 = arith.constant 122 : i32
      %add3A_150 = arith.addi %add3A_149, %scan3A_147 : i32
      %rem3A_151 = arith.constant 3 : i32
      %rem3A_152 = arith.remsi %add3A_150, %rem3A_151 : i32
      %rem3A_153 = arith.constant 4 : i32
      %rem3A_154 = arith.remsi %add3A_150, %rem3A_153 : i32
      %rem3A_155 = arith.constant 3 : i32
      %rem3A_156 = arith.remsi %add3A_150, %rem3A_155 : i32
      %dma_wait3A_157 = arith.constant 0 : i32
      %dma_wait3A_158 = arith.constant 0 : i32
      %dma_wait3A_159 = tpu.memref_slice %arg7[%rem3A_152, %dma_wait3A_157, %dma_wait3A_158] : memref<3x80x128xf32, #tpu.memory_space<vmem>> -> memref<1x80x128xf32, #tpu.memory_space<vmem>>
      %dma_wait3A_160 = tpu.memref_squeeze %dma_wait3A_159 : memref<1x80x128xf32, #tpu.memory_space<vmem>> -> memref<80x128xf32, #tpu.memory_space<vmem>>
      %dma_wait3A_161 = arith.constant 0 : i32
      %dma_wait3A_162 = tpu.memref_slice %arg6[%rem3A_154, %dma_wait3A_161] : memref<4x80xi32, #tpu.memory_space<vmem>> -> memref<1x80xi32, #tpu.memory_space<vmem>>
      %dma_wait3A_163 = tpu.memref_squeeze %dma_wait3A_162 : memref<1x80xi32, #tpu.memory_space<vmem>> -> memref<80xi32, #tpu.memory_space<vmem>>
      %dma_wait3A_164 = arith.constant 0 : i32
      %dma_wait3A_165 = arith.constant 0 : i32
      %dma_wait3A_166 = tpu.memref_slice %arg8[%dma_wait3A_164, %dma_wait3A_165] : memref<10240x128xf32, #tpu.memory_space<vmem_shared>> -> memref<10240x128xf32, #tpu.memory_space<vmem_shared>>
      %dma_wait3A_167 = tpu.memref_slice %arg11[%rem3A_156] : memref<3x!tpu.dma_semaphore, #tpu.memory_space<semaphore_mem>> -> memref<1x!tpu.dma_semaphore, #tpu.memory_space<semaphore_mem>>
      %dma_wait3A_168 = tpu.memref_squeeze %dma_wait3A_167 : memref<1x!tpu.dma_semaphore, #tpu.memory_space<semaphore_mem>> -> memref<!tpu.dma_semaphore, #tpu.memory_space<semaphore_mem>>
      tpu.wait_indirect_dma semaphore(%dma_wait3A_168 : memref<!tpu.dma_semaphore, #tpu.memory_space<semaphore_mem>>) src(%dma_wait3A_160 : memref<80x128xf32, #tpu.memory_space<vmem>>) dst(%dma_wait3A_166 : memref<10240x128xf32, #tpu.memory_space<vmem_shared>>)
      %scan3A_169 = arith.constant 0 : i32
      scf.yield %scan3A_169 : i32
    }
    %scan3A_138 = arith.constant 3 : i32
    %barrier3A_139 = arith.constant 0 : index
    tpu.barrier barrier_id(%barrier3A_139)
    %scan3A_140 = arith.constant 0 : i32
    %scan3A_141 = arith.constant 0 : i32
    %scan3A_142 = arith.constant 5 : i32
    %scan3A_143 = arith.addi %scan3A_141, %scan3A_142 : i32
    %scan3A_144 = arith.constant 1 : i32
    %scan3A_145 = scf.for %scan3A_147 = %scan3A_141 to %scan3A_143 step %scan3A_144 iter_args(%scan3A_148 = %scan3A_140) -> (i32)  : i32 {
      %mul3A_149 = arith.constant 640 : i32
      %mul3A_150 = arith.muli %arg1, %mul3A_149 : i32
      %mul3A_151 = arith.constant 128 : i32
      %mul3A_152 = arith.muli %scan3A_147, %mul3A_151 : i32
      %add3A_153 = arith.addi %mul3A_150, %mul3A_152 : i32
      "tpu.region"() ({
        %run_scoped3A = tpu.sem_alloc : memref<!tpu.dma_semaphore, #tpu.memory_space<semaphore_mem>>
        %dma_start3A_155 = arith.constant 0 : i32
        %dma_start3A_156 = tpu.memref_slice %arg4[%arg0, %add3A_153, %dma_start3A_155] : memref<2x10240x128xf32, #tpu.memory_space<hbm>> -> memref<1x128x128xf32, #tpu.memory_space<hbm>>
        %dma_start3A_157 = tpu.memref_squeeze %dma_start3A_156 : memref<1x128x128xf32, #tpu.memory_space<hbm>> -> memref<128x128xf32, #tpu.memory_space<hbm>>
        %dma_start3A_158 = arith.constant 0 : i32
        %dma_start3A_159 = tpu.memref_slice %arg8[%add3A_153, %dma_start3A_158] : memref<10240x128xf32, #tpu.memory_space<vmem_shared>> -> memref<128x128xf32, #tpu.memory_space<vmem_shared>>
        tpu.enqueue_dma source(%dma_start3A_159 : memref<128x128xf32, #tpu.memory_space<vmem_shared>>) target(%dma_start3A_157 : memref<128x128xf32, #tpu.memory_space<hbm>>) target_semaphore(%run_scoped3A : memref<!tpu.dma_semaphore, #tpu.memory_space<semaphore_mem>>)
        %dma_wait3A_160 = arith.constant 0 : i32
        %dma_wait3A_161 = tpu.memref_slice %arg4[%arg0, %add3A_153, %dma_wait3A_160] : memref<2x10240x128xf32, #tpu.memory_space<hbm>> -> memref<1x128x128xf32, #tpu.memory_space<hbm>>
        %dma_wait3A_162 = tpu.memref_squeeze %dma_wait3A_161 : memref<1x128x128xf32, #tpu.memory_space<hbm>> -> memref<128x128xf32, #tpu.memory_space<hbm>>
        %dma_wait3A_163 = arith.constant 0 : i32
        %dma_wait3A_164 = tpu.memref_slice %arg8[%add3A_153, %dma_wait3A_163] : memref<10240x128xf32, #tpu.memory_space<vmem_shared>> -> memref<128x128xf32, #tpu.memory_space<vmem_shared>>
        tpu.wait_dma2 semaphore(%run_scoped3A : memref<!tpu.dma_semaphore, #tpu.memory_space<semaphore_mem>>) src(%dma_wait3A_164 : memref<128x128xf32, #tpu.memory_space<vmem_shared>>) dst(%dma_wait3A_162 : memref<128x128xf32, #tpu.memory_space<hbm>>)
        tpu.yield
      }) : () -> ()
      %scan3A_154 = arith.constant 0 : i32
      scf.yield %scan3A_154 : i32
    }
    %scan3A_146 = arith.constant 5 : i32
    return
  }
}

#map = affine_map<(d0, d1) -> (0)>
#map1 = affine_map<(d0, d1) -> (0, 0, 0)>
module attributes {stable_mosaic.version = 14 : i64} {
  func.func @deg(%arg0: i32, %arg1: i32, %arg2: memref<640000xi32, #tpu.memory_space<hbm>>, %arg3: memref<2x10240x16xf32, #tpu.memory_space<hbm>>, %arg4: memref<4x80xi32, #tpu.memory_space<vmem>>, %arg5: memref<80x16xf32, #tpu.memory_space<vmem>>, %arg6: memref<10240x16xf32, #tpu.memory_space<vmem_shared>>, %arg7: memref<4x!tpu.dma_semaphore, #tpu.memory_space<semaphore_mem>>, %arg8: memref<4x!tpu.dma_semaphore, #tpu.memory_space<semaphore_mem>>) attributes {dimension_semantics = [#tpu.dimension_semantics<core_parallel>, #tpu.dimension_semantics<subcore_parallel>], iteration_bounds = array<i64: 2, 16>, scalar_prefetch = 0 : i64, scratch_operands = 5 : i64, tpu.core_type = #tpu.core_type<sc_vector_subcore>, window_params = [{transform_indices = #map}, {transform_indices = #map1}]} {
    %mul3A = arith.constant 16 : i32
    %mul3A_0 = arith.muli %arg0, %mul3A : i32
    %add3A = arith.addi %mul3A_0, %arg1 : i32
    %broadcast_in_dim3A = arith.constant 0.000000e+00 : f32
    %broadcast_in_dim3A_1 = vector.broadcast %broadcast_in_dim3A : f32 to vector<16xf32>
    %scan3A = arith.constant 0 : i32
    %scan3A_2 = arith.constant 0 : i32
    %scan3A_3 = arith.constant 80 : i32
    %scan3A_4 = arith.addi %scan3A_2, %scan3A_3 : i32
    %scan3A_5 = arith.constant 1 : i32
    %scan3A_6 = scf.for %scan3A_82 = %scan3A_2 to %scan3A_4 step %scan3A_5 iter_args(%scan3A_83 = %scan3A) -> (i32)  : i32 {
      %scan3A_84 = arith.constant 0 : i32
      %scan3A_85 = arith.constant 0 : i32
      %mul3A_86 = arith.constant 16 : i32
      %mul3A_87 = arith.muli %scan3A_85, %mul3A_86 : i32
      %swap3A = arith.index_cast %scan3A_82 : i32 to index
      %swap3A_88 = arith.index_cast %mul3A_87 : i32 to index
      %swap3A_89 = tpu.vector_load %arg5[%swap3A, %swap3A_88] {strides = array<i32>} : memref<80x16xf32, #tpu.memory_space<vmem>>, vector<1x16xf32>,
      %swap3A_90 = vector.shape_cast %swap3A_89 : vector<1x16xf32> to vector<16xf32>
      %swap3A_91 = vector.shape_cast %broadcast_in_dim3A_1 : vector<16xf32> to vector<1x16xf32>
      tpu.vector_store %arg5[%swap3A, %swap3A_88], %swap3A_91 {strides = array<i32>} : memref<80x16xf32, #tpu.memory_space<vmem>>, vector<1x16xf32>,
      %scan3A_92 = arith.constant 0 : i32
      %scan3A_93 = arith.constant 1 : i32
      scf.yield %scan3A_92 : i32
    }
    %scan3A_7 = arith.constant 80 : i32
    %scan3A_8 = arith.constant 0 : i32
    %scan3A_9 = arith.constant 0 : i32
    %scan3A_10 = arith.constant 8 : i32
    %scan3A_11 = arith.addi %scan3A_9, %scan3A_10 : i32
    %scan3A_12 = arith.constant 1 : i32
    %scan3A_13 = scf.for %scan3A_82 = %scan3A_9 to %scan3A_11 step %scan3A_12 iter_args(%scan3A_83 = %scan3A_8) -> (i32)  : i32 {
      %mul3A_84 = arith.constant 640 : i32
      %mul3A_85 = arith.muli %arg1, %mul3A_84 : i32
      %mul3A_86 = arith.constant 80 : i32
      %mul3A_87 = arith.muli %scan3A_82, %mul3A_86 : i32
      %add3A_88 = arith.addi %mul3A_85, %mul3A_87 : i32
      "tpu.region"() ({
        %run_scoped3A = tpu.sem_alloc : memref<!tpu.dma_semaphore, #tpu.memory_space<semaphore_mem>>
        %dma_start3A_90 = arith.constant 0 : i32
        %dma_start3A_91 = tpu.memref_slice %arg6[%add3A_88, %dma_start3A_90] : memref<10240x16xf32, #tpu.memory_space<vmem_shared>> -> memref<80x16xf32, #tpu.memory_space<vmem_shared>>
        %dma_start3A_92 = arith.constant 0 : i32
        %dma_start3A_93 = tpu.memref_slice %arg6[%add3A_88, %dma_start3A_92] : memref<10240x16xf32, #tpu.memory_space<vmem_shared>> -> memref<80x16xf32, #tpu.memory_space<vmem_shared>>
        tpu.enqueue_dma source(%arg5 : memref<80x16xf32, #tpu.memory_space<vmem>>) target(%dma_start3A_93 : memref<80x16xf32, #tpu.memory_space<vmem_shared>>) target_semaphore(%run_scoped3A : memref<!tpu.dma_semaphore, #tpu.memory_space<semaphore_mem>>)
        %dma_wait3A = arith.constant 0 : i32
        %dma_wait3A_94 = tpu.memref_slice %arg6[%add3A_88, %dma_wait3A] : memref<10240x16xf32, #tpu.memory_space<vmem_shared>> -> memref<80x16xf32, #tpu.memory_space<vmem_shared>>
        %dma_wait3A_95 = arith.constant 0 : i32
        %dma_wait3A_96 = tpu.memref_slice %arg6[%add3A_88, %dma_wait3A_95] : memref<10240x16xf32, #tpu.memory_space<vmem_shared>> -> memref<80x16xf32, #tpu.memory_space<vmem_shared>>
        tpu.wait_dma2 semaphore(%run_scoped3A : memref<!tpu.dma_semaphore, #tpu.memory_space<semaphore_mem>>) src(%arg5 : memref<80x16xf32, #tpu.memory_space<vmem>>) dst(%dma_wait3A_96 : memref<80x16xf32, #tpu.memory_space<vmem_shared>>)
        tpu.yield
      }) : () -> ()
      %scan3A_89 = arith.constant 0 : i32
      scf.yield %scan3A_89 : i32
    }
    %scan3A_14 = arith.constant 8 : i32
    %broadcast_in_dim3A_15 = arith.constant 1.000000e+00 : f32
    %broadcast_in_dim3A_16 = vector.broadcast %broadcast_in_dim3A_15 : f32 to vector<16xf32>
    %scan3A_17 = arith.constant 0 : i32
    %scan3A_18 = arith.constant 0 : i32
    %scan3A_19 = arith.constant 80 : i32
    %scan3A_20 = arith.addi %scan3A_18, %scan3A_19 : i32
    %scan3A_21 = arith.constant 1 : i32
    %scan3A_22 = scf.for %scan3A_82 = %scan3A_18 to %scan3A_20 step %scan3A_21 iter_args(%scan3A_83 = %scan3A_17) -> (i32)  : i32 {
      %scan3A_84 = arith.constant 0 : i32
      %scan3A_85 = arith.constant 0 : i32
      %mul3A_86 = arith.constant 16 : i32
      %mul3A_87 = arith.muli %scan3A_85, %mul3A_86 : i32
      %swap3A = arith.index_cast %scan3A_82 : i32 to index
      %swap3A_88 = arith.index_cast %mul3A_87 : i32 to index
      %swap3A_89 = tpu.vector_load %arg5[%swap3A, %swap3A_88] {strides = array<i32>} : memref<80x16xf32, #tpu.memory_space<vmem>>, vector<1x16xf32>,
      %swap3A_90 = vector.shape_cast %swap3A_89 : vector<1x16xf32> to vector<16xf32>
      %swap3A_91 = vector.shape_cast %broadcast_in_dim3A_16 : vector<16xf32> to vector<1x16xf32>
      tpu.vector_store %arg5[%swap3A, %swap3A_88], %swap3A_91 {strides = array<i32>} : memref<80x16xf32, #tpu.memory_space<vmem>>, vector<1x16xf32>,
      %scan3A_92 = arith.constant 0 : i32
      %scan3A_93 = arith.constant 1 : i32
      scf.yield %scan3A_92 : i32
    }
    %scan3A_23 = arith.constant 80 : i32
    %barrier3A = arith.constant 0 : index
    tpu.barrier barrier_id(%barrier3A)
    %rem3A = arith.constant 0 : i32
    %rem3A_24 = arith.constant 4 : i32
    %rem3A_25 = arith.remsi %rem3A, %rem3A_24 : i32
    %mul3A_26 = arith.constant 125 : i32
    %mul3A_27 = arith.muli %add3A, %mul3A_26 : i32
    %add3A_28 = arith.constant 0 : i32
    %add3A_29 = arith.addi %mul3A_27, %add3A_28 : i32
    %mul3A_30 = arith.constant 80 : i32
    %mul3A_31 = arith.muli %add3A_29, %mul3A_30 : i32
    %dma_start3A = arith.constant 0 : i32
    %dma_start3A_32 = tpu.memref_slice %arg4[%rem3A_25, %dma_start3A] : memref<4x80xi32, #tpu.memory_space<vmem>> -> memref<1x80xi32, #tpu.memory_space<vmem>>
    %dma_start3A_33 = tpu.memref_squeeze %dma_start3A_32 : memref<1x80xi32, #tpu.memory_space<vmem>> -> memref<80xi32, #tpu.memory_space<vmem>>
    %dma_start3A_34 = tpu.memref_slice %arg2[%mul3A_31] : memref<640000xi32, #tpu.memory_space<hbm>> -> memref<80xi32, #tpu.memory_space<hbm>>
    %dma_start3A_35 = tpu.memref_slice %arg7[%rem3A_25] : memref<4x!tpu.dma_semaphore, #tpu.memory_space<semaphore_mem>> -> memref<1x!tpu.dma_semaphore, #tpu.memory_space<semaphore_mem>>
    %dma_start3A_36 = tpu.memref_squeeze %dma_start3A_35 : memref<1x!tpu.dma_semaphore, #tpu.memory_space<semaphore_mem>> -> memref<!tpu.dma_semaphore, #tpu.memory_space<semaphore_mem>>
    %dma_start3A_37 = arith.constant 0 : i32
    %dma_start3A_38 = tpu.memref_slice %arg4[%rem3A_25, %dma_start3A_37] : memref<4x80xi32, #tpu.memory_space<vmem>> -> memref<1x80xi32, #tpu.memory_space<vmem>>
    %dma_start3A_39 = tpu.memref_squeeze %dma_start3A_38 : memref<1x80xi32, #tpu.memory_space<vmem>> -> memref<80xi32, #tpu.memory_space<vmem>>
    %dma_start3A_40 = tpu.memref_slice %arg2[%mul3A_31] : memref<640000xi32, #tpu.memory_space<hbm>> -> memref<80xi32, #tpu.memory_space<hbm>>
    tpu.enqueue_dma source(%dma_start3A_40 : memref<80xi32, #tpu.memory_space<hbm>>) target(%dma_start3A_39 : memref<80xi32, #tpu.memory_space<vmem>>) target_semaphore(%dma_start3A_36 : memref<!tpu.dma_semaphore, #tpu.memory_space<semaphore_mem>>)
    %rem3A_41 = arith.constant 1 : i32
    %rem3A_42 = arith.constant 4 : i32
    %rem3A_43 = arith.remsi %rem3A_41, %rem3A_42 : i32
    %mul3A_44 = arith.constant 125 : i32
    %mul3A_45 = arith.muli %add3A, %mul3A_44 : i32
    %add3A_46 = arith.constant 1 : i32
    %add3A_47 = arith.addi %mul3A_45, %add3A_46 : i32
    %mul3A_48 = arith.constant 80 : i32
    %mul3A_49 = arith.muli %add3A_47, %mul3A_48 : i32
    %dma_start3A_50 = arith.constant 0 : i32
    %dma_start3A_51 = tpu.memref_slice %arg4[%rem3A_43, %dma_start3A_50] : memref<4x80xi32, #tpu.memory_space<vmem>> -> memref<1x80xi32, #tpu.memory_space<vmem>>
    %dma_start3A_52 = tpu.memref_squeeze %dma_start3A_51 : memref<1x80xi32, #tpu.memory_space<vmem>> -> memref<80xi32, #tpu.memory_space<vmem>>
    %dma_start3A_53 = tpu.memref_slice %arg2[%mul3A_49] : memref<640000xi32, #tpu.memory_space<hbm>> -> memref<80xi32, #tpu.memory_space<hbm>>
    %dma_start3A_54 = tpu.memref_slice %arg7[%rem3A_43] : memref<4x!tpu.dma_semaphore, #tpu.memory_space<semaphore_mem>> -> memref<1x!tpu.dma_semaphore, #tpu.memory_space<semaphore_mem>>
    %dma_start3A_55 = tpu.memref_squeeze %dma_start3A_54 : memref<1x!tpu.dma_semaphore, #tpu.memory_space<semaphore_mem>> -> memref<!tpu.dma_semaphore, #tpu.memory_space<semaphore_mem>>
    %dma_start3A_56 = arith.constant 0 : i32
    %dma_start3A_57 = tpu.memref_slice %arg4[%rem3A_43, %dma_start3A_56] : memref<4x80xi32, #tpu.memory_space<vmem>> -> memref<1x80xi32, #tpu.memory_space<vmem>>
    %dma_start3A_58 = tpu.memref_squeeze %dma_start3A_57 : memref<1x80xi32, #tpu.memory_space<vmem>> -> memref<80xi32, #tpu.memory_space<vmem>>
    %dma_start3A_59 = tpu.memref_slice %arg2[%mul3A_49] : memref<640000xi32, #tpu.memory_space<hbm>> -> memref<80xi32, #tpu.memory_space<hbm>>
    tpu.enqueue_dma source(%dma_start3A_59 : memref<80xi32, #tpu.memory_space<hbm>>) target(%dma_start3A_58 : memref<80xi32, #tpu.memory_space<vmem>>) target_semaphore(%dma_start3A_55 : memref<!tpu.dma_semaphore, #tpu.memory_space<semaphore_mem>>)
    %scan3A_60 = arith.constant 0 : i32
    %scan3A_61 = arith.constant 0 : i32
    %scan3A_62 = arith.constant 125 : i32
    %scan3A_63 = arith.addi %scan3A_61, %scan3A_62 : i32
    %scan3A_64 = arith.constant 1 : i32
    %scan3A_65 = scf.for %scan3A_82 = %scan3A_61 to %scan3A_63 step %scan3A_64 iter_args(%scan3A_83 = %scan3A_60) -> (i32)  : i32 {
      %add3A_84 = arith.constant 2 : i32
      %add3A_85 = arith.addi %scan3A_82, %add3A_84 : i32
      %lt3A = arith.constant 125 : i32
      %lt3A_86 = arith.cmpi slt, %add3A_85, %lt3A : i32
      %convert_element_type3A = arith.extui %lt3A_86 : i1 to i32
      %cond3A = arith.constant 0 : i32
      %cond3A_87 = arith.cmpi ne, %convert_element_type3A, %cond3A : i32
      scf.if %cond3A_87 {
        %ge3A = arith.constant 4 : i32
        %ge3A_115 = arith.cmpi sge, %add3A_85, %ge3A : i32
        %convert_element_type3A_116 = arith.extui %ge3A_115 : i1 to i32
        %cond3A_117 = arith.constant 0 : i32
        %cond3A_118 = arith.cmpi ne, %convert_element_type3A_116, %cond3A_117 : i32
        scf.if %cond3A_118 {
          %sub3A = arith.constant 4 : i32
          %sub3A_136 = arith.subi %add3A_85, %sub3A : i32
          %rem3A_137 = arith.constant 4 : i32
          %rem3A_138 = arith.remsi %sub3A_136, %rem3A_137 : i32
          %dma_wait3A_139 = arith.constant 0 : i32
          %dma_wait3A_140 = tpu.memref_slice %arg4[%rem3A_138, %dma_wait3A_139] : memref<4x80xi32, #tpu.memory_space<vmem>> -> memref<1x80xi32, #tpu.memory_space<vmem>>
          %dma_wait3A_141 = tpu.memref_squeeze %dma_wait3A_140 : memref<1x80xi32, #tpu.memory_space<vmem>> -> memref<80xi32, #tpu.memory_space<vmem>>
          %dma_wait3A_142 = arith.constant 0 : i32
          %dma_wait3A_143 = arith.constant 0 : i32
          %dma_wait3A_144 = tpu.memref_slice %arg6[%dma_wait3A_142, %dma_wait3A_143] : memref<10240x16xf32, #tpu.memory_space<vmem_shared>> -> memref<10240x16xf32, #tpu.memory_space<vmem_shared>>
          %dma_wait3A_145 = tpu.memref_slice %arg8[%rem3A_138] : memref<4x!tpu.dma_semaphore, #tpu.memory_space<semaphore_mem>> -> memref<1x!tpu.dma_semaphore, #tpu.memory_space<semaphore_mem>>
          %dma_wait3A_146 = tpu.memref_squeeze %dma_wait3A_145 : memref<1x!tpu.dma_semaphore, #tpu.memory_space<semaphore_mem>> -> memref<!tpu.dma_semaphore, #tpu.memory_space<semaphore_mem>>
          tpu.wait_indirect_dma semaphore(%dma_wait3A_146 : memref<!tpu.dma_semaphore, #tpu.memory_space<semaphore_mem>>) src(%arg5 : memref<80x16xf32, #tpu.memory_space<vmem>>) dst(%dma_wait3A_144 : memref<10240x16xf32, #tpu.memory_space<vmem_shared>>)
        } else {
        }
        %rem3A_119 = arith.constant 4 : i32
        %rem3A_120 = arith.remsi %add3A_85, %rem3A_119 : i32
        %mul3A_121 = arith.constant 125 : i32
        %mul3A_122 = arith.muli %add3A, %mul3A_121 : i32
        %add3A_123 = arith.addi %mul3A_122, %add3A_85 : i32
        %mul3A_124 = arith.constant 80 : i32
        %mul3A_125 = arith.muli %add3A_123, %mul3A_124 : i32
        %dma_start3A_126 = arith.constant 0 : i32
        %dma_start3A_127 = tpu.memref_slice %arg4[%rem3A_120, %dma_start3A_126] : memref<4x80xi32, #tpu.memory_space<vmem>> -> memref<1x80xi32, #tpu.memory_space<vmem>>
        %dma_start3A_128 = tpu.memref_squeeze %dma_start3A_127 : memref<1x80xi32, #tpu.memory_space<vmem>> -> memref<80xi32, #tpu.memory_space<vmem>>
        %dma_start3A_129 = tpu.memref_slice %arg2[%mul3A_125] : memref<640000xi32, #tpu.memory_space<hbm>> -> memref<80xi32, #tpu.memory_space<hbm>>
        %dma_start3A_130 = tpu.memref_slice %arg7[%rem3A_120] : memref<4x!tpu.dma_semaphore, #tpu.memory_space<semaphore_mem>> -> memref<1x!tpu.dma_semaphore, #tpu.memory_space<semaphore_mem>>
        %dma_start3A_131 = tpu.memref_squeeze %dma_start3A_130 : memref<1x!tpu.dma_semaphore, #tpu.memory_space<semaphore_mem>> -> memref<!tpu.dma_semaphore, #tpu.memory_space<semaphore_mem>>
        %dma_start3A_132 = arith.constant 0 : i32
        %dma_start3A_133 = tpu.memref_slice %arg4[%rem3A_120, %dma_start3A_132] : memref<4x80xi32, #tpu.memory_space<vmem>> -> memref<1x80xi32, #tpu.memory_space<vmem>>
        %dma_start3A_134 = tpu.memref_squeeze %dma_start3A_133 : memref<1x80xi32, #tpu.memory_space<vmem>> -> memref<80xi32, #tpu.memory_space<vmem>>
        %dma_start3A_135 = tpu.memref_slice %arg2[%mul3A_125] : memref<640000xi32, #tpu.memory_space<hbm>> -> memref<80xi32, #tpu.memory_space<hbm>>
        tpu.enqueue_dma source(%dma_start3A_135 : memref<80xi32, #tpu.memory_space<hbm>>) target(%dma_start3A_134 : memref<80xi32, #tpu.memory_space<vmem>>) target_semaphore(%dma_start3A_131 : memref<!tpu.dma_semaphore, #tpu.memory_space<semaphore_mem>>)
      } else {
      }
      %rem3A_88 = arith.constant 4 : i32
      %rem3A_89 = arith.remsi %scan3A_82, %rem3A_88 : i32
      %mul3A_90 = arith.constant 125 : i32
      %mul3A_91 = arith.muli %add3A, %mul3A_90 : i32
      %add3A_92 = arith.addi %mul3A_91, %scan3A_82 : i32
      %mul3A_93 = arith.constant 80 : i32
      %mul3A_94 = arith.muli %add3A_92, %mul3A_93 : i32
      %dma_wait3A = arith.constant 0 : i32
      %dma_wait3A_95 = tpu.memref_slice %arg4[%rem3A_89, %dma_wait3A] : memref<4x80xi32, #tpu.memory_space<vmem>> -> memref<1x80xi32, #tpu.memory_space<vmem>>
      %dma_wait3A_96 = tpu.memref_squeeze %dma_wait3A_95 : memref<1x80xi32, #tpu.memory_space<vmem>> -> memref<80xi32, #tpu.memory_space<vmem>>
      %dma_wait3A_97 = tpu.memref_slice %arg2[%mul3A_94] : memref<640000xi32, #tpu.memory_space<hbm>> -> memref<80xi32, #tpu.memory_space<hbm>>
      %dma_wait3A_98 = tpu.memref_slice %arg7[%rem3A_89] : memref<4x!tpu.dma_semaphore, #tpu.memory_space<semaphore_mem>> -> memref<1x!tpu.dma_semaphore, #tpu.memory_space<semaphore_mem>>
      %dma_wait3A_99 = tpu.memref_squeeze %dma_wait3A_98 : memref<1x!tpu.dma_semaphore, #tpu.memory_space<semaphore_mem>> -> memref<!tpu.dma_semaphore, #tpu.memory_space<semaphore_mem>>
      %dma_wait3A_100 = arith.constant 0 : i32
      %dma_wait3A_101 = tpu.memref_slice %arg4[%rem3A_89, %dma_wait3A_100] : memref<4x80xi32, #tpu.memory_space<vmem>> -> memref<1x80xi32, #tpu.memory_space<vmem>>
      %dma_wait3A_102 = tpu.memref_squeeze %dma_wait3A_101 : memref<1x80xi32, #tpu.memory_space<vmem>> -> memref<80xi32, #tpu.memory_space<vmem>>
      %dma_wait3A_103 = tpu.memref_slice %arg2[%mul3A_94] : memref<640000xi32, #tpu.memory_space<hbm>> -> memref<80xi32, #tpu.memory_space<hbm>>
      tpu.wait_dma2 semaphore(%dma_wait3A_99 : memref<!tpu.dma_semaphore, #tpu.memory_space<semaphore_mem>>) src(%dma_wait3A_103 : memref<80xi32, #tpu.memory_space<hbm>>) dst(%dma_wait3A_102 : memref<80xi32, #tpu.memory_space<vmem>>)
      %rem3A_104 = arith.constant 4 : i32
      %rem3A_105 = arith.remsi %scan3A_82, %rem3A_104 : i32
      %dma_start3A_106 = arith.constant 0 : i32
      %dma_start3A_107 = tpu.memref_slice %arg4[%rem3A_105, %dma_start3A_106] : memref<4x80xi32, #tpu.memory_space<vmem>> -> memref<1x80xi32, #tpu.memory_space<vmem>>
      %dma_start3A_108 = tpu.memref_squeeze %dma_start3A_107 : memref<1x80xi32, #tpu.memory_space<vmem>> -> memref<80xi32, #tpu.memory_space<vmem>>
      %dma_start3A_109 = arith.constant 0 : i32
      %dma_start3A_110 = arith.constant 0 : i32
      %dma_start3A_111 = tpu.memref_slice %arg6[%dma_start3A_109, %dma_start3A_110] : memref<10240x16xf32, #tpu.memory_space<vmem_shared>> -> memref<10240x16xf32, #tpu.memory_space<vmem_shared>>
      %dma_start3A_112 = tpu.memref_slice %arg8[%rem3A_105] : memref<4x!tpu.dma_semaphore, #tpu.memory_space<semaphore_mem>> -> memref<1x!tpu.dma_semaphore, #tpu.memory_space<semaphore_mem>>
      %dma_start3A_113 = tpu.memref_squeeze %dma_start3A_112 : memref<1x!tpu.dma_semaphore, #tpu.memory_space<semaphore_mem>> -> memref<!tpu.dma_semaphore, #tpu.memory_space<semaphore_mem>>
      tpu.enqueue_indirect_dma source(%arg5 : memref<80x16xf32, #tpu.memory_space<vmem>>) target(%dma_start3A_111 : memref<10240x16xf32, #tpu.memory_space<vmem_shared>>) offsets(%dma_start3A_108 : memref<80xi32, #tpu.memory_space<vmem>>) semaphore(%dma_start3A_113 : memref<!tpu.dma_semaphore, #tpu.memory_space<semaphore_mem>>) {add = true}
      %scan3A_114 = arith.constant 0 : i32
      scf.yield %scan3A_114 : i32
    }
    %scan3A_66 = arith.constant 125 : i32
    %scan3A_67 = arith.constant 0 : i32
    %scan3A_68 = arith.constant 0 : i32
    %scan3A_69 = arith.constant 4 : i32
    %scan3A_70 = arith.addi %scan3A_68, %scan3A_69 : i32
    %scan3A_71 = arith.constant 1 : i32
    %scan3A_72 = scf.for %scan3A_82 = %scan3A_68 to %scan3A_70 step %scan3A_71 iter_args(%scan3A_83 = %scan3A_67) -> (i32)  : i32 {
      %add3A_84 = arith.constant 121 : i32
      %add3A_85 = arith.addi %add3A_84, %scan3A_82 : i32
      %rem3A_86 = arith.constant 4 : i32
      %rem3A_87 = arith.remsi %add3A_85, %rem3A_86 : i32
      %dma_wait3A = arith.constant 0 : i32
      %dma_wait3A_88 = tpu.memref_slice %arg4[%rem3A_87, %dma_wait3A] : memref<4x80xi32, #tpu.memory_space<vmem>> -> memref<1x80xi32, #tpu.memory_space<vmem>>
      %dma_wait3A_89 = tpu.memref_squeeze %dma_wait3A_88 : memref<1x80xi32, #tpu.memory_space<vmem>> -> memref<80xi32, #tpu.memory_space<vmem>>
      %dma_wait3A_90 = arith.constant 0 : i32
      %dma_wait3A_91 = arith.constant 0 : i32
      %dma_wait3A_92 = tpu.memref_slice %arg6[%dma_wait3A_90, %dma_wait3A_91] : memref<10240x16xf32, #tpu.memory_space<vmem_shared>> -> memref<10240x16xf32, #tpu.memory_space<vmem_shared>>
      %dma_wait3A_93 = tpu.memref_slice %arg8[%rem3A_87] : memref<4x!tpu.dma_semaphore, #tpu.memory_space<semaphore_mem>> -> memref<1x!tpu.dma_semaphore, #tpu.memory_space<semaphore_mem>>
      %dma_wait3A_94 = tpu.memref_squeeze %dma_wait3A_93 : memref<1x!tpu.dma_semaphore, #tpu.memory_space<semaphore_mem>> -> memref<!tpu.dma_semaphore, #tpu.memory_space<semaphore_mem>>
      tpu.wait_indirect_dma semaphore(%dma_wait3A_94 : memref<!tpu.dma_semaphore, #tpu.memory_space<semaphore_mem>>) src(%arg5 : memref<80x16xf32, #tpu.memory_space<vmem>>) dst(%dma_wait3A_92 : memref<10240x16xf32, #tpu.memory_space<vmem_shared>>)
      %scan3A_95 = arith.constant 0 : i32
      scf.yield %scan3A_95 : i32
    }
    %scan3A_73 = arith.constant 4 : i32
    %barrier3A_74 = arith.constant 0 : index
    tpu.barrier barrier_id(%barrier3A_74)
    %scan3A_75 = arith.constant 0 : i32
    %scan3A_76 = arith.constant 0 : i32
    %scan3A_77 = arith.constant 5 : i32
    %scan3A_78 = arith.addi %scan3A_76, %scan3A_77 : i32
    %scan3A_79 = arith.constant 1 : i32
    %scan3A_80 = scf.for %scan3A_82 = %scan3A_76 to %scan3A_78 step %scan3A_79 iter_args(%scan3A_83 = %scan3A_75) -> (i32)  : i32 {
      %mul3A_84 = arith.constant 640 : i32
      %mul3A_85 = arith.muli %arg1, %mul3A_84 : i32
      %mul3A_86 = arith.constant 128 : i32
      %mul3A_87 = arith.muli %scan3A_82, %mul3A_86 : i32
      %add3A_88 = arith.addi %mul3A_85, %mul3A_87 : i32
      "tpu.region"() ({
        %run_scoped3A = tpu.sem_alloc : memref<!tpu.dma_semaphore, #tpu.memory_space<semaphore_mem>>
        %dma_start3A_90 = arith.constant 0 : i32
        %dma_start3A_91 = tpu.memref_slice %arg3[%arg0, %add3A_88, %dma_start3A_90] : memref<2x10240x16xf32, #tpu.memory_space<hbm>> -> memref<1x128x16xf32, #tpu.memory_space<hbm>>
        %dma_start3A_92 = tpu.memref_squeeze %dma_start3A_91 : memref<1x128x16xf32, #tpu.memory_space<hbm>> -> memref<128x16xf32, #tpu.memory_space<hbm>>
        %dma_start3A_93 = arith.constant 0 : i32
        %dma_start3A_94 = tpu.memref_slice %arg6[%add3A_88, %dma_start3A_93] : memref<10240x16xf32, #tpu.memory_space<vmem_shared>> -> memref<128x16xf32, #tpu.memory_space<vmem_shared>>
        tpu.enqueue_dma source(%dma_start3A_94 : memref<128x16xf32, #tpu.memory_space<vmem_shared>>) target(%dma_start3A_92 : memref<128x16xf32, #tpu.memory_space<hbm>>) target_semaphore(%run_scoped3A : memref<!tpu.dma_semaphore, #tpu.memory_space<semaphore_mem>>)
        %dma_wait3A = arith.constant 0 : i32
        %dma_wait3A_95 = tpu.memref_slice %arg3[%arg0, %add3A_88, %dma_wait3A] : memref<2x10240x16xf32, #tpu.memory_space<hbm>> -> memref<1x128x16xf32, #tpu.memory_space<hbm>>
        %dma_wait3A_96 = tpu.memref_squeeze %dma_wait3A_95 : memref<1x128x16xf32, #tpu.memory_space<hbm>> -> memref<128x16xf32, #tpu.memory_space<hbm>>
        %dma_wait3A_97 = arith.constant 0 : i32
        %dma_wait3A_98 = tpu.memref_slice %arg6[%add3A_88, %dma_wait3A_97] : memref<10240x16xf32, #tpu.memory_space<vmem_shared>> -> memref<128x16xf32, #tpu.memory_space<vmem_shared>>
        tpu.wait_dma2 semaphore(%run_scoped3A : memref<!tpu.dma_semaphore, #tpu.memory_space<semaphore_mem>>) src(%dma_wait3A_98 : memref<128x16xf32, #tpu.memory_space<vmem_shared>>) dst(%dma_wait3A_96 : memref<128x16xf32, #tpu.memory_space<hbm>>)
        tpu.yield
      }) : () -> ()
      %scan3A_89 = arith.constant 0 : i32
      scf.yield %scan3A_89 : i32
    }
    %scan3A_81 = arith.constant 5 : i32
    return
  }
}

module attributes {stable_mosaic.version = 14 : i64} {
  func.func @body(%arg0: i32, %arg1: memref<1000x128xf32, #tpu.memory_space<vmem>>, %arg2: memref<128x128xf32, #tpu.memory_space<vmem>>, %arg3: memref<1x128xf32, #tpu.memory_space<vmem>>, %arg4: memref<1000x128xf32, #tpu.memory_space<vmem>>) attributes {dimension_semantics = [#tpu.dimension_semantics<arbitrary>], iteration_bounds = array<i64: 10>, scalar_prefetch = 0 : i64, scratch_operands = 0 : i64, tpu.core_type = #tpu.core_type<tc>, window_params = [{transform_indices = @transform_0, window_bounds = array<i64: 1000, 128>}, {pipeline_mode = #tpu.pipeline_mode<synchronous>, transform_indices = @transform_1, window_bounds = array<i64: 128, 128>}, {pipeline_mode = #tpu.pipeline_mode<synchronous>, transform_indices = @transform_2, window_bounds = array<i64: 1, 128>}, {transform_indices = @transform_3, window_bounds = array<i64: 1000, 128>}]} {
    %get3A = arith.constant 0 : index
    %get3A_0 = arith.constant 0 : index
    %get3A_1 = vector.load %arg1[%get3A, %get3A_0] : memref<1000x128xf32, #tpu.memory_space<vmem>>, vector<1000x128xf32>
    %get3A_2 = arith.constant 0 : index
    %get3A_3 = arith.constant 0 : index
    %get3A_4 = vector.load %arg2[%get3A_2, %get3A_3] : memref<128x128xf32, #tpu.memory_space<vmem>>, vector<128x128xf32>
    %dot_general3A = arith.constant dense<0.000000e+00> : vector<1000x128xf32>
    %dot_general3A_5 = tpu.matmul %get3A_1, %get3A_4, %dot_general3A {dimension_numbers = #tpu.dot_dimension_numbers<[1], [0], [0], [1], [0, 0, 1, 1], [], []>, transpose_lhs_hint = false} : vector<1000x128xf32>, vector<128x128xf32>, vector<1000x128xf32> -> vector<1000x128xf32>
    %get3A_6 = arith.constant 0 : index
    %get3A_7 = arith.constant 0 : index
    %get3A_8 = vector.load %arg3[%get3A_6, %get3A_7] : memref<1x128xf32, #tpu.memory_space<vmem>>, vector<1x128xf32>
    %add3A = vector.broadcast %get3A_8 : vector<1x128xf32> to vector<1000x128xf32>
    %add3A_9 = arith.addf %dot_general3A_5, %add3A : vector<1000x128xf32>
    %swap3A = arith.constant 0 : index
    %swap3A_10 = arith.constant 0 : index
    %swap3A_11 = vector.load %arg4[%swap3A, %swap3A_10] : memref<1000x128xf32, #tpu.memory_space<vmem>>, vector<1000x128xf32>
    tpu.vector_store %arg4[%swap3A, %swap3A_10], %add3A_9 {strides = array<i32>} : memref<1000x128xf32, #tpu.memory_space<vmem>>, vector<1000x128xf32>,
    return
  }
  func.func @transform_0(%arg0: i32) -> (i32, i32) {
    %c0_i32 = arith.constant 0 : i32
    %c0_i32_0 = arith.constant 0 : i32
    return %arg0, %c0_i32 : i32, i32
  }
  func.func @transform_1(%arg0: i32) -> (i32, i32) {
    %c0_i32 = arith.constant 0 : i32
    %c0_i32_0 = arith.constant 0 : i32
    %c0_i32_1 = arith.constant 0 : i32
    return %c0_i32, %c0_i32_0 : i32, i32
  }
  func.func @transform_2(%arg0: i32) -> (i32, i32) {
    %c0_i32 = arith.constant 0 : i32
    %c0_i32_0 = arith.constant 0 : i32
    %c0_i32_1 = arith.constant 0 : i32
    return %c0_i32, %c0_i32_0 : i32, i32
  }
  func.func @transform_3(%arg0: i32) -> (i32, i32) {
    %c0_i32 = arith.constant 0 : i32
    %c0_i32_0 = arith.constant 0 : i32
    return %arg0, %c0_i32 : i32, i32
  }
}

module attributes {stable_mosaic.version = 14 : i64} {
  func.func @body(%arg0: i32, %arg1: memref<1000x128xf32, #tpu.memory_space<vmem>>, %arg2: memref<2x1000x16xf32, #tpu.memory_space<vmem>>, %arg3: memref<1000x128xf32, #tpu.memory_space<vmem>>) attributes {dimension_semantics = [#tpu.dimension_semantics<arbitrary>], iteration_bounds = array<i64: 10>, scalar_prefetch = 0 : i64, scratch_operands = 0 : i64, tpu.core_type = #tpu.core_type<tc>, window_params = [{transform_indices = @transform_0, window_bounds = array<i64: 1000, 128>}, {transform_indices = @transform_1, window_bounds = array<i64: 2, 1000, 16>}, {transform_indices = @transform_2, window_bounds = array<i64: 1000, 128>}]} {
    %get3A = arith.constant 0 : index
    %get3A_0 = arith.constant 0 : index
    %get3A_1 = vector.load %arg1[%get3A, %get3A_0] : memref<1000x128xf32, #tpu.memory_space<vmem>>, vector<1000x128xf32>
    %get3A_2 = arith.constant 0 : index
    %get3A_3 = arith.constant 0 : index
    %get3A_4 = arith.constant 0 : index
    %get3A_5 = vector.load %arg2[%get3A_2, %get3A_3, %get3A_4] : memref<2x1000x16xf32, #tpu.memory_space<vmem>>, vector<2x1000x16xf32>
    %slice3A = vector.extract_strided_slice %get3A_5 {offsets = [0, 0, 0], sizes = [1, 1000, 1], strides = [1, 1, 1]} : vector<2x1000x16xf32> to vector<1x1000x1xf32>
    %squeeze3A = vector.shape_cast %slice3A : vector<1x1000x1xf32> to vector<1000x1xf32>
    %slice3A_6 = vector.extract_strided_slice %get3A_5 {offsets = [1, 0, 0], sizes = [1, 1000, 1], strides = [1, 1, 1]} : vector<2x1000x16xf32> to vector<1x1000x1xf32>
    %squeeze3A_7 = vector.shape_cast %slice3A_6 : vector<1x1000x1xf32> to vector<1000x1xf32>
    %add3A = arith.addf %squeeze3A, %squeeze3A_7 : vector<1000x1xf32>
    %add3A_8 = arith.constant 1.000000e+00 : f32
    %add3A_9 = vector.broadcast %add3A_8 : f32 to vector<1000x1xf32>
    %add3A_10 = arith.addf %add3A, %add3A_9 : vector<1000x1xf32>
    %rsqrt3A = math.rsqrt %add3A_10 : vector<1000x1xf32>
    %mul3A = vector.broadcast %rsqrt3A : vector<1000x1xf32> to vector<1000x128xf32>
    %mul3A_11 = arith.mulf %get3A_1, %mul3A : vector<1000x128xf32>
    %swap3A = arith.constant 0 : index
    %swap3A_12 = arith.constant 0 : index
    %swap3A_13 = vector.load %arg3[%swap3A, %swap3A_12] : memref<1000x128xf32, #tpu.memory_space<vmem>>, vector<1000x128xf32>
    tpu.vector_store %arg3[%swap3A, %swap3A_12], %mul3A_11 {strides = array<i32>} : memref<1000x128xf32, #tpu.memory_space<vmem>>, vector<1000x128xf32>,
    return
  }
  func.func @transform_0(%arg0: i32) -> (i32, i32) {
    %c0_i32 = arith.constant 0 : i32
    %c0_i32_0 = arith.constant 0 : i32
    return %arg0, %c0_i32 : i32, i32
  }
  func.func @transform_1(%arg0: i32) -> (i32, i32, i32) {
    %c0_i32 = arith.constant 0 : i32
    %c0_i32_0 = arith.constant 0 : i32
    %c0_i32_1 = arith.constant 0 : i32
    return %c0_i32, %arg0, %c0_i32_0 : i32, i32, i32
  }
  func.func @transform_2(%arg0: i32) -> (i32, i32) {
    %c0_i32 = arith.constant 0 : i32
    %c0_i32_0 = arith.constant 0 : i32
    return %arg0, %c0_i32 : i32, i32
  }
}

module attributes {stable_mosaic.version = 14 : i64} {
  func.func @body(%arg0: i32, %arg1: memref<2x1000x16xf32, #tpu.memory_space<vmem>>, %arg2: memref<2x1000x128xf32, #tpu.memory_space<vmem>>, %arg3: memref<1000x128xf32, #tpu.memory_space<vmem>>, %arg4: memref<128x128xf32, #tpu.memory_space<vmem>>, %arg5: memref<1x128xf32, #tpu.memory_space<vmem>>, %arg6: memref<1000x128xf32, #tpu.memory_space<vmem>>) attributes {dimension_semantics = [#tpu.dimension_semantics<arbitrary>], iteration_bounds = array<i64: 10>, scalar_prefetch = 0 : i64, scratch_operands = 0 : i64, tpu.core_type = #tpu.core_type<tc>, window_params = [{transform_indices = @transform_0, window_bounds = array<i64: 2, 1000, 16>}, {transform_indices = @transform_1, window_bounds = array<i64: 2, 1000, 128>}, {transform_indices = @transform_2, window_bounds = array<i64: 1000, 128>}, {pipeline_mode = #tpu.pipeline_mode<synchronous>, transform_indices = @transform_3, window_bounds = array<i64: 128, 128>}, {pipeline_mode = #tpu.pipeline_mode<synchronous>, transform_indices = @transform_4, window_bounds = array<i64: 1, 128>}, {transform_indices = @transform_5, window_bounds = array<i64: 1000, 128>}]} {
    %get3A = arith.constant 0 : index
    %get3A_0 = arith.constant 0 : index
    %get3A_1 = arith.constant 0 : index
    %get3A_2 = vector.load %arg1[%get3A, %get3A_0, %get3A_1] : memref<2x1000x16xf32, #tpu.memory_space<vmem>>, vector<2x1000x16xf32>
    %slice3A = vector.extract_strided_slice %get3A_2 {offsets = [0, 0, 0], sizes = [1, 1000, 1], strides = [1, 1, 1]} : vector<2x1000x16xf32> to vector<1x1000x1xf32>
    %squeeze3A = vector.shape_cast %slice3A : vector<1x1000x1xf32> to vector<1000x1xf32>
    %slice3A_3 = vector.extract_strided_slice %get3A_2 {offsets = [1, 0, 0], sizes = [1, 1000, 1], strides = [1, 1, 1]} : vector<2x1000x16xf32> to vector<1x1000x1xf32>
    %squeeze3A_4 = vector.shape_cast %slice3A_3 : vector<1x1000x1xf32> to vector<1000x1xf32>
    %add3A = arith.addf %squeeze3A, %squeeze3A_4 : vector<1000x1xf32>
    %add3A_5 = arith.constant 1.000000e+00 : f32
    %add3A_6 = vector.broadcast %add3A_5 : f32 to vector<1000x1xf32>
    %add3A_7 = arith.addf %add3A, %add3A_6 : vector<1000x1xf32>
    %rsqrt3A = math.rsqrt %add3A_7 : vector<1000x1xf32>
    %get3A_8 = arith.constant 0 : index
    %get3A_9 = arith.constant 0 : index
    %get3A_10 = arith.constant 0 : index
    %get3A_11 = vector.load %arg2[%get3A_8, %get3A_9, %get3A_10] : memref<2x1000x128xf32, #tpu.memory_space<vmem>>, vector<1x1000x128xf32>
    %get3A_12 = vector.shape_cast %get3A_11 : vector<1x1000x128xf32> to vector<1000x128xf32>
    %get3A_13 = arith.constant 1 : index
    %get3A_14 = arith.constant 0 : index
    %get3A_15 = arith.constant 0 : index
    %get3A_16 = vector.load %arg2[%get3A_13, %get3A_14, %get3A_15] : memref<2x1000x128xf32, #tpu.memory_space<vmem>>, vector<1x1000x128xf32>
    %get3A_17 = vector.shape_cast %get3A_16 : vector<1x1000x128xf32> to vector<1000x128xf32>
    %add3A_18 = arith.addf %get3A_12, %get3A_17 : vector<1000x128xf32>
    %get3A_19 = arith.constant 0 : index
    %get3A_20 = arith.constant 0 : index
    %get3A_21 = vector.load %arg3[%get3A_19, %get3A_20] : memref<1000x128xf32, #tpu.memory_space<vmem>>, vector<1000x128xf32>
    %add3A_22 = arith.addf %add3A_18, %get3A_21 : vector<1000x128xf32>
    %mul3A = vector.broadcast %rsqrt3A : vector<1000x1xf32> to vector<1000x128xf32>
    %mul3A_23 = arith.mulf %mul3A, %add3A_22 : vector<1000x128xf32>
    %max3A = arith.constant 0.000000e+00 : f32
    %max3A_24 = vector.broadcast %max3A : f32 to vector<1000x128xf32>
    %max3A_25 = arith.maximumf %mul3A_23, %max3A_24 : vector<1000x128xf32>
    %get3A_26 = arith.constant 0 : index
    %get3A_27 = arith.constant 0 : index
    %get3A_28 = vector.load %arg4[%get3A_26, %get3A_27] : memref<128x128xf32, #tpu.memory_space<vmem>>, vector<128x128xf32>
    %dot_general3A = arith.constant dense<0.000000e+00> : vector<1000x128xf32>
    %dot_general3A_29 = tpu.matmul %max3A_25, %get3A_28, %dot_general3A {dimension_numbers = #tpu.dot_dimension_numbers<[1], [0], [0], [1], [0, 0, 1, 1], [], []>, transpose_lhs_hint = false} : vector<1000x128xf32>, vector<128x128xf32>, vector<1000x128xf32> -> vector<1000x128xf32>
    %get3A_30 = arith.constant 0 : index
    %get3A_31 = arith.constant 0 : index
    %get3A_32 = vector.load %arg5[%get3A_30, %get3A_31] : memref<1x128xf32, #tpu.memory_space<vmem>>, vector<1x128xf32>
    %add3A_33 = vector.broadcast %get3A_32 : vector<1x128xf32> to vector<1000x128xf32>
    %add3A_34 = arith.addf %dot_general3A_29, %add3A_33 : vector<1000x128xf32>
    %mul3A_35 = vector.broadcast %rsqrt3A : vector<1000x1xf32> to vector<1000x128xf32>
    %mul3A_36 = arith.mulf %add3A_34, %mul3A_35 : vector<1000x128xf32>
    %swap3A = arith.constant 0 : index
    %swap3A_37 = arith.constant 0 : index
    %swap3A_38 = vector.load %arg6[%swap3A, %swap3A_37] : memref<1000x128xf32, #tpu.memory_space<vmem>>, vector<1000x128xf32>
    tpu.vector_store %arg6[%swap3A, %swap3A_37], %mul3A_36 {strides = array<i32>} : memref<1000x128xf32, #tpu.memory_space<vmem>>, vector<1000x128xf32>,
    return
  }
  func.func @transform_0(%arg0: i32) -> (i32, i32, i32) {
    %c0_i32 = arith.constant 0 : i32
    %c0_i32_0 = arith.constant 0 : i32
    %c0_i32_1 = arith.constant 0 : i32
    return %c0_i32, %arg0, %c0_i32_0 : i32, i32, i32
  }
  func.func @transform_1(%arg0: i32) -> (i32, i32, i32) {
    %c0_i32 = arith.constant 0 : i32
    %c0_i32_0 = arith.constant 0 : i32
    %c0_i32_1 = arith.constant 0 : i32
    return %c0_i32, %arg0, %c0_i32_0 : i32, i32, i32
  }
  func.func @transform_2(%arg0: i32) -> (i32, i32) {
    %c0_i32 = arith.constant 0 : i32
    %c0_i32_0 = arith.constant 0 : i32
    return %arg0, %c0_i32 : i32, i32
  }
  func.func @transform_3(%arg0: i32) -> (i32, i32) {
    %c0_i32 = arith.constant 0 : i32
    %c0_i32_0 = arith.constant 0 : i32
    %c0_i32_1 = arith.constant 0 : i32
    return %c0_i32, %c0_i32_0 : i32, i32
  }
  func.func @transform_4(%arg0: i32) -> (i32, i32) {
    %c0_i32 = arith.constant 0 : i32
    %c0_i32_0 = arith.constant 0 : i32
    %c0_i32_1 = arith.constant 0 : i32
    return %c0_i32, %c0_i32_0 : i32, i32
  }
  func.func @transform_5(%arg0: i32) -> (i32, i32) {
    %c0_i32 = arith.constant 0 : i32
    %c0_i32_0 = arith.constant 0 : i32
    return %arg0, %c0_i32 : i32, i32
  }
}

module attributes {stable_mosaic.version = 14 : i64} {
  func.func @body(%arg0: i32, %arg1: memref<2x1000x16xf32, #tpu.memory_space<vmem>>, %arg2: memref<2x1000x128xf32, #tpu.memory_space<vmem>>, %arg3: memref<1000x128xf32, #tpu.memory_space<vmem>>, %arg4: memref<1000x128xf32, #tpu.memory_space<vmem>>) attributes {dimension_semantics = [#tpu.dimension_semantics<arbitrary>], iteration_bounds = array<i64: 10>, scalar_prefetch = 0 : i64, scratch_operands = 0 : i64, tpu.core_type = #tpu.core_type<tc>, window_params = [{transform_indices = @transform_0, window_bounds = array<i64: 2, 1000, 16>}, {transform_indices = @transform_1, window_bounds = array<i64: 2, 1000, 128>}, {transform_indices = @transform_2, window_bounds = array<i64: 1000, 128>}, {transform_indices = @transform_3, window_bounds = array<i64: 1000, 128>}]} {
    %get3A = arith.constant 0 : index
    %get3A_0 = arith.constant 0 : index
    %get3A_1 = arith.constant 0 : index
    %get3A_2 = vector.load %arg1[%get3A, %get3A_0, %get3A_1] : memref<2x1000x16xf32, #tpu.memory_space<vmem>>, vector<2x1000x16xf32>
    %slice3A = vector.extract_strided_slice %get3A_2 {offsets = [0, 0, 0], sizes = [1, 1000, 1], strides = [1, 1, 1]} : vector<2x1000x16xf32> to vector<1x1000x1xf32>
    %squeeze3A = vector.shape_cast %slice3A : vector<1x1000x1xf32> to vector<1000x1xf32>
    %slice3A_3 = vector.extract_strided_slice %get3A_2 {offsets = [1, 0, 0], sizes = [1, 1000, 1], strides = [1, 1, 1]} : vector<2x1000x16xf32> to vector<1x1000x1xf32>
    %squeeze3A_4 = vector.shape_cast %slice3A_3 : vector<1x1000x1xf32> to vector<1000x1xf32>
    %add3A = arith.addf %squeeze3A, %squeeze3A_4 : vector<1000x1xf32>
    %add3A_5 = arith.constant 1.000000e+00 : f32
    %add3A_6 = vector.broadcast %add3A_5 : f32 to vector<1000x1xf32>
    %add3A_7 = arith.addf %add3A, %add3A_6 : vector<1000x1xf32>
    %rsqrt3A = math.rsqrt %add3A_7 : vector<1000x1xf32>
    %get3A_8 = arith.constant 0 : index
    %get3A_9 = arith.constant 0 : index
    %get3A_10 = arith.constant 0 : index
    %get3A_11 = vector.load %arg2[%get3A_8, %get3A_9, %get3A_10] : memref<2x1000x128xf32, #tpu.memory_space<vmem>>, vector<1x1000x128xf32>
    %get3A_12 = vector.shape_cast %get3A_11 : vector<1x1000x128xf32> to vector<1000x128xf32>
    %get3A_13 = arith.constant 1 : index
    %get3A_14 = arith.constant 0 : index
    %get3A_15 = arith.constant 0 : index
    %get3A_16 = vector.load %arg2[%get3A_13, %get3A_14, %get3A_15] : memref<2x1000x128xf32, #tpu.memory_space<vmem>>, vector<1x1000x128xf32>
    %get3A_17 = vector.shape_cast %get3A_16 : vector<1x1000x128xf32> to vector<1000x128xf32>
    %add3A_18 = arith.addf %get3A_12, %get3A_17 : vector<1000x128xf32>
    %get3A_19 = arith.constant 0 : index
    %get3A_20 = arith.constant 0 : index
    %get3A_21 = vector.load %arg3[%get3A_19, %get3A_20] : memref<1000x128xf32, #tpu.memory_space<vmem>>, vector<1000x128xf32>
    %add3A_22 = arith.addf %add3A_18, %get3A_21 : vector<1000x128xf32>
    %mul3A = vector.broadcast %rsqrt3A : vector<1000x1xf32> to vector<1000x128xf32>
    %mul3A_23 = arith.mulf %mul3A, %add3A_22 : vector<1000x128xf32>
    %max3A = arith.constant 0.000000e+00 : f32
    %max3A_24 = vector.broadcast %max3A : f32 to vector<1000x128xf32>
    %max3A_25 = arith.maximumf %mul3A_23, %max3A_24 : vector<1000x128xf32>
    %swap3A = arith.constant 0 : index
    %swap3A_26 = arith.constant 0 : index
    %swap3A_27 = vector.load %arg4[%swap3A, %swap3A_26] : memref<1000x128xf32, #tpu.memory_space<vmem>>, vector<1000x128xf32>
    tpu.vector_store %arg4[%swap3A, %swap3A_26], %max3A_25 {strides = array<i32>} : memref<1000x128xf32, #tpu.memory_space<vmem>>, vector<1000x128xf32>,
    return
  }
  func.func @transform_0(%arg0: i32) -> (i32, i32, i32) {
    %c0_i32 = arith.constant 0 : i32
    %c0_i32_0 = arith.constant 0 : i32
    %c0_i32_1 = arith.constant 0 : i32
    return %c0_i32, %arg0, %c0_i32_0 : i32, i32, i32
  }
  func.func @transform_1(%arg0: i32) -> (i32, i32, i32) {
    %c0_i32 = arith.constant 0 : i32
    %c0_i32_0 = arith.constant 0 : i32
    %c0_i32_1 = arith.constant 0 : i32
    return %c0_i32, %arg0, %c0_i32_0 : i32, i32, i32
  }
  func.func @transform_2(%arg0: i32) -> (i32, i32) {
    %c0_i32 = arith.constant 0 : i32
    %c0_i32_0 = arith.constant 0 : i32
    return %arg0, %c0_i32 : i32, i32
  }
  func.func @transform_3(%arg0: i32) -> (i32, i32) {
    %c0_i32 = arith.constant 0 : i32
    %c0_i32_0 = arith.constant 0 : i32
    return %arg0, %c0_i32 : i32, i32
  }
}

</mosaic_0001>

<sc_bundles>
// kernel: kernel.12.cloned.1.call-start
scs
__scs_entry_jumppad:
0x0: {  	(pc) =	sbr.rel $0x88, $3  }
0x1: {  	(tag) =	ssettag $0x0;
	lr =	simm.s32 $0x1  }
0x2: {  	[smem:$0x3F9B] =	sst lr;
	_ =	strace $0xD0000000  }
0x3: {  	_ = 	snop  }
0x4: {  	_ = 	snop  }
0x5: {  	_ = 	snop  }
0x6: {  	_ = 	snop  }
0x7: {  	_ = 	snop  }
__scs_overlays_trampoline_lowered:
0x8: {  	[smem:$0x3FAA] =	sst s0  }
0x9: {  	[smem:$0x3FAB] =	sst s1  }
0xa: {  	[smem:$0x3FAC] =	sst s2  }
0xb: {  	[smem:$0x3FAD] =	sst s3  }
0xc: {  	[smem:$0x3FAE] =	sst s4  }
0xd: {  	[smem:$0x3FAF] =	sst s5  }
0xe: {  	[smem:$0x3FB0] =	sst s6  }
0xf: {  	[smem:$0x3FB1] =	sst s7  }
0x10: {  	[smem:$0x3FB2] =	sst s8  }
0x11: {  	[smem:$0x3FB3] =	sst s9;
	s0 =	simm.s32 @!p0 $0x0  }
0x12: {  	s1 =	sld [smem:$0x3F99];
	s0 =	simm.s32 @p0 $0x1  }
0x13: {  	[smem:$0x3FB4] =	sst s0;
	s0 =	simm.s32 @!p1 $0x0  }
0x14: {  	s2 =	sld [smem:$0x3F98];
	s0 =	simm.s32 @p1 $0x1  }
0x15: {  	[smem:$0x3FB5] =	sst s0;
	s0 =	simm.s32 @!p2 $0x0  }
0x16: {  	s3 =	sld [smem:$0x3FDB];
	s0 =	simm.s32 @p2 $0x1  }
0x17: {  	s4 =	simm.s32 $0x1BF5;
	[smem:$0x3FB7] =	sst s0  }
0x18: {  	s0 =	sld [smem:$0x3F9A];
	_ =	swait.ge [sflag:s4], $0x0  }
0x19: {  	s7 =	sld [smem:$0x3F9B]  }
0x1a: {  	s8 =	sadd.s32 $0xFFFFE003, lr  }
0x1b: {  	s9 =	sadd.s32 $0xFFFFFEF7, lr;
	s5 =	simm.s32 $0xFFFFFFFF;
	p2 =	slt.u32 s8, $0xFFFFF086  }
0x1c: {  	p1 =	slt.u32 s9, $0xF7A;
	s5 =	simm.s32 @!p2 $0x0  }
0x1d: {  	s5 =	simm.s32 @p1 $0x1;
	p0 =	seq.s32 s7, s2  }
0x1e: {  	s7 =	smul.u32 @!p0 $0xF7A, s2;
	p2 =	seq.s32 @!p0 s5, $0x0  }
0x1f: {  	s9 =	smul.u32 $0xF7A, s1;
	s8 =	simm.s32 @!p0 $0x1BF5;
	p2 =	por !p2, p0  }
0x20: {  	[sflag:s8] =	ssyncset.s32 @!p0 $0xFFFFF086;
	s6 =	sadd.s32 @!p0 s3, s7;
	s7 =	simm.s32 @!p0 $0x108  }
0x21: {  	s3 =	sadd.s32 s3, s9;
	s6 =	sadd.s32 @!p0 $0x88, s6;
	s7 =	simm.s32 @p2 $0x1082  }
0x22: {  	[simem:s7], [sflag:s8] =	dma.local @!p0 [hbm:s6], $0xF7A  }
0x23: {  	s9 =	sor.u32 $0xD0000000, s2;
	s6 =	simm.s32 $0x108;
	_ =	swait.ge @!p0 [sflag:s8], $0x0  }
0x24: {  	s3 =	sadd.s32 $0x88, s3;
	s6 =	simm.s32 @!p1 $0x1082;
	[sflag:s4] =	ssyncset.s32 $0xFFFFF086  }
0x25: {  	[simem:s6], [sflag:s4] =	dma.local [hbm:s3], $0xF7A  }
0x26: {  	[smem:$0x3F9B] =	sst s1;
	(tag) =	ssettag s2;
	_ =	strace s9  }
0x27: {  	s1 =	sld [smem:$0x3FAB]  }
0x28: {  	s2 =	sld [smem:$0x3FAC]  }
0x29: {  	s4 =	sld [smem:$0x3FAE]  }
0x2a: {  	p0 =	seq.s32 s5, $0x0;
	s5 =	sld [smem:$0x3FAF]  }
0x2b: {  	s6 =	sld [smem:$0x3FB0]  }
0x2c: {  	s7 =	sld [smem:$0x3FB1]  }
0x2d: {  	s3 =	simm.s32 $0x108;
	s8 =	sld [smem:$0x3FB2]  }
0x2e: {  	s3 =	simm.s32 @!p0 $0x1082;
	s9 =	sld [smem:$0x3FB3]  }
0x2f: {  	lr =	sadd.s32 s0, s3;
	s0 =	sld [smem:$0x3FAA]  }
0x30: {  	s3 =	sld [smem:$0x3FAD]  }
0x31: {  	[smem:$0x3FB6] =	sst s10  }
0x32: {  	s10 =	sld [smem:$0x3FB4];
	_ =	sdelay $0x3  }
0x33: {  	p0 =	seq.s32 s10, $0x1;
	s10 =	sld [smem:$0x3FB6];
	_ =	sdelay $0x3  }
0x34: {  	[smem:$0x3FB6] =	sst s10  }
0x35: {  	s10 =	sld [smem:$0x3FB5];
	_ =	sdelay $0x3  }
0x36: {  	p1 =	seq.s32 s10, $0x1;
	s10 =	sld [smem:$0x3FB6];
	_ =	sdelay $0x3  }
0x37: {  	[smem:$0x3FB6] =	sst s10  }
0x38: {  	s10 =	sld [smem:$0x3FB7]  }
0x39: {  	_ = 	snop;
	(pc) =	sbr.ind lr, $3  }
0x3a: {  	_ = 	snop  }
0x3b: {  	_ = 	snop  }
0x3c: {  	p2 =	seq.s32 s10, $0x1;
	s10 =	sld [smem:$0x3FB6]  }
0x3d: {  	_ =	shalt  }
0x3e: {  	_ =	shalt  }
0x3f: {  	_ =	shalt  }
0x40: {  	_ =	shalt  }
0x41: {  	_ =	shalt  }
0x42: {  	_ =	shalt  }
0x43: {  	_ =	shalt  }
0x44: {  	_ =	shalt  }
0x45: {  	_ =	shalt  }
0x46: {  	_ =	shalt  }
0x47: {  	_ =	shalt  }
0x48: {  	_ =	shalt  }
0x49: {  	_ =	shalt  }
0x4a: {  	_ =	shalt  }
0x4b: {  	_ =	shalt  }
0x4c: {  	_ =	shalt  }
0x4d: {  	_ =	shalt  }
0x4e: {  	_ =	shalt  }
0x4f: {  	_ =	shalt  }
0x50: {  	_ =	shalt  }
0x51: {  	_ =	shalt  }
0x52: {  	_ =	shalt  }
0x53: {  	_ =	shalt  }
0x54: {  	_ =	shalt  }
0x55: {  	_ =	shalt  }
0x56: {  	_ =	shalt  }
0x57: {  	_ =	shalt  }
0x58: {  	_ =	shalt  }
0x59: {  	_ =	shalt  }
0x5a: {  	_ =	shalt  }
0x5b: {  	_ =	shalt  }
0x5c: {  	_ =	shalt  }
0x5d: {  	_ =	shalt  }
0x5e: {  	_ =	shalt  }
0x5f: {  	_ =	shalt  }
0x60: {  	_ =	shalt  }
0x61: {  	_ =	shalt  }
0x62: {  	_ =	shalt  }
0x63: {  	_ =	shalt  }
0x64: {  	_ =	shalt  }
0x65: {  	_ =	shalt  }
0x66: {  	_ =	shalt  }
0x67: {  	_ =	shalt  }
0x68: {  	_ =	shalt  }
0x69: {  	_ =	shalt  }
0x6a: {  	_ =	shalt  }
0x6b: {  	_ =	shalt  }
0x6c: {  	_ =	shalt  }
0x6d: {  	_ =	shalt  }
0x6e: {  	_ =	shalt  }
0x6f: {  	_ =	shalt  }
0x70: {  	_ =	shalt  }
0x71: {  	_ =	shalt  }
0x72: {  	_ =	shalt  }
0x73: {  	_ =	shalt  }
0x74: {  	_ =	shalt  }
0x75: {  	_ =	shalt  }
0x76: {  	_ =	shalt  }
0x77: {  	_ =	shalt  }
0x78: {  	_ =	shalt  }
0x79: {  	_ =	shalt  }
0x7a: {  	_ =	shalt  }
0x7b: {  	_ =	shalt  }
0x7c: {  	_ =	shalt  }
0x7d: {  	_ =	shalt  }
0x7e: {  	_ =	shalt  }
0x7f: {  	_ =	shalt  }
0x80: {  	_ =	shalt  }
0x81: {  	_ =	shalt  }
0x82: {  	_ =	shalt  }
0x83: {  	_ =	shalt  }
0x84: {  	_ =	shalt  }
0x85: {  	_ =	shalt  }
0x86: {  	_ =	shalt  }
0x87: {  	_ =	shalt  }
.Lfunc_end0:
.L_simem_size_0:
called_computation.1_lowered:
.L_overlay_start_0:
0x88: {  	s2 =	sld [smem:$0x3FD9]  }
0x89: {  	s3 =	sld [smem:$0x3FFE];
	_ =	sdelay $0x1  }
0x8a: {  	s1 =	srdreg.scid  }
0x8b: {  	s0 =	sand.u32 $0x1, s1  }
0x8c: {  	s17 =	sshll.u32 s0, $0xA;
	s2 =	sadd.s32 s3, s2  }
0x8d: {  	s2 =	sadd.s32 s2, s17  }
0x8e: {  	[smem:$0x3FC2] =	sst s2  }
0x8f: {  	_ = 	snop  }
0x90: {  	s2 =	sld [smem:$0x3FD0];
	(tm) =	ssettm $0x1  }
0x91: {  	s18 =	sld [smem:$0x3FFB];
	_ =	sdelay $0x3  }
0x92: {  	_ =	strace s18  }
0x93: {  	s3 =	sld [smem:$0x3FFC];
	_ =	sdelay $0x3  }
0x94: {  	_ =	strace s3  }
0x95: {  	s3 =	sld [smem:$0x3FFD];
	_ =	sdelay $0x3  }
0x96: {  	_ =	strace s3  }
0x97: {  	_ =	strace $0x8FFFFFFF  }
0x98: {  	s19 =	sld [smem:$0x3FDB];
	_ =	sdelay $0x1  }
0x99: {  	s4 =	simm.s32 $_scs_section_size  }
0x9a: {  	s5 =	simm.s32 $_size__tile_overlayer_lowered;
	s6 =	simm.s32 $_tile_overlayer_lowered  }
0x9b: {  	s22 =	simm.s32 $0x1BFF;
	s21 =	sshll.u32 s6, $0x1;
	s3 =	sadd.s32 s4, s19  }
0x9c: {  	s7 =	simm.s32 $0x0;
	s20 =	sshll.u32 s5, $0x1;
	s5 =	sadd.s32 s21, s3  }
0x9d: {  	[timem:s7], [sflag:s22] =	dma.local [hbm:s5], s20  }
0x9e: {  	_ =	swait.ge [sflag:s22], s20  }
0x9f: {  	s4 =	ssub.s32 $0x0, s20;
	[sflag:s22] =	ssyncset.done $0x0  }
0xa0: {  	[sflag:s22] =	ssyncadd.s32 s4;
	_ =	sdelay $0x1  }
0xa1: {  	s23 =	simm.s32 $0x1B8B  }
0xa2: {  	_ =	swait.ge [sflag:s23], $0x1  }
0xa3: {  	[sflag:s23] =	ssyncset.done $0x0  }
0xa4: {  	s25 =	simm.s32 $0x1B8E;
	s24 =	sld [smem:$0x3FFE];
	[sflag:s23] =	ssyncadd.s32 $0xFFFFFFFF  }
0xa5: {  	s26 =	simm.s32 $execute0_lowered;
	[smem:$0x3FD2] =	sst s25  }
0xa6: {  	s5 =	sshll.u32 s26, $0x1;
	_ =	strace $0x80000049;
	[dreg:$0x1] =	wrdreg $0xFFFFFFFF  }
0xa7: {  	s28 =	simm.s32 $_size_execute0_lowered;
	s3 =	sadd.s32 s3, s5;
	[dreg:$0x0] =	wrdreg $0x0  }
0xa8: {  	s5 =	sshll.u32 s28, $0x1;
	[dreg:$0x2] =	wrdreg s3  }
0xa9: {  	[dreg:$0x3] =	wrdreg s5  }
0xaa: {  	[dreg:$0x4] =	wrdreg $0xC0  }
0xab: {  	_ =	task [dreg:s7], $0x5FFFF  }
0xac: {  	[dreg:$0x1] =	wrdreg $0xFFFFFFFF  }
0xad: {  	[dreg:$0x0] =	wrdreg $0x60  }
0xae: {  	[dreg:$0x2] =	wrdreg s2  }
0xaf: {  	[dreg:$0x3] =	wrdreg s24  }
0xb0: {  	[dreg:$0x4] =	wrdreg $0x7A800  }
0xb1: {  	[dreg:$0x5] =	wrdreg $0x9  }
0xb2: {  	_ =	task.clear_ibuf [dreg:s7], $0x6FFFF;
	_ =	strace $0x90000049  }
0xb3: {  	s29 =	simm.s32 $0x9;
	_ =	strace $0x8000004B  }
0xb4: {  	_ =	swait.ge [sflag:s29], $0x1  }
0xb5: {  	[sflag:s29] =	ssyncadd.s32 $0xFFFFFFFF  }
0xb6: {  	_ =	strace $0x9000004B  }
0xb7: {  	_ =	sfence  }
0xb8: {  	s30 =	sld [smem:$0x0];
	_ =	sdelay $0x2  }
0xb9: {  	s31 =	sshll.u32 s1, $0xD;
	s1 =	sshrl.u32 s1, $0x2  }
0xba: {  	s3 =	sand.u32 $0x4000, s31;
	s1 =	sadd.s32 s1, s30  }
0xbb: {  	s0 =	sor.u32 s3, s0;
	s1 =	sshll.u32 s1, $0x11  }
0xbc: {  	s0 =	sor.u32 s1, s0  }
0xbd: {  	s0 =	sadd.s32 $0x8F2B, s0  }
0xbe: {  	[sflag:s0] =	ssyncadd.remote.s32 $0x1  }
0xbf: {  	_ =	sfence.sel $0xFFFF  }
0xc0: {  	[dreg:$0x0] =	wrdreg $0xFFFFFFFF;
	(pc) =	sbr.abs _section_cstart, $3  }
0xc1: {  	[dreg:$0x1] =	wrdreg $0xFFFFFFFF  }
0xc2: {  	_ =	task.clear_ibuf [dreg:s7], $0x2FFFF;
	_ =	strace $0x9FFFFFFF  }
0xc3: {  	(tm) =	ssettm $0x7FFFFFFF  }
tec
execute0_lowered:
.L_overlay_start_1:
0x0: {  	(tag) =	ssettag $0x1  }
0x1: {  	s1 =	rddreg [dreg:$0x0]  }
0x2: {  	s0 =	rddreg [dreg:$0x1]  }
0x3: {  	s2 =	rddreg [dreg:$0x2];
	s3 =	srdreg.scid  }
0x4: {  	s4 =	simm.s32 $0x0;
	s11 =	stileid.u32;
	s31 =	simm.s32 $0x1  }
0x5: {  	s3 =	sand.u32 $0x1, s3;
	[smem:$0x7FF] =	sst s4;
	s10 =	smul.u32 $0x14000, s11  }
0x6: {  	s5 =	sshll.u32 s3, $0x4;
	_ =	strace $0x8000004A;
	s8 =	ssub.s32 $0x2, s3  }
0x7: {  	s3 =	smul.u32 $0x140000, s3;
	s7 =	sor.u32 s11, s5;
	s5 =	sadd.s32 $0x2400, s0  }
0x8: {  	s0 =	sadd.s32 $0x15E00, s0;
	s9 =	sshrl.u32 s8, $0x1;
	s11 =	smul.u32 $0x50000, s11  }
0x9: {  	s26 =	sadd.s32 $0x4000, s10;
	s17 =	sadd.s32 $0x8000, s10;
	s18 =	sadd.s32 $0xC000, s10  }
0xa: {  	s6 =	smul.u32 $0x2710, s7;
	s8 =	ssub.s32 s8, s9;
	s23 =	sadd.s32 s3, s10  }
0xb: {  	s7 =	smul.u32 $0x7D, s7;
	s21 =	sadd.s32 s3, s17;
	s9 =	sshrl.u32 s23, $0x3  }
0xc: {  	s25 =	sshrl.u32 s11, $0x2;
	s8 =	smax.u32 s8, $0x1;
	s11 =	simm.s32 $0x9  }
0xd: {  	s6 =	sshrl.u32 s6, $0x3;
	s24 =	sadd.s32 s0, s9;
	[dreg:$0x9] =	wrdreg s8  }
0xe: {  	s13 =	sadd.s32 s25, s2;
	s25 =	sadd.s32 s26, s2;
	s9 =	sadd.s32 s18, s2  }
0xf: {  	s6 =	sadd.s32 s5, s6;
	[dreg:$0x8] =	wrdreg s24;
	s14 =	sadd.s32 $0x2800, s13  }
0x10: {  	s15 =	sadd.s32 $0x5000, s13;
	s20 =	sadd.s32 $0x7800, s13;
	[dreg:$0x4] =	wrdreg s6  }
0x11: {  	s24 =	sadd.s32 s10, s2;
	s28 =	sadd.s32 $0xC800, s13;
	[dreg:$0xa] =	wrdreg s14  }
0x12: {  	s29 =	sadd.s32 $0xF000, s13;
	s22 =	sadd.s32 $0x9C40, s6;
	[dreg:$0xb] =	wrdreg s15  }
0x13: {  	s30 =	sadd.s32 $0x11800, s13;
	s12 =	sadd.s32 $0xA, s6;
	[dreg:$0x5] =	wrdreg s22  }
0x14: {  	s6 =	sadd.s32 $0x9C4A, s6;
	s14 =	sadd.s32 s3, s18;
	[dreg:$0x6] =	wrdreg s12  }
0x15: {  	s15 =	sadd.s32 $0x10000, s10;
	s10 =	simm.s32 $0x8;
	[dreg:$0x7] =	wrdreg s6  }
0x16: {  	s12 =	sadd.s32 s3, s26;
	s14 =	sshrl.u32 s14, $0x3;
	s3 =	sadd.s32 s3, s15  }
0x17: {  	s26 =	sadd.s32 s15, s2;
	s8 =	sshrl.u32 s12, $0x3;
	s12 =	sshrl.u32 s21, $0x3  }
0x18: {  	s23 =	sadd.s32 s0, s14;
	s3 =	sshrl.u32 s3, $0x3;
	s21 =	sshrl.u32 s24, $0x3  }
0x19: {  	s24 =	sshrl.u32 s9, $0x3;
	s9 =	simm.s32 $0xA;
	s16 =	sadd.s32 s0, s8  }
.Ltmp0:
0x1a: {  	s22 =	sadd.s32 s0, s12;
	[dreg:$0xe] =	wrdreg s23;
	(pc) =	sbr.rel .LBB2_1-.Ltmp0, $4  }
0x1b: {  	s19 =	sadd.s32 s0, s3;
	s8 =	sadd.s32 s17, s2;
	s0 =	simm.s32 $0x50  }
0x1c: {  	s3 =	simm.s32 $0x5280;
	s12 =	simm.s32 $0x0;
	[dreg:$0xc] =	wrdreg s16  }
0x1d: {  	[dreg:$0xd] =	wrdreg s22;
	s22 =	sshrl.u32 s25, $0x3;
	s23 =	sshrl.u32 s8, $0x3  }
0x1e: {  	v0 =	vimm.f32 $0.0e+00;
	s25 =	sshrl.u32 s26, $0x3;
	s26 =	sadd.s32 $0xA000, s13;
	s8 =	simm.s32 $0xB  }
.LBB2_10:
0x1f: {  	_ =	swait.ge [sflag:s9], $0x2800  }
0x20: {  	[sflag:s9] =	ssyncset.done $0x0  }
0x21: {  	[sflag:s9] =	ssyncadd.s32 $0xFFFFD800  }
0x22: {  	_ =	swait.ge [sflag:s10], $0x2800  }
0x23: {  	[sflag:s10] =	ssyncset.done $0x0  }
0x24: {  	[sflag:s10] =	ssyncadd.s32 $0xFFFFD800  }
0x25: {  	_ =	swait.ge [sflag:s11], $0x2800  }
0x26: {  	[sflag:s11] =	ssyncset.done $0x0  }
0x27: {  	s6 =	stileid.u32;
	[sflag:s11] =	ssyncadd.s32 $0xFFFFD800  }
0x28: {  	s6 =	sshll.u32 s6, $0x6;
	[bflag:$0x0] =	sbarrier.arrive $0xFFFF  }
0x29: {  	s6 =	sor.u32 $0x1C0B, s6;
	s14 =	rddreg [dreg:$0x8]  }
0x2a: {  	[hbm:s14], [sflag:s6] =	dma.local [spmem:s21], $0x800  }
0x2b: {  	_ =	swait.ge [sflag:s8], $0x800  }
0x2c: {  	[sflag:s8] =	ssyncset.done $0x0  }
0x2d: {  	s15 =	rddreg [dreg:$0xc];
	[sflag:s8] =	ssyncadd.s32 $0xFFFFF800  }
0x2e: {  	[hbm:s15], [sflag:s6] =	dma.local [spmem:s22], $0x800  }
0x2f: {  	_ =	swait.ge [sflag:s8], $0x800  }
0x30: {  	[sflag:s8] =	ssyncset.done $0x0  }
0x31: {  	s16 =	rddreg [dreg:$0xd];
	[sflag:s8] =	ssyncadd.s32 $0xFFFFF800  }
0x32: {  	[hbm:s16], [sflag:s6] =	dma.local [spmem:s23], $0x800  }
0x33: {  	_ =	swait.ge [sflag:s8], $0x800  }
0x34: {  	[sflag:s8] =	ssyncset.done $0x0  }
0x35: {  	s17 =	rddreg [dreg:$0xe];
	[sflag:s8] =	ssyncadd.s32 $0xFFFFF800  }
0x36: {  	[hbm:s17], [sflag:s6] =	dma.local [spmem:s24], $0x800  }
0x37: {  	_ =	swait.ge [sflag:s8], $0x800  }
0x38: {  	[sflag:s8] =	ssyncset.done $0x0  }
0x39: {  	[sflag:s8] =	ssyncadd.s32 $0xFFFFF800  }
0x3a: {  	[hbm:s19], [sflag:s6] =	dma.local [spmem:s25], $0x800  }
0x3b: {  	_ =	swait.ge [sflag:s8], $0x800  }
0x3c: {  	s12 =	sadd.s32 $0x1, s12;
	s18 =	rddreg [dreg:$0x9]  }
0x3d: {  	p0 =	sne.s32 s12, s18  }
.Ltmp1:
0x3e: {  	_ = 	snop;
	(pc) =	sbr.rel @!p0 .LBB2_11-.Ltmp1, $3  }
0x3f: {  	_ =	sdelay $0x1  }
0x40: {  	[sflag:s8] =	ssyncset.done $0x0  }
0x41: {  	[sflag:s8] =	ssyncadd.s32 $0xFFFFF800  }
.LBB2_1:
0x42: {  	s6 =	rddreg [dreg:$0x4]  }
0x43: {  	[tilespmem:s4], [sflag:$0x1] =	stream.linear.gather [hbm4b:s6+s4], $0x50, $0x38;
	[tilespmem:$0x1BA80] =	vst v63  }
0x44: {  	s18 =	rddreg [dreg:$0x5];
	s14 =	simm.s32 $0x140  }
0x45: {  	[tilespmem:s14], [sflag:$0x1] =	stream.linear.gather [hbm4b:s18+s4], $0x50, $0x38;
	[tilespmem:$0x1BA80] =	vst v63  }
0x46: {  	s15 =	rddreg [dreg:$0x6]  }
0x47: {  	[tilespmem:s0], [sflag:$0x2] =	stream.linear.gather [hbm4b:s15+s4], $0x50, $0x38;
	[tilespmem:$0x1BA80] =	vst v63  }
0x48: {  	s16 =	rddreg [dreg:$0x7];
	s17 =	simm.s32 $0x190  }
0x49: {  	[tilespmem:s17], [sflag:$0x2] =	stream.linear.gather [hbm4b:s16+s4], $0x50, $0x38;
	[tilespmem:$0x1BA80] =	vst v63  }
0x4a: {  	_ =	swait.ge [sflag:s31], $0x50  }
0x4b: {  	[sflag:s31] =	ssyncset.done $0x0  }
0x4c: {  	[sflag:s31] =	ssyncadd.s32 $0xFFFFFFB0  }
0x4d: {  	_ =	swait.ge [sflag:s31], $0x50  }
0x4e: {  	s18 =	simm.s32 $0x280;
	[sflag:s31] =	ssyncset.done $0x0  }
0x4f: {  	s14 =	simm.s32 $0x0;
	s15 =	simm.s32 $0x200;
	[sflag:s31] =	ssyncadd.s32 $0xFFFFFFB0  }
0x50: {  	[tilespmem:s18], [sflag:$0x5] =	stream.indirect.gather [hbm4b:s1+s0], $0x80, s4, s0, $0xb8;
	[tilespmem:$0x1BA80] =	vst v63  }
.LBB2_2:
0x51: {  	p0 =	seq.s32 s15, $0x9E00;
	[tilespmem:s14+$0x52F0] =	vst v0  }
0x52: {  	[tilespmem:s14+$0x5280] =	vst v0  }
0x53: {  	[tilespmem:s14+$0x5290] =	vst v0  }
.Ltmp2:
0x54: {  	[tilespmem:s14+$0x52A0] =	vst v0;
	(pc) =	sbr.rel @!p0 .LBB2_2-.Ltmp2, $4  }
0x55: {  	[tilespmem:s14+$0x52B0] =	vst v0  }
0x56: {  	[tilespmem:s14+$0x52C0] =	vst v0  }
0x57: {  	[tilespmem:s14+$0x52D0] =	vst v0  }
0x58: {  	[tilespmem:s14+$0x52E0] =	vst v0;
	s14 =	sshra.s32 s15, $0x2;
	s15 =	sadd.s32 $0x200, s15  }
0x59: {  	[tilespmem:s14+$0x52F0] =	vst v0  }
0x5a: {  	[tilespmem:s14+$0x5280] =	vst v0  }
0x5b: {  	[tilespmem:s14+$0x5290] =	vst v0  }
0x5c: {  	[tilespmem:s14+$0x52A0] =	vst v0  }
0x5d: {  	[tilespmem:s14+$0x52B0] =	vst v0  }
0x5e: {  	[tilespmem:s14+$0x52C0] =	vst v0  }
0x5f: {  	[tilespmem:s14+$0x52D0] =	vst v0  }
0x60: {  	[tilespmem:s14+$0x52E0] =	vst v0  }
0x61: {  	[spmem:s13] =	stream.linear.scatter [tilespmem:s3], [sflag:$0xB], $0x2800, $0x38;
	[tilespmem:$0x1BA80] =	vst v63  }
0x62: {  	_ =	swait.ge [sflag:s8], $0x2800  }
0x63: {  	[sflag:s8] =	ssyncset.done $0x0  }
0x64: {  	s6 =	rddreg [dreg:$0xa];
	[sflag:s8] =	ssyncadd.s32 $0xFFFFD800  }
0x65: {  	[spmem:s6] =	stream.linear.scatter [tilespmem:s3], [sflag:$0xB], $0x2800, $0x38;
	[tilespmem:$0x1BA80] =	vst v63  }
0x66: {  	_ =	swait.ge [sflag:s8], $0x2800  }
0x67: {  	[sflag:s8] =	ssyncset.done $0x0  }
0x68: {  	s18 =	rddreg [dreg:$0xb];
	[sflag:s8] =	ssyncadd.s32 $0xFFFFD800  }
0x69: {  	[spmem:s18] =	stream.linear.scatter [tilespmem:s3], [sflag:$0xB], $0x2800, $0x38;
	[tilespmem:$0x1BA80] =	vst v63  }
0x6a: {  	_ =	swait.ge [sflag:s8], $0x2800  }
0x6b: {  	[sflag:s8] =	ssyncset.done $0x0  }
0x6c: {  	[sflag:s8] =	ssyncadd.s32 $0xFFFFD800  }
0x6d: {  	[spmem:s20] =	stream.linear.scatter [tilespmem:s3], [sflag:$0xB], $0x2800, $0x38;
	[tilespmem:$0x1BA80] =	vst v63  }
0x6e: {  	_ =	swait.ge [sflag:s8], $0x2800  }
0x6f: {  	[sflag:s8] =	ssyncset.done $0x0  }
0x70: {  	[sflag:s8] =	ssyncadd.s32 $0xFFFFD800  }
0x71: {  	[spmem:s26] =	stream.linear.scatter [tilespmem:s3], [sflag:$0xB], $0x2800, $0x38;
	[tilespmem:$0x1BA80] =	vst v63  }
0x72: {  	_ =	swait.ge [sflag:s8], $0x2800  }
0x73: {  	[sflag:s8] =	ssyncset.done $0x0  }
0x74: {  	[sflag:s8] =	ssyncadd.s32 $0xFFFFD800  }
0x75: {  	[spmem:s28] =	stream.linear.scatter [tilespmem:s3], [sflag:$0xB], $0x2800, $0x38;
	[tilespmem:$0x1BA80] =	vst v63  }
0x76: {  	_ =	swait.ge [sflag:s8], $0x2800  }
0x77: {  	[sflag:s8] =	ssyncset.done $0x0  }
0x78: {  	[sflag:s8] =	ssyncadd.s32 $0xFFFFD800  }
0x79: {  	[spmem:s29] =	stream.linear.scatter [tilespmem:s3], [sflag:$0xB], $0x2800, $0x38;
	[tilespmem:$0x1BA80] =	vst v63  }
0x7a: {  	_ =	swait.ge [sflag:s8], $0x2800  }
0x7b: {  	[sflag:s8] =	ssyncset.done $0x0  }
0x7c: {  	[sflag:s8] =	ssyncadd.s32 $0xFFFFD800  }
0x7d: {  	[spmem:s30] =	stream.linear.scatter [tilespmem:s3], [sflag:$0xB], $0x2800, $0x38;
	[tilespmem:$0x1BA80] =	vst v63  }
.Ltmp3:
0x7e: {  	_ =	swait.ge [sflag:s8], $0x2800;
	(pc) =	sbr.rel .LBB2_4-.Ltmp3, $4  }
0x7f: {  	[sflag:s8] =	ssyncset.done $0x0  }
0x80: {  	[sflag:s8] =	ssyncadd.s32 $0xFFFFD800  }
0x81: {  	[bflag:$0x0] =	sbarrier.arrive $0xFFFF  }
0x82: {  	s14 =	simm.s32 $0x0  }
.LBB2_7:
0x83: {  	s6 =	sadd.s32 $0xFFFFFFFE, s14  }
0x84: {  	s15 =	sand.u32 $0xFF, s6  }
0x85: {  	s15 =	smul.u32 $0xAB, s15;
	_ =	sdelay $0x1  }
0x86: {  	s15 =	sshrl.u32 s15, $0x9  }
0x87: {  	s15 =	smul.u32 $0x3, s15;
	_ =	sdelay $0x1  }
0x88: {  	s6 =	ssub.s32 s6, s15  }
0x89: {  	s6 =	sor.u32 $0x8, s6  }
0x8a: {  	s6 =	sand.u32 $0xFF, s6  }
0x8b: {  	_ =	swait.ge [sflag:s6], $0x2800  }
0x8c: {  	[sflag:s6] =	ssyncset.done $0x0  }
0x8d: {  	[sflag:s6] =	ssyncadd.s32 $0xFFFFD800  }
.LBB2_8:
0x8e: {  	s6 =	smul.u32 $0xAB, s16;
	_ =	sdelay $0x1  }
0x8f: {  	s6 =	sshrl.u32 s6, $0x9  }
0x90: {  	s6 =	sand.u32 $0x7F, s6  }
0x91: {  	s15 =	sand.u32 $0x3, s16;
	s6 =	smul.u32 $0x3, s6  }
0x92: {  	s17 =	sadd.s32 $0x1, s15  }
0x93: {  	_ =	swait.ge [sflag:s17], $0x50;
	s6 =	ssub.s32 s16, s6  }
0x94: {  	s15 =	smul.u32 $0x140, s15;
	[sflag:s17] =	ssyncset.done $0x0;
	s6 =	sand.u32 $0xFF, s6  }
0x95: {  	[sflag:s17] =	ssyncadd.s32 $0xFFFFFFB0;
	s18 =	smul.u32 $0xA000, s6  }
0x96: {  	_ =	swait.ge [sflag:s17], $0x50  }
0x97: {  	s15 =	sshrl.u32 s15, $0x2;
	[sflag:s17] =	ssyncset.done $0x0;
	s18 =	sshrl.u32 s18, $0x2  }
0x98: {  	[sflag:s17] =	ssyncadd.s32 $0xFFFFFFB0;
	s6 =	sadd.s32 $0x5, s6;
	s17 =	sor.u32 $0x280, s18  }
0x99: {  	[tilespmem:s17], [sflag:s6] =	stream.indirect.gather [hbm4b:s1+s0], $0x80, s15, s0, $0xb8;
	[tilespmem:$0x1BA80] =	vst v63  }
0x9a: {  	s15 =	smov.u32 s16  }
.LBB2_9:
0x9b: {  	s6 =	smul.u32 $0xAB, s14;
	_ =	sdelay $0x1  }
0x9c: {  	s6 =	sshrl.u32 s6, $0x9  }
0x9d: {  	s6 =	sand.u32 $0x7F, s6  }
0x9e: {  	s6 =	smul.u32 $0x3, s6;
	_ =	sdelay $0x1  }
0x9f: {  	s18 =	sand.u32 $0x3, s14;
	s6 =	ssub.s32 s14, s6  }
0xa0: {  	s14 =	smul.u32 $0x140, s18;
	s6 =	sand.u32 $0xFF, s6  }
0xa1: {  	p0 =	slt.u32 s15, $0x7D;
	s16 =	smul.u32 $0xA000, s6;
	s17 =	sadd.s32 $0x5, s6  }
.Ltmp4:
0xa2: {  	s14 =	sshrl.u32 s14, $0x2;
	_ =	swait.ge [sflag:s17], $0x2800;
	(pc) =	sbr.rel @!p0 .LBB2_10-.Ltmp4, $4  }
0xa3: {  	s6 =	sor.u32 $0x8, s6;
	s16 =	sshrl.u32 s16, $0x2;
	[sflag:s17] =	ssyncset.done $0x0  }
0xa4: {  	s14 =	sadd.s32 $0x140, s14;
	s16 =	sor.u32 $0x280, s16;
	[sflag:s17] =	ssyncadd.s32 $0xFFFFD800  }
0xa5: {  	[spmem:s2] =	stream.indirect.scatter.add.f32 [tilespmem:s16], [sflag:s6], $0x80, s14, s0, $0xb8;
	[tilespmem:$0x1BA80] =	vst v63  }
0xa6: {  	s14 =	smov.u32 s15  }
.LBB2_4:
0xa7: {  	p0 =	slt.u32 s14, $0x7B  }
.Ltmp5:
0xa8: {  	_ = 	snop;
	(pc) =	sbr.rel @!p0 .LBB2_5-.Ltmp5, $1  }
0xa9: {  	_ =	sdelay $0x3  }
0xaa: {  	s15 =	sadd.s32 $0x2, s14  }
0xab: {  	s16 =	sadd.s32 s7, s15  }
0xac: {  	s16 =	smul.u32 $0x50, s16  }
0xad: {  	s15 =	sand.u32 $0x3, s15  }
0xae: {  	s6 =	smul.u32 $0x50, s15;
	s16 =	sshrl.u32 s16, $0x3  }
0xaf: {  	p0 =	slt.u32 s14, $0x2;
	s15 =	sadd.s32 $0x1, s15;
	s16 =	sadd.s32 s5, s16  }
0xb0: {  	[tilespmem:s6], [sflag:s15] =	stream.linear.gather [hbm4b:s16+s4], $0x50, $0x38;
	[tilespmem:$0x1BA80] =	vst v63  }
.Ltmp6:
0xb1: {  	_ = 	snop;
	(pc) =	sbr.rel @p0 .LBB2_8-.Ltmp6, $4  }
.Ltmp7:
0xb2: {  	_ = 	snop;
	(pc) =	sbr.rel @!p0 .LBB2_7-.Ltmp7, $4  }
0xb3: {  	s6 =	sadd.s32 $0x140, s6;
	s16 =	sadd.s32 $0x9C40, s16  }
0xb4: {  	[tilespmem:s6], [sflag:s15] =	stream.linear.gather [hbm4b:s16+s4], $0x50, $0x38;
	[tilespmem:$0x1BA80] =	vst v63  }
0xb5: {  	s16 =	sadd.s32 $0x1, s14  }
0xb6: {  	_ = 	snop  }
.LBB2_5:
0xb7: {  	p0 =	seq.s32 s14, $0x7C  }
.Ltmp8:
0xb8: {  	_ = 	snop;
	(pc) =	sbr.rel @p0 .LBB2_9-.Ltmp8, $4  }
.Ltmp9:
0xb9: {  	_ = 	snop;
	(pc) =	sbr.rel @!p0 .LBB2_7-.Ltmp9, $4  }
0xba: {  	_ = 	snop  }
0xbb: {  	_ = 	snop  }
0xbc: {  	s16 =	simm.s32 $0x7C;
	s15 =	simm.s32 $0x7D  }
0xbd: {  	_ = 	snop  }
.LBB2_11:
0xbe: {  	_ =	sfence.sel $0x180000  }
0xbf: {  	[bflag:$0x0] =	sbarrier.arrive $0xFFFF  }
0xc0: {  	_ =	strace $0x9000004A  }
0xc1: {  	s0 =	stileid.u32;
	[bflag:$0x2] =	sbarrier.arrive $0xFFFF  }
0xc2: {  	p0 =	sne.s32 s0, $0x0;
	s0 =	rddreg [dreg:$0x3]  }
0xc3: {  	s0 =	sadd.s32 @!p0 $0x100000, s0  }
0xc4: {  	[sflag:s0] =	ssyncadd.tile.s32 @!p0 $0x1;
	_ =	shalt  }
.Lfunc_end2:
_tile_overlayer_lowered:
.L_overlay_start_2:
0xc5: {  	(tag) =	ssettag $0x2  }
0xc6: {  	s0 =	rddreg [dreg:$0x0];
	s2 =	stileid.u32  }
0xc7: {  	s1 =	rddreg [dreg:$0x1];
	p0 =	sne.s32 s2, $0x0  }
0xc8: {  	s3 =	rddreg [dreg:$0x2];
	[bflag:$0x3] =	sbarrier.arrive $0xFFFF;
	s2 =	simm.s32 @!p0 $0x1C0B  }
0xc9: {  	[timem:s3], [sflag:s2] =	dma.local @!p0 [hbm:s0], s1  }
0xca: {  	s0 =	simm.s32 @!p0 $0xB  }
0xcb: {  	_ =	swait.ge @!p0 [sflag:s0], s1  }
0xcc: {  	s1 =	ssub.s32 @!p0 $0x0, s1;
	[sflag:s0] =	ssyncset.done @!p0 $0x0  }
0xcd: {  	[sflag:s0] =	ssyncadd.s32 @!p0 s1  }
0xce: {  	[bflag:$0x3] =	sbarrier.arrive $0xFFFF  }
0xcf: {  	_ =	shalt  }

// kernel: kernel.15.cloned.1.call-start
scs
__scs_entry_jumppad:
0x0: {  	(pc) =	sbr.rel $0x88, $3  }
0x1: {  	(tag) =	ssettag $0x0;
	lr =	simm.s32 $0x1  }
0x2: {  	[smem:$0x3F9B] =	sst lr;
	_ =	strace $0xD0000000  }
0x3: {  	_ = 	snop  }
0x4: {  	_ = 	snop  }
0x5: {  	_ = 	snop  }
0x6: {  	_ = 	snop  }
0x7: {  	_ = 	snop  }
__scs_overlays_trampoline_lowered:
0x8: {  	[smem:$0x3FAA] =	sst s0  }
0x9: {  	[smem:$0x3FAB] =	sst s1  }
0xa: {  	[smem:$0x3FAC] =	sst s2  }
0xb: {  	[smem:$0x3FAD] =	sst s3  }
0xc: {  	[smem:$0x3FAE] =	sst s4  }
0xd: {  	[smem:$0x3FAF] =	sst s5  }
0xe: {  	[smem:$0x3FB0] =	sst s6  }
0xf: {  	[smem:$0x3FB1] =	sst s7  }
0x10: {  	[smem:$0x3FB2] =	sst s8  }
0x11: {  	[smem:$0x3FB3] =	sst s9;
	s0 =	simm.s32 @!p0 $0x0  }
0x12: {  	s1 =	sld [smem:$0x3F99];
	s0 =	simm.s32 @p0 $0x1  }
0x13: {  	[smem:$0x3FB4] =	sst s0;
	s0 =	simm.s32 @!p1 $0x0  }
0x14: {  	s2 =	sld [smem:$0x3F98];
	s0 =	simm.s32 @p1 $0x1  }
0x15: {  	[smem:$0x3FB5] =	sst s0;
	s0 =	simm.s32 @!p2 $0x0  }
0x16: {  	s3 =	sld [smem:$0x3FDB];
	s0 =	simm.s32 @p2 $0x1  }
0x17: {  	s4 =	simm.s32 $0x1BF5;
	[smem:$0x3FB7] =	sst s0  }
0x18: {  	s0 =	sld [smem:$0x3F9A];
	_ =	swait.ge [sflag:s4], $0x0  }
0x19: {  	s7 =	sld [smem:$0x3F9B]  }
0x1a: {  	s8 =	sadd.s32 $0xFFFFE003, lr  }
0x1b: {  	s9 =	sadd.s32 $0xFFFFFEF7, lr;
	s5 =	simm.s32 $0xFFFFFFFF;
	p2 =	slt.u32 s8, $0xFFFFF086  }
0x1c: {  	p1 =	slt.u32 s9, $0xF7A;
	s5 =	simm.s32 @!p2 $0x0  }
0x1d: {  	s5 =	simm.s32 @p1 $0x1;
	p0 =	seq.s32 s7, s2  }
0x1e: {  	s7 =	smul.u32 @!p0 $0xF7A, s2;
	p2 =	seq.s32 @!p0 s5, $0x0  }
0x1f: {  	s9 =	smul.u32 $0xF7A, s1;
	s8 =	simm.s32 @!p0 $0x1BF5;
	p2 =	por !p2, p0  }
0x20: {  	[sflag:s8] =	ssyncset.s32 @!p0 $0xFFFFF086;
	s6 =	sadd.s32 @!p0 s3, s7;
	s7 =	simm.s32 @!p0 $0x108  }
0x21: {  	s3 =	sadd.s32 s3, s9;
	s6 =	sadd.s32 @!p0 $0x88, s6;
	s7 =	simm.s32 @p2 $0x1082  }
0x22: {  	[simem:s7], [sflag:s8] =	dma.local @!p0 [hbm:s6], $0xF7A  }
0x23: {  	s9 =	sor.u32 $0xD0000000, s2;
	s6 =	simm.s32 $0x108;
	_ =	swait.ge @!p0 [sflag:s8], $0x0  }
0x24: {  	s3 =	sadd.s32 $0x88, s3;
	s6 =	simm.s32 @!p1 $0x1082;
	[sflag:s4] =	ssyncset.s32 $0xFFFFF086  }
0x25: {  	[simem:s6], [sflag:s4] =	dma.local [hbm:s3], $0xF7A  }
0x26: {  	[smem:$0x3F9B] =	sst s1;
	(tag) =	ssettag s2;
	_ =	strace s9  }
0x27: {  	s1 =	sld [smem:$0x3FAB]  }
0x28: {  	s2 =	sld [smem:$0x3FAC]  }
0x29: {  	s4 =	sld [smem:$0x3FAE]  }
0x2a: {  	p0 =	seq.s32 s5, $0x0;
	s5 =	sld [smem:$0x3FAF]  }
0x2b: {  	s6 =	sld [smem:$0x3FB0]  }
0x2c: {  	s7 =	sld [smem:$0x3FB1]  }
0x2d: {  	s3 =	simm.s32 $0x108;
	s8 =	sld [smem:$0x3FB2]  }
0x2e: {  	s3 =	simm.s32 @!p0 $0x1082;
	s9 =	sld [smem:$0x3FB3]  }
0x2f: {  	lr =	sadd.s32 s0, s3;
	s0 =	sld [smem:$0x3FAA]  }
0x30: {  	s3 =	sld [smem:$0x3FAD]  }
0x31: {  	[smem:$0x3FB6] =	sst s10  }
0x32: {  	s10 =	sld [smem:$0x3FB4];
	_ =	sdelay $0x3  }
0x33: {  	p0 =	seq.s32 s10, $0x1;
	s10 =	sld [smem:$0x3FB6];
	_ =	sdelay $0x3  }
0x34: {  	[smem:$0x3FB6] =	sst s10  }
0x35: {  	s10 =	sld [smem:$0x3FB5];
	_ =	sdelay $0x3  }
0x36: {  	p1 =	seq.s32 s10, $0x1;
	s10 =	sld [smem:$0x3FB6];
	_ =	sdelay $0x3  }
0x37: {  	[smem:$0x3FB6] =	sst s10  }
0x38: {  	s10 =	sld [smem:$0x3FB7]  }
0x39: {  	_ = 	snop;
	(pc) =	sbr.ind lr, $3  }
0x3a: {  	_ = 	snop  }
0x3b: {  	_ = 	snop  }
0x3c: {  	p2 =	seq.s32 s10, $0x1;
	s10 =	sld [smem:$0x3FB6]  }
0x3d: {  	_ =	shalt  }
0x3e: {  	_ =	shalt  }
0x3f: {  	_ =	shalt  }
0x40: {  	_ =	shalt  }
0x41: {  	_ =	shalt  }
0x42: {  	_ =	shalt  }
0x43: {  	_ =	shalt  }
0x44: {  	_ =	shalt  }
0x45: {  	_ =	shalt  }
0x46: {  	_ =	shalt  }
0x47: {  	_ =	shalt  }
0x48: {  	_ =	shalt  }
0x49: {  	_ =	shalt  }
0x4a: {  	_ =	shalt  }
0x4b: {  	_ =	shalt  }
0x4c: {  	_ =	shalt  }
0x4d: {  	_ =	shalt  }
0x4e: {  	_ =	shalt  }
0x4f: {  	_ =	shalt  }
0x50: {  	_ =	shalt  }
0x51: {  	_ =	shalt  }
0x52: {  	_ =	shalt  }
0x53: {  	_ =	shalt  }
0x54: {  	_ =	shalt  }
0x55: {  	_ =	shalt  }
0x56: {  	_ =	shalt  }
0x57: {  	_ =	shalt  }
0x58: {  	_ =	shalt  }
0x59: {  	_ =	shalt  }
0x5a: {  	_ =	shalt  }
0x5b: {  	_ =	shalt  }
0x5c: {  	_ =	shalt  }
0x5d: {  	_ =	shalt  }
0x5e: {  	_ =	shalt  }
0x5f: {  	_ =	shalt  }
0x60: {  	_ =	shalt  }
0x61: {  	_ =	shalt  }
0x62: {  	_ =	shalt  }
0x63: {  	_ =	shalt  }
0x64: {  	_ =	shalt  }
0x65: {  	_ =	shalt  }
0x66: {  	_ =	shalt  }
0x67: {  	_ =	shalt  }
0x68: {  	_ =	shalt  }
0x69: {  	_ =	shalt  }
0x6a: {  	_ =	shalt  }
0x6b: {  	_ =	shalt  }
0x6c: {  	_ =	shalt  }
0x6d: {  	_ =	shalt  }
0x6e: {  	_ =	shalt  }
0x6f: {  	_ =	shalt  }
0x70: {  	_ =	shalt  }
0x71: {  	_ =	shalt  }
0x72: {  	_ =	shalt  }
0x73: {  	_ =	shalt  }
0x74: {  	_ =	shalt  }
0x75: {  	_ =	shalt  }
0x76: {  	_ =	shalt  }
0x77: {  	_ =	shalt  }
0x78: {  	_ =	shalt  }
0x79: {  	_ =	shalt  }
0x7a: {  	_ =	shalt  }
0x7b: {  	_ =	shalt  }
0x7c: {  	_ =	shalt  }
0x7d: {  	_ =	shalt  }
0x7e: {  	_ =	shalt  }
0x7f: {  	_ =	shalt  }
0x80: {  	_ =	shalt  }
0x81: {  	_ =	shalt  }
0x82: {  	_ =	shalt  }
0x83: {  	_ =	shalt  }
0x84: {  	_ =	shalt  }
0x85: {  	_ =	shalt  }
0x86: {  	_ =	shalt  }
0x87: {  	_ =	shalt  }
.Lfunc_end0:
.L_simem_size_0:
called_computation.2_lowered:
.L_overlay_start_0:
0x88: {  	s2 =	sld [smem:$0x3FD9]  }
0x89: {  	s3 =	sld [smem:$0x3FFE];
	_ =	sdelay $0x1  }
0x8a: {  	s1 =	srdreg.scid  }
0x8b: {  	s0 =	sand.u32 $0x1, s1  }
0x8c: {  	s17 =	sshll.u32 s0, $0xA;
	s2 =	sadd.s32 s3, s2  }
0x8d: {  	s2 =	sadd.s32 s2, s17  }
0x8e: {  	[smem:$0x3FC2] =	sst s2  }
0x8f: {  	_ = 	snop  }
0x90: {  	s2 =	sld [smem:$0x3FD0];
	(tm) =	ssettm $0x1  }
0x91: {  	s18 =	sld [smem:$0x3FFB];
	_ =	sdelay $0x3  }
0x92: {  	_ =	strace s18  }
0x93: {  	s3 =	sld [smem:$0x3FFC];
	_ =	sdelay $0x3  }
0x94: {  	_ =	strace s3  }
0x95: {  	s3 =	sld [smem:$0x3FFD];
	_ =	sdelay $0x3  }
0x96: {  	_ =	strace s3  }
0x97: {  	_ =	strace $0x8FFFFFFF  }
0x98: {  	s19 =	sld [smem:$0x3FDB];
	_ =	sdelay $0x1  }
0x99: {  	s4 =	simm.s32 $_scs_section_size  }
0x9a: {  	s5 =	simm.s32 $_size__tile_overlayer_lowered;
	s6 =	simm.s32 $_tile_overlayer_lowered  }
0x9b: {  	s22 =	simm.s32 $0x1BFF;
	s21 =	sshll.u32 s6, $0x1;
	s3 =	sadd.s32 s4, s19  }
0x9c: {  	s7 =	simm.s32 $0x0;
	s20 =	sshll.u32 s5, $0x1;
	s5 =	sadd.s32 s21, s3  }
0x9d: {  	[timem:s7], [sflag:s22] =	dma.local [hbm:s5], s20  }
0x9e: {  	_ =	swait.ge [sflag:s22], s20  }
0x9f: {  	s4 =	ssub.s32 $0x0, s20;
	[sflag:s22] =	ssyncset.done $0x0  }
0xa0: {  	[sflag:s22] =	ssyncadd.s32 s4;
	_ =	sdelay $0x1  }
0xa1: {  	s23 =	simm.s32 $0x1B8B  }
0xa2: {  	_ =	swait.ge [sflag:s23], $0x1  }
0xa3: {  	[sflag:s23] =	ssyncset.done $0x0  }
0xa4: {  	s25 =	simm.s32 $0x1B8E;
	s24 =	sld [smem:$0x3FFE];
	[sflag:s23] =	ssyncadd.s32 $0xFFFFFFFF  }
0xa5: {  	s26 =	simm.s32 $execute0_lowered;
	[smem:$0x3FD2] =	sst s25  }
0xa6: {  	s5 =	sshll.u32 s26, $0x1;
	_ =	strace $0x8000004C;
	[dreg:$0x1] =	wrdreg $0xFFFFFFFF  }
0xa7: {  	s28 =	simm.s32 $_size_execute0_lowered;
	s3 =	sadd.s32 s3, s5;
	[dreg:$0x0] =	wrdreg $0x0  }
0xa8: {  	s5 =	sshll.u32 s28, $0x1;
	[dreg:$0x2] =	wrdreg s3  }
0xa9: {  	[dreg:$0x3] =	wrdreg s5  }
0xaa: {  	[dreg:$0x4] =	wrdreg $0xC0  }
0xab: {  	_ =	task [dreg:s7], $0x5FFFF  }
0xac: {  	[dreg:$0x1] =	wrdreg $0xFFFFFFFF  }
0xad: {  	[dreg:$0x0] =	wrdreg $0x60  }
0xae: {  	[dreg:$0x2] =	wrdreg s2  }
0xaf: {  	[dreg:$0x3] =	wrdreg s24  }
0xb0: {  	[dreg:$0x4] =	wrdreg $0x7A800  }
0xb1: {  	[dreg:$0x5] =	wrdreg $0x9  }
0xb2: {  	_ =	task.clear_ibuf [dreg:s7], $0x6FFFF;
	_ =	strace $0x9000004C  }
0xb3: {  	s29 =	simm.s32 $0x9;
	_ =	strace $0x8000004E  }
0xb4: {  	_ =	swait.ge [sflag:s29], $0x1  }
0xb5: {  	[sflag:s29] =	ssyncadd.s32 $0xFFFFFFFF  }
0xb6: {  	_ =	strace $0x9000004E  }
0xb7: {  	_ =	sfence  }
0xb8: {  	s30 =	sld [smem:$0x0];
	_ =	sdelay $0x2  }
0xb9: {  	s31 =	sshll.u32 s1, $0xD;
	s1 =	sshrl.u32 s1, $0x2  }
0xba: {  	s3 =	sand.u32 $0x4000, s31;
	s1 =	sadd.s32 s1, s30  }
0xbb: {  	s0 =	sor.u32 s3, s0;
	s1 =	sshll.u32 s1, $0x11  }
0xbc: {  	s0 =	sor.u32 s1, s0  }
0xbd: {  	s0 =	sadd.s32 $0x8F2B, s0  }
0xbe: {  	[sflag:s0] =	ssyncadd.remote.s32 $0x1  }
0xbf: {  	_ =	sfence.sel $0xFFFF  }
0xc0: {  	[dreg:$0x0] =	wrdreg $0xFFFFFFFF;
	(pc) =	sbr.abs _section_cstart, $3  }
0xc1: {  	[dreg:$0x1] =	wrdreg $0xFFFFFFFF  }
0xc2: {  	_ =	task.clear_ibuf [dreg:s7], $0x2FFFF;
	_ =	strace $0x9FFFFFFF  }
0xc3: {  	(tm) =	ssettm $0x7FFFFFFF  }
tec
execute0_lowered:
.L_overlay_start_1:
0x0: {  	(tag) =	ssettag $0x1  }
0x1: {  	s1 =	rddreg [dreg:$0x0]  }
0x2: {  	s0 =	rddreg [dreg:$0x1]  }
0x3: {  	s2 =	rddreg [dreg:$0x2];
	s3 =	srdreg.scid  }
0x4: {  	s4 =	simm.s32 $0x0;
	s11 =	stileid.u32;
	s31 =	simm.s32 $0x1  }
0x5: {  	s3 =	sand.u32 $0x1, s3;
	[smem:$0x7FF] =	sst s4;
	s10 =	smul.u32 $0x14000, s11  }
0x6: {  	s5 =	sshll.u32 s3, $0x4;
	_ =	strace $0x8000004D;
	s8 =	ssub.s32 $0x2, s3  }
0x7: {  	s3 =	smul.u32 $0x140000, s3;
	s7 =	sor.u32 s11, s5;
	s5 =	sadd.s32 $0x2400, s0  }
0x8: {  	s0 =	sadd.s32 $0x15E00, s0;
	s9 =	sshrl.u32 s8, $0x1;
	s11 =	smul.u32 $0x50000, s11  }
0x9: {  	s26 =	sadd.s32 $0x4000, s10;
	s17 =	sadd.s32 $0x8000, s10;
	s18 =	sadd.s32 $0xC000, s10  }
0xa: {  	s6 =	smul.u32 $0x2710, s7;
	s8 =	ssub.s32 s8, s9;
	s23 =	sadd.s32 s3, s10  }
0xb: {  	s7 =	smul.u32 $0x7D, s7;
	s21 =	sadd.s32 s3, s17;
	s9 =	sshrl.u32 s23, $0x3  }
0xc: {  	s25 =	sshrl.u32 s11, $0x2;
	s8 =	smax.u32 s8, $0x1;
	s11 =	simm.s32 $0x9  }
0xd: {  	s6 =	sshrl.u32 s6, $0x3;
	s24 =	sadd.s32 s0, s9;
	[dreg:$0x9] =	wrdreg s8  }
0xe: {  	s13 =	sadd.s32 s25, s2;
	s25 =	sadd.s32 s26, s2;
	s9 =	sadd.s32 s18, s2  }
0xf: {  	s6 =	sadd.s32 s5, s6;
	[dreg:$0x8] =	wrdreg s24;
	s14 =	sadd.s32 $0x2800, s13  }
0x10: {  	s15 =	sadd.s32 $0x5000, s13;
	s20 =	sadd.s32 $0x7800, s13;
	[dreg:$0x4] =	wrdreg s6  }
0x11: {  	s24 =	sadd.s32 s10, s2;
	s28 =	sadd.s32 $0xC800, s13;
	[dreg:$0xa] =	wrdreg s14  }
0x12: {  	s29 =	sadd.s32 $0xF000, s13;
	s22 =	sadd.s32 $0x9C40, s6;
	[dreg:$0xb] =	wrdreg s15  }
0x13: {  	s30 =	sadd.s32 $0x11800, s13;
	s12 =	sadd.s32 $0xA, s6;
	[dreg:$0x5] =	wrdreg s22  }
0x14: {  	s6 =	sadd.s32 $0x9C4A, s6;
	s14 =	sadd.s32 s3, s18;
	[dreg:$0x6] =	wrdreg s12  }
0x15: {  	s15 =	sadd.s32 $0x10000, s10;
	s10 =	simm.s32 $0x8;
	[dreg:$0x7] =	wrdreg s6  }
0x16: {  	s12 =	sadd.s32 s3, s26;
	s14 =	sshrl.u32 s14, $0x3;
	s3 =	sadd.s32 s3, s15  }
0x17: {  	s26 =	sadd.s32 s15, s2;
	s8 =	sshrl.u32 s12, $0x3;
	s12 =	sshrl.u32 s21, $0x3  }
0x18: {  	s23 =	sadd.s32 s0, s14;
	s3 =	sshrl.u32 s3, $0x3;
	s21 =	sshrl.u32 s24, $0x3  }
0x19: {  	s24 =	sshrl.u32 s9, $0x3;
	s9 =	simm.s32 $0xA;
	s16 =	sadd.s32 s0, s8  }
.Ltmp0:
0x1a: {  	s22 =	sadd.s32 s0, s12;
	[dreg:$0xe] =	wrdreg s23;
	(pc) =	sbr.rel .LBB2_1-.Ltmp0, $4  }
0x1b: {  	s19 =	sadd.s32 s0, s3;
	s8 =	sadd.s32 s17, s2;
	s0 =	simm.s32 $0x50  }
0x1c: {  	s3 =	simm.s32 $0x5280;
	s12 =	simm.s32 $0x0;
	[dreg:$0xc] =	wrdreg s16  }
0x1d: {  	[dreg:$0xd] =	wrdreg s22;
	s22 =	sshrl.u32 s25, $0x3;
	s23 =	sshrl.u32 s8, $0x3  }
0x1e: {  	v0 =	vimm.f32 $0.0e+00;
	s25 =	sshrl.u32 s26, $0x3;
	s26 =	sadd.s32 $0xA000, s13;
	s8 =	simm.s32 $0xB  }
.LBB2_10:
0x1f: {  	_ =	swait.ge [sflag:s9], $0x2800  }
0x20: {  	[sflag:s9] =	ssyncset.done $0x0  }
0x21: {  	[sflag:s9] =	ssyncadd.s32 $0xFFFFD800  }
0x22: {  	_ =	swait.ge [sflag:s10], $0x2800  }
0x23: {  	[sflag:s10] =	ssyncset.done $0x0  }
0x24: {  	[sflag:s10] =	ssyncadd.s32 $0xFFFFD800  }
0x25: {  	_ =	swait.ge [sflag:s11], $0x2800  }
0x26: {  	[sflag:s11] =	ssyncset.done $0x0  }
0x27: {  	s6 =	stileid.u32;
	[sflag:s11] =	ssyncadd.s32 $0xFFFFD800  }
0x28: {  	s6 =	sshll.u32 s6, $0x6;
	[bflag:$0x0] =	sbarrier.arrive $0xFFFF  }
0x29: {  	s6 =	sor.u32 $0x1C0B, s6;
	s14 =	rddreg [dreg:$0x8]  }
0x2a: {  	[hbm:s14], [sflag:s6] =	dma.local [spmem:s21], $0x800  }
0x2b: {  	_ =	swait.ge [sflag:s8], $0x800  }
0x2c: {  	[sflag:s8] =	ssyncset.done $0x0  }
0x2d: {  	s15 =	rddreg [dreg:$0xc];
	[sflag:s8] =	ssyncadd.s32 $0xFFFFF800  }
0x2e: {  	[hbm:s15], [sflag:s6] =	dma.local [spmem:s22], $0x800  }
0x2f: {  	_ =	swait.ge [sflag:s8], $0x800  }
0x30: {  	[sflag:s8] =	ssyncset.done $0x0  }
0x31: {  	s16 =	rddreg [dreg:$0xd];
	[sflag:s8] =	ssyncadd.s32 $0xFFFFF800  }
0x32: {  	[hbm:s16], [sflag:s6] =	dma.local [spmem:s23], $0x800  }
0x33: {  	_ =	swait.ge [sflag:s8], $0x800  }
0x34: {  	[sflag:s8] =	ssyncset.done $0x0  }
0x35: {  	s17 =	rddreg [dreg:$0xe];
	[sflag:s8] =	ssyncadd.s32 $0xFFFFF800  }
0x36: {  	[hbm:s17], [sflag:s6] =	dma.local [spmem:s24], $0x800  }
0x37: {  	_ =	swait.ge [sflag:s8], $0x800  }
0x38: {  	[sflag:s8] =	ssyncset.done $0x0  }
0x39: {  	[sflag:s8] =	ssyncadd.s32 $0xFFFFF800  }
0x3a: {  	[hbm:s19], [sflag:s6] =	dma.local [spmem:s25], $0x800  }
0x3b: {  	_ =	swait.ge [sflag:s8], $0x800  }
0x3c: {  	s12 =	sadd.s32 $0x1, s12;
	s18 =	rddreg [dreg:$0x9]  }
0x3d: {  	p0 =	sne.s32 s12, s18  }
.Ltmp1:
0x3e: {  	_ = 	snop;
	(pc) =	sbr.rel @!p0 .LBB2_11-.Ltmp1, $3  }
0x3f: {  	_ =	sdelay $0x1  }
0x40: {  	[sflag:s8] =	ssyncset.done $0x0  }
0x41: {  	[sflag:s8] =	ssyncadd.s32 $0xFFFFF800  }
.LBB2_1:
0x42: {  	s6 =	rddreg [dreg:$0x4]  }
0x43: {  	[tilespmem:s4], [sflag:$0x1] =	stream.linear.gather [hbm4b:s6+s4], $0x50, $0x38;
	[tilespmem:$0x1BA80] =	vst v63  }
0x44: {  	s18 =	rddreg [dreg:$0x5];
	s14 =	simm.s32 $0x140  }
0x45: {  	[tilespmem:s14], [sflag:$0x1] =	stream.linear.gather [hbm4b:s18+s4], $0x50, $0x38;
	[tilespmem:$0x1BA80] =	vst v63  }
0x46: {  	s15 =	rddreg [dreg:$0x6]  }
0x47: {  	[tilespmem:s0], [sflag:$0x2] =	stream.linear.gather [hbm4b:s15+s4], $0x50, $0x38;
	[tilespmem:$0x1BA80] =	vst v63  }
0x48: {  	s16 =	rddreg [dreg:$0x7];
	s17 =	simm.s32 $0x190  }
0x49: {  	[tilespmem:s17], [sflag:$0x2] =	stream.linear.gather [hbm4b:s16+s4], $0x50, $0x38;
	[tilespmem:$0x1BA80] =	vst v63  }
0x4a: {  	_ =	swait.ge [sflag:s31], $0x50  }
0x4b: {  	[sflag:s31] =	ssyncset.done $0x0  }
0x4c: {  	[sflag:s31] =	ssyncadd.s32 $0xFFFFFFB0  }
0x4d: {  	_ =	swait.ge [sflag:s31], $0x50  }
0x4e: {  	s18 =	simm.s32 $0x280;
	[sflag:s31] =	ssyncset.done $0x0  }
0x4f: {  	s14 =	simm.s32 $0x0;
	s15 =	simm.s32 $0x200;
	[sflag:s31] =	ssyncadd.s32 $0xFFFFFFB0  }
0x50: {  	[tilespmem:s18], [sflag:$0x5] =	stream.indirect.gather [hbm4b:s1+s0], $0x80, s4, s0, $0xb8;
	[tilespmem:$0x1BA80] =	vst v63  }
.LBB2_2:
0x51: {  	p0 =	seq.s32 s15, $0x9E00;
	[tilespmem:s14+$0x52F0] =	vst v0  }
0x52: {  	[tilespmem:s14+$0x5280] =	vst v0  }
0x53: {  	[tilespmem:s14+$0x5290] =	vst v0  }
.Ltmp2:
0x54: {  	[tilespmem:s14+$0x52A0] =	vst v0;
	(pc) =	sbr.rel @!p0 .LBB2_2-.Ltmp2, $4  }
0x55: {  	[tilespmem:s14+$0x52B0] =	vst v0  }
0x56: {  	[tilespmem:s14+$0x52C0] =	vst v0  }
0x57: {  	[tilespmem:s14+$0x52D0] =	vst v0  }
0x58: {  	[tilespmem:s14+$0x52E0] =	vst v0;
	s14 =	sshra.s32 s15, $0x2;
	s15 =	sadd.s32 $0x200, s15  }
0x59: {  	[tilespmem:s14+$0x52F0] =	vst v0  }
0x5a: {  	[tilespmem:s14+$0x5280] =	vst v0  }
0x5b: {  	[tilespmem:s14+$0x5290] =	vst v0  }
0x5c: {  	[tilespmem:s14+$0x52A0] =	vst v0  }
0x5d: {  	[tilespmem:s14+$0x52B0] =	vst v0  }
0x5e: {  	[tilespmem:s14+$0x52C0] =	vst v0  }
0x5f: {  	[tilespmem:s14+$0x52D0] =	vst v0  }
0x60: {  	[tilespmem:s14+$0x52E0] =	vst v0  }
0x61: {  	[spmem:s13] =	stream.linear.scatter [tilespmem:s3], [sflag:$0xB], $0x2800, $0x38;
	[tilespmem:$0x1BA80] =	vst v63  }
0x62: {  	_ =	swait.ge [sflag:s8], $0x2800  }
0x63: {  	[sflag:s8] =	ssyncset.done $0x0  }
0x64: {  	s6 =	rddreg [dreg:$0xa];
	[sflag:s8] =	ssyncadd.s32 $0xFFFFD800  }
0x65: {  	[spmem:s6] =	stream.linear.scatter [tilespmem:s3], [sflag:$0xB], $0x2800, $0x38;
	[tilespmem:$0x1BA80] =	vst v63  }
0x66: {  	_ =	swait.ge [sflag:s8], $0x2800  }
0x67: {  	[sflag:s8] =	ssyncset.done $0x0  }
0x68: {  	s18 =	rddreg [dreg:$0xb];
	[sflag:s8] =	ssyncadd.s32 $0xFFFFD800  }
0x69: {  	[spmem:s18] =	stream.linear.scatter [tilespmem:s3], [sflag:$0xB], $0x2800, $0x38;
	[tilespmem:$0x1BA80] =	vst v63  }
0x6a: {  	_ =	swait.ge [sflag:s8], $0x2800  }
0x6b: {  	[sflag:s8] =	ssyncset.done $0x0  }
0x6c: {  	[sflag:s8] =	ssyncadd.s32 $0xFFFFD800  }
0x6d: {  	[spmem:s20] =	stream.linear.scatter [tilespmem:s3], [sflag:$0xB], $0x2800, $0x38;
	[tilespmem:$0x1BA80] =	vst v63  }
0x6e: {  	_ =	swait.ge [sflag:s8], $0x2800  }
0x6f: {  	[sflag:s8] =	ssyncset.done $0x0  }
0x70: {  	[sflag:s8] =	ssyncadd.s32 $0xFFFFD800  }
0x71: {  	[spmem:s26] =	stream.linear.scatter [tilespmem:s3], [sflag:$0xB], $0x2800, $0x38;
	[tilespmem:$0x1BA80] =	vst v63  }
0x72: {  	_ =	swait.ge [sflag:s8], $0x2800  }
0x73: {  	[sflag:s8] =	ssyncset.done $0x0  }
0x74: {  	[sflag:s8] =	ssyncadd.s32 $0xFFFFD800  }
0x75: {  	[spmem:s28] =	stream.linear.scatter [tilespmem:s3], [sflag:$0xB], $0x2800, $0x38;
	[tilespmem:$0x1BA80] =	vst v63  }
0x76: {  	_ =	swait.ge [sflag:s8], $0x2800  }
0x77: {  	[sflag:s8] =	ssyncset.done $0x0  }
0x78: {  	[sflag:s8] =	ssyncadd.s32 $0xFFFFD800  }
0x79: {  	[spmem:s29] =	stream.linear.scatter [tilespmem:s3], [sflag:$0xB], $0x2800, $0x38;
	[tilespmem:$0x1BA80] =	vst v63  }
0x7a: {  	_ =	swait.ge [sflag:s8], $0x2800  }
0x7b: {  	[sflag:s8] =	ssyncset.done $0x0  }
0x7c: {  	[sflag:s8] =	ssyncadd.s32 $0xFFFFD800  }
0x7d: {  	[spmem:s30] =	stream.linear.scatter [tilespmem:s3], [sflag:$0xB], $0x2800, $0x38;
	[tilespmem:$0x1BA80] =	vst v63  }
.Ltmp3:
0x7e: {  	_ =	swait.ge [sflag:s8], $0x2800;
	(pc) =	sbr.rel .LBB2_4-.Ltmp3, $4  }
0x7f: {  	[sflag:s8] =	ssyncset.done $0x0  }
0x80: {  	[sflag:s8] =	ssyncadd.s32 $0xFFFFD800  }
0x81: {  	[bflag:$0x0] =	sbarrier.arrive $0xFFFF  }
0x82: {  	s14 =	simm.s32 $0x0  }
.LBB2_7:
0x83: {  	s6 =	sadd.s32 $0xFFFFFFFE, s14  }
0x84: {  	s15 =	sand.u32 $0xFF, s6  }
0x85: {  	s15 =	smul.u32 $0xAB, s15;
	_ =	sdelay $0x1  }
0x86: {  	s15 =	sshrl.u32 s15, $0x9  }
0x87: {  	s15 =	smul.u32 $0x3, s15;
	_ =	sdelay $0x1  }
0x88: {  	s6 =	ssub.s32 s6, s15  }
0x89: {  	s6 =	sor.u32 $0x8, s6  }
0x8a: {  	s6 =	sand.u32 $0xFF, s6  }
0x8b: {  	_ =	swait.ge [sflag:s6], $0x2800  }
0x8c: {  	[sflag:s6] =	ssyncset.done $0x0  }
0x8d: {  	[sflag:s6] =	ssyncadd.s32 $0xFFFFD800  }
.LBB2_8:
0x8e: {  	s6 =	smul.u32 $0xAB, s16;
	_ =	sdelay $0x1  }
0x8f: {  	s6 =	sshrl.u32 s6, $0x9  }
0x90: {  	s6 =	sand.u32 $0x7F, s6  }
0x91: {  	s15 =	sand.u32 $0x3, s16;
	s6 =	smul.u32 $0x3, s6  }
0x92: {  	s17 =	sadd.s32 $0x1, s15  }
0x93: {  	_ =	swait.ge [sflag:s17], $0x50;
	s6 =	ssub.s32 s16, s6  }
0x94: {  	s15 =	smul.u32 $0x140, s15;
	[sflag:s17] =	ssyncset.done $0x0;
	s6 =	sand.u32 $0xFF, s6  }
0x95: {  	[sflag:s17] =	ssyncadd.s32 $0xFFFFFFB0;
	s18 =	smul.u32 $0xA000, s6  }
0x96: {  	_ =	swait.ge [sflag:s17], $0x50  }
0x97: {  	s15 =	sshrl.u32 s15, $0x2;
	[sflag:s17] =	ssyncset.done $0x0;
	s18 =	sshrl.u32 s18, $0x2  }
0x98: {  	[sflag:s17] =	ssyncadd.s32 $0xFFFFFFB0;
	s6 =	sadd.s32 $0x5, s6;
	s17 =	sor.u32 $0x280, s18  }
0x99: {  	[tilespmem:s17], [sflag:s6] =	stream.indirect.gather [hbm4b:s1+s0], $0x80, s15, s0, $0xb8;
	[tilespmem:$0x1BA80] =	vst v63  }
0x9a: {  	s15 =	smov.u32 s16  }
.LBB2_9:
0x9b: {  	s6 =	smul.u32 $0xAB, s14;
	_ =	sdelay $0x1  }
0x9c: {  	s6 =	sshrl.u32 s6, $0x9  }
0x9d: {  	s6 =	sand.u32 $0x7F, s6  }
0x9e: {  	s6 =	smul.u32 $0x3, s6;
	_ =	sdelay $0x1  }
0x9f: {  	s18 =	sand.u32 $0x3, s14;
	s6 =	ssub.s32 s14, s6  }
0xa0: {  	s14 =	smul.u32 $0x140, s18;
	s6 =	sand.u32 $0xFF, s6  }
0xa1: {  	p0 =	slt.u32 s15, $0x7D;
	s16 =	smul.u32 $0xA000, s6;
	s17 =	sadd.s32 $0x5, s6  }
.Ltmp4:
0xa2: {  	s14 =	sshrl.u32 s14, $0x2;
	_ =	swait.ge [sflag:s17], $0x2800;
	(pc) =	sbr.rel @!p0 .LBB2_10-.Ltmp4, $4  }
0xa3: {  	s6 =	sor.u32 $0x8, s6;
	s16 =	sshrl.u32 s16, $0x2;
	[sflag:s17] =	ssyncset.done $0x0  }
0xa4: {  	s14 =	sadd.s32 $0x140, s14;
	s16 =	sor.u32 $0x280, s16;
	[sflag:s17] =	ssyncadd.s32 $0xFFFFD800  }
0xa5: {  	[spmem:s2] =	stream.indirect.scatter.add.f32 [tilespmem:s16], [sflag:s6], $0x80, s14, s0, $0xb8;
	[tilespmem:$0x1BA80] =	vst v63  }
0xa6: {  	s14 =	smov.u32 s15  }
.LBB2_4:
0xa7: {  	p0 =	slt.u32 s14, $0x7B  }
.Ltmp5:
0xa8: {  	_ = 	snop;
	(pc) =	sbr.rel @!p0 .LBB2_5-.Ltmp5, $1  }
0xa9: {  	_ =	sdelay $0x3  }
0xaa: {  	s15 =	sadd.s32 $0x2, s14  }
0xab: {  	s16 =	sadd.s32 s7, s15  }
0xac: {  	s16 =	smul.u32 $0x50, s16  }
0xad: {  	s15 =	sand.u32 $0x3, s15  }
0xae: {  	s6 =	smul.u32 $0x50, s15;
	s16 =	sshrl.u32 s16, $0x3  }
0xaf: {  	p0 =	slt.u32 s14, $0x2;
	s15 =	sadd.s32 $0x1, s15;
	s16 =	sadd.s32 s5, s16  }
0xb0: {  	[tilespmem:s6], [sflag:s15] =	stream.linear.gather [hbm4b:s16+s4], $0x50, $0x38;
	[tilespmem:$0x1BA80] =	vst v63  }
.Ltmp6:
0xb1: {  	_ = 	snop;
	(pc) =	sbr.rel @p0 .LBB2_8-.Ltmp6, $4  }
.Ltmp7:
0xb2: {  	_ = 	snop;
	(pc) =	sbr.rel @!p0 .LBB2_7-.Ltmp7, $4  }
0xb3: {  	s6 =	sadd.s32 $0x140, s6;
	s16 =	sadd.s32 $0x9C40, s16  }
0xb4: {  	[tilespmem:s6], [sflag:s15] =	stream.linear.gather [hbm4b:s16+s4], $0x50, $0x38;
	[tilespmem:$0x1BA80] =	vst v63  }
0xb5: {  	s16 =	sadd.s32 $0x1, s14  }
0xb6: {  	_ = 	snop  }
.LBB2_5:
0xb7: {  	p0 =	seq.s32 s14, $0x7C  }
.Ltmp8:
0xb8: {  	_ = 	snop;
	(pc) =	sbr.rel @p0 .LBB2_9-.Ltmp8, $4  }
.Ltmp9:
0xb9: {  	_ = 	snop;
	(pc) =	sbr.rel @!p0 .LBB2_7-.Ltmp9, $4  }
0xba: {  	_ = 	snop  }
0xbb: {  	_ = 	snop  }
0xbc: {  	s16 =	simm.s32 $0x7C;
	s15 =	simm.s32 $0x7D  }
0xbd: {  	_ = 	snop  }
.LBB2_11:
0xbe: {  	_ =	sfence.sel $0x180000  }
0xbf: {  	[bflag:$0x0] =	sbarrier.arrive $0xFFFF  }
0xc0: {  	_ =	strace $0x9000004D  }
0xc1: {  	s0 =	stileid.u32;
	[bflag:$0x2] =	sbarrier.arrive $0xFFFF  }
0xc2: {  	p0 =	sne.s32 s0, $0x0;
	s0 =	rddreg [dreg:$0x3]  }
0xc3: {  	s0 =	sadd.s32 @!p0 $0x100000, s0  }
0xc4: {  	[sflag:s0] =	ssyncadd.tile.s32 @!p0 $0x1;
	_ =	shalt  }
.Lfunc_end2:
_tile_overlayer_lowered:
.L_overlay_start_2:
0xc5: {  	(tag) =	ssettag $0x2  }
0xc6: {  	s0 =	rddreg [dreg:$0x0];
	s2 =	stileid.u32  }
0xc7: {  	s1 =	rddreg [dreg:$0x1];
	p0 =	sne.s32 s2, $0x0  }
0xc8: {  	s3 =	rddreg [dreg:$0x2];
	[bflag:$0x3] =	sbarrier.arrive $0xFFFF;
	s2 =	simm.s32 @!p0 $0x1C0B  }
0xc9: {  	[timem:s3], [sflag:s2] =	dma.local @!p0 [hbm:s0], s1  }
0xca: {  	s0 =	simm.s32 @!p0 $0xB  }
0xcb: {  	_ =	swait.ge @!p0 [sflag:s0], s1  }
0xcc: {  	s1 =	ssub.s32 @!p0 $0x0, s1;
	[sflag:s0] =	ssyncset.done @!p0 $0x0  }
0xcd: {  	[sflag:s0] =	ssyncadd.s32 @!p0 s1  }
0xce: {  	[bflag:$0x3] =	sbarrier.arrive $0xFFFF  }
0xcf: {  	_ =	shalt  }

// kernel: kernel.9.cloned.1.call-start
scs
__scs_entry_jumppad:
0x0: {  	(pc) =	sbr.rel $0x88, $3  }
0x1: {  	(tag) =	ssettag $0x0;
	lr =	simm.s32 $0x1  }
0x2: {  	[smem:$0x3F9B] =	sst lr;
	_ =	strace $0xD0000000  }
0x3: {  	_ = 	snop  }
0x4: {  	_ = 	snop  }
0x5: {  	_ = 	snop  }
0x6: {  	_ = 	snop  }
0x7: {  	_ = 	snop  }
__scs_overlays_trampoline_lowered:
0x8: {  	[smem:$0x3FAA] =	sst s0  }
0x9: {  	[smem:$0x3FAB] =	sst s1  }
0xa: {  	[smem:$0x3FAC] =	sst s2  }
0xb: {  	[smem:$0x3FAD] =	sst s3  }
0xc: {  	[smem:$0x3FAE] =	sst s4  }
0xd: {  	[smem:$0x3FAF] =	sst s5  }
0xe: {  	[smem:$0x3FB0] =	sst s6  }
0xf: {  	[smem:$0x3FB1] =	sst s7  }
0x10: {  	[smem:$0x3FB2] =	sst s8  }
0x11: {  	[smem:$0x3FB3] =	sst s9;
	s0 =	simm.s32 @!p0 $0x0  }
0x12: {  	s1 =	sld [smem:$0x3F99];
	s0 =	simm.s32 @p0 $0x1  }
0x13: {  	[smem:$0x3FB4] =	sst s0;
	s0 =	simm.s32 @!p1 $0x0  }
0x14: {  	s2 =	sld [smem:$0x3F98];
	s0 =	simm.s32 @p1 $0x1  }
0x15: {  	[smem:$0x3FB5] =	sst s0;
	s0 =	simm.s32 @!p2 $0x0  }
0x16: {  	s3 =	sld [smem:$0x3FDB];
	s0 =	simm.s32 @p2 $0x1  }
0x17: {  	s4 =	simm.s32 $0x1BF5;
	[smem:$0x3FB7] =	sst s0  }
0x18: {  	s0 =	sld [smem:$0x3F9A];
	_ =	swait.ge [sflag:s4], $0x0  }
0x19: {  	s7 =	sld [smem:$0x3F9B]  }
0x1a: {  	s8 =	sadd.s32 $0xFFFFE003, lr  }
0x1b: {  	s9 =	sadd.s32 $0xFFFFFEF7, lr;
	s5 =	simm.s32 $0xFFFFFFFF;
	p2 =	slt.u32 s8, $0xFFFFF086  }
0x1c: {  	p1 =	slt.u32 s9, $0xF7A;
	s5 =	simm.s32 @!p2 $0x0  }
0x1d: {  	s5 =	simm.s32 @p1 $0x1;
	p0 =	seq.s32 s7, s2  }
0x1e: {  	s7 =	smul.u32 @!p0 $0xF7A, s2;
	p2 =	seq.s32 @!p0 s5, $0x0  }
0x1f: {  	s9 =	smul.u32 $0xF7A, s1;
	s8 =	simm.s32 @!p0 $0x1BF5;
	p2 =	por !p2, p0  }
0x20: {  	[sflag:s8] =	ssyncset.s32 @!p0 $0xFFFFF086;
	s6 =	sadd.s32 @!p0 s3, s7;
	s7 =	simm.s32 @!p0 $0x108  }
0x21: {  	s3 =	sadd.s32 s3, s9;
	s6 =	sadd.s32 @!p0 $0x88, s6;
	s7 =	simm.s32 @p2 $0x1082  }
0x22: {  	[simem:s7], [sflag:s8] =	dma.local @!p0 [hbm:s6], $0xF7A  }
0x23: {  	s9 =	sor.u32 $0xD0000000, s2;
	s6 =	simm.s32 $0x108;
	_ =	swait.ge @!p0 [sflag:s8], $0x0  }
0x24: {  	s3 =	sadd.s32 $0x88, s3;
	s6 =	simm.s32 @!p1 $0x1082;
	[sflag:s4] =	ssyncset.s32 $0xFFFFF086  }
0x25: {  	[simem:s6], [sflag:s4] =	dma.local [hbm:s3], $0xF7A  }
0x26: {  	[smem:$0x3F9B] =	sst s1;
	(tag) =	ssettag s2;
	_ =	strace s9  }
0x27: {  	s1 =	sld [smem:$0x3FAB]  }
0x28: {  	s2 =	sld [smem:$0x3FAC]  }
0x29: {  	s4 =	sld [smem:$0x3FAE]  }
0x2a: {  	p0 =	seq.s32 s5, $0x0;
	s5 =	sld [smem:$0x3FAF]  }
0x2b: {  	s6 =	sld [smem:$0x3FB0]  }
0x2c: {  	s7 =	sld [smem:$0x3FB1]  }
0x2d: {  	s3 =	simm.s32 $0x108;
	s8 =	sld [smem:$0x3FB2]  }
0x2e: {  	s3 =	simm.s32 @!p0 $0x1082;
	s9 =	sld [smem:$0x3FB3]  }
0x2f: {  	lr =	sadd.s32 s0, s3;
	s0 =	sld [smem:$0x3FAA]  }
0x30: {  	s3 =	sld [smem:$0x3FAD]  }
0x31: {  	[smem:$0x3FB6] =	sst s10  }
0x32: {  	s10 =	sld [smem:$0x3FB4];
	_ =	sdelay $0x3  }
0x33: {  	p0 =	seq.s32 s10, $0x1;
	s10 =	sld [smem:$0x3FB6];
	_ =	sdelay $0x3  }
0x34: {  	[smem:$0x3FB6] =	sst s10  }
0x35: {  	s10 =	sld [smem:$0x3FB5];
	_ =	sdelay $0x3  }
0x36: {  	p1 =	seq.s32 s10, $0x1;
	s10 =	sld [smem:$0x3FB6];
	_ =	sdelay $0x3  }
0x37: {  	[smem:$0x3FB6] =	sst s10  }
0x38: {  	s10 =	sld [smem:$0x3FB7]  }
0x39: {  	_ = 	snop;
	(pc) =	sbr.ind lr, $3  }
0x3a: {  	_ = 	snop  }
0x3b: {  	_ = 	snop  }
0x3c: {  	p2 =	seq.s32 s10, $0x1;
	s10 =	sld [smem:$0x3FB6]  }
0x3d: {  	_ =	shalt  }
0x3e: {  	_ =	shalt  }
0x3f: {  	_ =	shalt  }
0x40: {  	_ =	shalt  }
0x41: {  	_ =	shalt  }
0x42: {  	_ =	shalt  }
0x43: {  	_ =	shalt  }
0x44: {  	_ =	shalt  }
0x45: {  	_ =	shalt  }
0x46: {  	_ =	shalt  }
0x47: {  	_ =	shalt  }
0x48: {  	_ =	shalt  }
0x49: {  	_ =	shalt  }
0x4a: {  	_ =	shalt  }
0x4b: {  	_ =	shalt  }
0x4c: {  	_ =	shalt  }
0x4d: {  	_ =	shalt  }
0x4e: {  	_ =	shalt  }
0x4f: {  	_ =	shalt  }
0x50: {  	_ =	shalt  }
0x51: {  	_ =	shalt  }
0x52: {  	_ =	shalt  }
0x53: {  	_ =	shalt  }
0x54: {  	_ =	shalt  }
0x55: {  	_ =	shalt  }
0x56: {  	_ =	shalt  }
0x57: {  	_ =	shalt  }
0x58: {  	_ =	shalt  }
0x59: {  	_ =	shalt  }
0x5a: {  	_ =	shalt  }
0x5b: {  	_ =	shalt  }
0x5c: {  	_ =	shalt  }
0x5d: {  	_ =	shalt  }
0x5e: {  	_ =	shalt  }
0x5f: {  	_ =	shalt  }
0x60: {  	_ =	shalt  }
0x61: {  	_ =	shalt  }
0x62: {  	_ =	shalt  }
0x63: {  	_ =	shalt  }
0x64: {  	_ =	shalt  }
0x65: {  	_ =	shalt  }
0x66: {  	_ =	shalt  }
0x67: {  	_ =	shalt  }
0x68: {  	_ =	shalt  }
0x69: {  	_ =	shalt  }
0x6a: {  	_ =	shalt  }
0x6b: {  	_ =	shalt  }
0x6c: {  	_ =	shalt  }
0x6d: {  	_ =	shalt  }
0x6e: {  	_ =	shalt  }
0x6f: {  	_ =	shalt  }
0x70: {  	_ =	shalt  }
0x71: {  	_ =	shalt  }
0x72: {  	_ =	shalt  }
0x73: {  	_ =	shalt  }
0x74: {  	_ =	shalt  }
0x75: {  	_ =	shalt  }
0x76: {  	_ =	shalt  }
0x77: {  	_ =	shalt  }
0x78: {  	_ =	shalt  }
0x79: {  	_ =	shalt  }
0x7a: {  	_ =	shalt  }
0x7b: {  	_ =	shalt  }
0x7c: {  	_ =	shalt  }
0x7d: {  	_ =	shalt  }
0x7e: {  	_ =	shalt  }
0x7f: {  	_ =	shalt  }
0x80: {  	_ =	shalt  }
0x81: {  	_ =	shalt  }
0x82: {  	_ =	shalt  }
0x83: {  	_ =	shalt  }
0x84: {  	_ =	shalt  }
0x85: {  	_ =	shalt  }
0x86: {  	_ =	shalt  }
0x87: {  	_ =	shalt  }
.Lfunc_end0:
.L_simem_size_0:
called_computation_lowered:
.L_overlay_start_0:
0x88: {  	s2 =	sld [smem:$0x3FD9]  }
0x89: {  	s3 =	sld [smem:$0x3FFE];
	_ =	sdelay $0x1  }
0x8a: {  	s1 =	srdreg.scid  }
0x8b: {  	s0 =	sand.u32 $0x1, s1  }
0x8c: {  	s17 =	sshll.u32 s0, $0xA;
	s2 =	sadd.s32 s3, s2  }
0x8d: {  	s2 =	sadd.s32 s2, s17  }
0x8e: {  	[smem:$0x3FC2] =	sst s2  }
0x8f: {  	_ = 	snop  }
0x90: {  	s2 =	sld [smem:$0x3FD0];
	(tm) =	ssettm $0x1  }
0x91: {  	s18 =	sld [smem:$0x3FFB];
	_ =	sdelay $0x3  }
0x92: {  	_ =	strace s18  }
0x93: {  	s3 =	sld [smem:$0x3FFC];
	_ =	sdelay $0x3  }
0x94: {  	_ =	strace s3  }
0x95: {  	s3 =	sld [smem:$0x3FFD];
	_ =	sdelay $0x3  }
0x96: {  	_ =	strace s3  }
0x97: {  	_ =	strace $0x8FFFFFFF  }
0x98: {  	s19 =	sld [smem:$0x3FDB];
	_ =	sdelay $0x1  }
0x99: {  	s4 =	simm.s32 $_scs_section_size  }
0x9a: {  	s5 =	simm.s32 $_size__tile_overlayer_lowered;
	s6 =	simm.s32 $_tile_overlayer_lowered  }
0x9b: {  	s22 =	simm.s32 $0x1BFF;
	s21 =	sshll.u32 s6, $0x1;
	s3 =	sadd.s32 s4, s19  }
0x9c: {  	s7 =	simm.s32 $0x0;
	s20 =	sshll.u32 s5, $0x1;
	s5 =	sadd.s32 s21, s3  }
0x9d: {  	[timem:s7], [sflag:s22] =	dma.local [hbm:s5], s20  }
0x9e: {  	_ =	swait.ge [sflag:s22], s20  }
0x9f: {  	s4 =	ssub.s32 $0x0, s20;
	[sflag:s22] =	ssyncset.done $0x0  }
0xa0: {  	[sflag:s22] =	ssyncadd.s32 s4;
	_ =	sdelay $0x1  }
0xa1: {  	s23 =	simm.s32 $0x1B8B  }
0xa2: {  	_ =	swait.ge [sflag:s23], $0x1  }
0xa3: {  	[sflag:s23] =	ssyncset.done $0x0  }
0xa4: {  	s25 =	simm.s32 $0x1B8E;
	s24 =	sld [smem:$0x3FFE];
	[sflag:s23] =	ssyncadd.s32 $0xFFFFFFFF  }
0xa5: {  	s26 =	simm.s32 $execute0_lowered;
	[smem:$0x3FD2] =	sst s25  }
0xa6: {  	s5 =	sshll.u32 s26, $0x1;
	_ =	strace $0x80000046;
	[dreg:$0x1] =	wrdreg $0xFFFFFFFF  }
0xa7: {  	s28 =	simm.s32 $_size_execute0_lowered;
	s3 =	sadd.s32 s3, s5;
	[dreg:$0x0] =	wrdreg $0x0  }
0xa8: {  	s5 =	sshll.u32 s28, $0x1;
	[dreg:$0x2] =	wrdreg s3  }
0xa9: {  	[dreg:$0x3] =	wrdreg s5  }
0xaa: {  	[dreg:$0x4] =	wrdreg $0xC0  }
0xab: {  	_ =	task [dreg:s7], $0x5FFFF  }
0xac: {  	[dreg:$0x1] =	wrdreg $0xFFFFFFFF  }
0xad: {  	[dreg:$0x0] =	wrdreg $0x60  }
0xae: {  	[dreg:$0x2] =	wrdreg s24  }
0xaf: {  	[dreg:$0x3] =	wrdreg s2  }
0xb0: {  	[dreg:$0x4] =	wrdreg $0x6400  }
0xb1: {  	[dreg:$0x5] =	wrdreg $0x9  }
0xb2: {  	_ =	task.clear_ibuf [dreg:s7], $0x6FFFF;
	_ =	strace $0x90000046  }
0xb3: {  	s29 =	simm.s32 $0x9;
	_ =	strace $0x80000048  }
0xb4: {  	_ =	swait.ge [sflag:s29], $0x1  }
0xb5: {  	[sflag:s29] =	ssyncadd.s32 $0xFFFFFFFF  }
0xb6: {  	_ =	strace $0x90000048  }
0xb7: {  	_ =	sfence  }
0xb8: {  	s30 =	sld [smem:$0x0];
	_ =	sdelay $0x2  }
0xb9: {  	s31 =	sshll.u32 s1, $0xD;
	s1 =	sshrl.u32 s1, $0x2  }
0xba: {  	s3 =	sand.u32 $0x4000, s31;
	s1 =	sadd.s32 s1, s30  }
0xbb: {  	s0 =	sor.u32 s3, s0;
	s1 =	sshll.u32 s1, $0x11  }
0xbc: {  	s0 =	sor.u32 s1, s0  }
0xbd: {  	s0 =	sadd.s32 $0x8F2B, s0  }
0xbe: {  	[sflag:s0] =	ssyncadd.remote.s32 $0x1  }
0xbf: {  	_ =	sfence.sel $0xFFFF  }
0xc0: {  	[dreg:$0x0] =	wrdreg $0xFFFFFFFF;
	(pc) =	sbr.abs _section_cstart, $3  }
0xc1: {  	[dreg:$0x1] =	wrdreg $0xFFFFFFFF  }
0xc2: {  	_ =	task.clear_ibuf [dreg:s7], $0x2FFFF;
	_ =	strace $0x9FFFFFFF  }
0xc3: {  	(tm) =	ssettm $0x7FFFFFFF  }
tec
execute0_lowered:
.L_overlay_start_1:
0x0: {  	(tag) =	ssettag $0x1  }
0x1: {  	s0 =	srdreg.scid;
	s1 =	rddreg [dreg:$0x0]  }
0x2: {  	s4 =	rddreg [dreg:$0x1];
	s13 =	stileid.u32  }
0x3: {  	s2 =	rddreg [dreg:$0x2];
	s29 =	simm.s32 $0x140;
	s10 =	smul.u32 $0x2800, s13  }
0x4: {  	s30 =	simm.s32 $0x9;
	s0 =	sand.u32 $0x1, s0;
	s11 =	smul.u32 $0xA000, s13  }
0x5: {  	s31 =	simm.s32 $0x50;
	s1 =	sadd.s32 $0x2400, s1;
	s9 =	smul.u32 $0x28000, s0  }
0x6: {  	s3 =	sshll.u32 s0, $0x4;
	s7 =	ssub.s32 $0x2, s0;
	s0 =	smul.u32 $0x4E20, s0  }
0x7: {  	s5 =	sor.u32 s13, s3;
	s3 =	simm.s32 $0x0;
	s8 =	sshrl.u32 s7, $0x1  }
0x8: {  	s16 =	sshrl.u32 s11, $0x2;
	s22 =	sadd.s32 $0x1000, s10;
	s25 =	sadd.s32 $0x1800, s10  }
0x9: {  	s6 =	smul.u32 $0x2710, s5;
	[smem:$0x7FF] =	sst s3;
	s7 =	ssub.s32 s7, s8  }
0xa: {  	s5 =	smul.u32 $0x4E2, s5;
	s26 =	sadd.s32 s9, s10;
	s8 =	sadd.s32 s16, s2  }
0xb: {  	s24 =	sadd.s32 s9, s22;
	s0 =	sadd.s32 s0, s1;
	_ =	strace $0x80000047  }
0xc: {  	s12 =	sshrl.u32 s26, $0x3;
	s17 =	smax.u32 s7, $0x1;
	s18 =	sadd.s32 $0x500, s8  }
0xd: {  	s19 =	sadd.s32 $0xA00, s8;
	s21 =	sadd.s32 $0xF00, s8;
	[dreg:$0x6] =	wrdreg s17  }
0xe: {  	s23 =	sadd.s32 $0x1400, s8;
	s26 =	sadd.s32 s9, s25;
	[dreg:$0x7] =	wrdreg s18  }
0xf: {  	s16 =	sadd.s32 $0x2300, s8;
	s7 =	simm.s32 $0x8;
	[dreg:$0x8] =	wrdreg s19  }
0x10: {  	s6 =	sshrl.u32 s6, $0x3;
	s14 =	sadd.s32 s1, s5;
	[dreg:$0x9] =	wrdreg s21  }
0x11: {  	s15 =	sadd.s32 s4, s12;
	[dreg:$0xa] =	wrdreg s23;
	s12 =	sadd.s32 $0x2000, s10  }
0x12: {  	[dreg:$0x11] =	wrdreg s16;
	s17 =	sadd.s32 s10, s2;
	s19 =	sadd.s32 s22, s2  }
0x13: {  	s21 =	sadd.s32 s25, s2;
	s6 =	sadd.s32 s1, s6;
	[dreg:$0x5] =	wrdreg s15  }
0x14: {  	s15 =	sadd.s32 $0x1E00, s8;
	s22 =	sadd.s32 s12, s2;
	s25 =	sshrl.u32 s17, $0x3  }
0x15: {  	s23 =	sshrl.u32 s19, $0x3;
	s5 =	sadd.s32 $0xA, s6;
	[dreg:$0x10] =	wrdreg s15  }
0x16: {  	s28 =	sadd.s32 $0x1E, s14;
	[dreg:$0x4] =	wrdreg s5;
	s5 =	sadd.s32 $0x800, s10  }
0x17: {  	s1 =	simm.s32 $0x2;
	[dreg:$0x12] =	wrdreg s25;
	s20 =	sadd.s32 s9, s5  }
0x18: {  	s25 =	sshrl.u32 s22, $0x3;
	s22 =	smov.u32 s14;
	s6 =	sshrl.u32 s20, $0x3  }
0x19: {  	s10 =	simm.s32 $0x0;
	s9 =	sadd.s32 s9, s12;
	s6 =	sadd.s32 s4, s6  }
0x1a: {  	s18 =	sadd.s32 s5, s2;
	[dreg:$0xb] =	wrdreg s6;
	s6 =	sshrl.u32 s24, $0x3  }
0x1b: {  	s5 =	simm.s32 $0x6;
	s9 =	sshrl.u32 s9, $0x3;
	s6 =	sadd.s32 s4, s6  }
0x1c: {  	[dreg:$0xc] =	wrdreg s6;
	s6 =	sshrl.u32 s26, $0x3;
	s26 =	sshrl.u32 s18, $0x3  }
0x1d: {  	s24 =	sshrl.u32 s21, $0x3;
	s6 =	sadd.s32 s4, s6;
	[dreg:$0x13] =	wrdreg s26  }
0x1e: {  	s4 =	sadd.s32 s4, s9;
	s9 =	smul.u32 $0x4E2, s13;
	[dreg:$0xd] =	wrdreg s6  }
0x1f: {  	s13 =	sadd.s32 $0x1900, s8;
	s26 =	sadd.s32 $0x14, s14;
	[dreg:$0xe] =	wrdreg s4  }
0x20: {  	[dreg:$0xf] =	wrdreg s13;
	s6 =	simm.s32 $0x7;
	s0 =	sadd.s32 s9, s0  }
0x21: {  	v0 =	vimm.f32 $0.0e+00;
	v1 =	vimm.f32 $1.000000000e+00;
	s9 =	simm.s32 $0x5;
	s20 =	sadd.s32 $0x28, s0;
	s0 =	simm.s32 $0x1  }
.LBB2_1:
0x22: {  	s4 =	simm.s32 $0x40;
	s11 =	simm.s32 $0x0  }
.LBB2_2:
0x23: {  	p0 =	sne.s32 s4, $0x13C0;
	[tilespmem:s11+$0x140] =	vst v0;
	s11 =	smov.u32 s4;
	s4 =	sadd.s32 $0x40, s4  }
.Ltmp0:
0x24: {  	(pc) =	sbr.rel @p0 .LBB2_2-.Ltmp0, $2  }
0x25: {  	_ =	sdelay $0x2  }
0x26: {  	s11 =	sshra.s32 s11, $0x2  }
0x27: {  	[tilespmem:s11+$0x140] =	vst v0  }
0x28: {  	[spmem:s8] =	stream.linear.scatter [tilespmem:s29], [sflag:$0x9], $0x500, $0x38;
	[tilespmem:$0x2E40] =	vst v63  }
0x29: {  	_ =	swait.ge [sflag:s30], $0x500  }
0x2a: {  	[sflag:s30] =	ssyncset.done $0x0  }
0x2b: {  	s4 =	rddreg [dreg:$0x7];
	[sflag:s30] =	ssyncadd.s32 $0xFFFFFB00  }
0x2c: {  	[spmem:s4] =	stream.linear.scatter [tilespmem:s29], [sflag:$0x9], $0x500, $0x38;
	[tilespmem:$0x2E40] =	vst v63  }
0x2d: {  	_ =	swait.ge [sflag:s30], $0x500  }
0x2e: {  	[sflag:s30] =	ssyncset.done $0x0  }
0x2f: {  	s15 =	rddreg [dreg:$0x8];
	[sflag:s30] =	ssyncadd.s32 $0xFFFFFB00  }
0x30: {  	[spmem:s15] =	stream.linear.scatter [tilespmem:s29], [sflag:$0x9], $0x500, $0x38;
	[tilespmem:$0x2E40] =	vst v63  }
0x31: {  	_ =	swait.ge [sflag:s30], $0x500  }
0x32: {  	[sflag:s30] =	ssyncset.done $0x0  }
0x33: {  	s16 =	rddreg [dreg:$0x9];
	[sflag:s30] =	ssyncadd.s32 $0xFFFFFB00  }
0x34: {  	[spmem:s16] =	stream.linear.scatter [tilespmem:s29], [sflag:$0x9], $0x500, $0x38;
	[tilespmem:$0x2E40] =	vst v63  }
0x35: {  	_ =	swait.ge [sflag:s30], $0x500  }
0x36: {  	[sflag:s30] =	ssyncset.done $0x0  }
0x37: {  	s17 =	rddreg [dreg:$0xa];
	[sflag:s30] =	ssyncadd.s32 $0xFFFFFB00  }
0x38: {  	[spmem:s17] =	stream.linear.scatter [tilespmem:s29], [sflag:$0x9], $0x500, $0x38;
	[tilespmem:$0x2E40] =	vst v63  }
0x39: {  	_ =	swait.ge [sflag:s30], $0x500  }
0x3a: {  	[sflag:s30] =	ssyncset.done $0x0  }
0x3b: {  	s18 =	rddreg [dreg:$0xf];
	[sflag:s30] =	ssyncadd.s32 $0xFFFFFB00  }
0x3c: {  	[spmem:s18] =	stream.linear.scatter [tilespmem:s29], [sflag:$0x9], $0x500, $0x38;
	[tilespmem:$0x2E40] =	vst v63  }
0x3d: {  	_ =	swait.ge [sflag:s30], $0x500  }
0x3e: {  	[sflag:s30] =	ssyncset.done $0x0  }
0x3f: {  	s19 =	rddreg [dreg:$0x10];
	[sflag:s30] =	ssyncadd.s32 $0xFFFFFB00  }
0x40: {  	[spmem:s19] =	stream.linear.scatter [tilespmem:s29], [sflag:$0x9], $0x500, $0x38;
	[tilespmem:$0x2E40] =	vst v63  }
0x41: {  	_ =	swait.ge [sflag:s30], $0x500  }
0x42: {  	[sflag:s30] =	ssyncset.done $0x0  }
0x43: {  	s21 =	rddreg [dreg:$0x11];
	[sflag:s30] =	ssyncadd.s32 $0xFFFFFB00  }
0x44: {  	[spmem:s21] =	stream.linear.scatter [tilespmem:s29], [sflag:$0x9], $0x500, $0x38;
	[tilespmem:$0x2E40] =	vst v63  }
0x45: {  	_ =	swait.ge [sflag:s30], $0x500  }
0x46: {  	[sflag:s30] =	ssyncset.done $0x0  }
0x47: {  	s11 =	simm.s32 $0x0;
	s4 =	simm.s32 $0x40;
	[sflag:s30] =	ssyncadd.s32 $0xFFFFFB00  }
.LBB2_4:
0x48: {  	p0 =	sne.s32 s4, $0x13C0;
	[tilespmem:s11+$0x140] =	vst v1;
	s11 =	smov.u32 s4;
	s4 =	sadd.s32 $0x40, s4  }
.Ltmp1:
0x49: {  	(pc) =	sbr.rel @p0 .LBB2_4-.Ltmp1, $2  }
0x4a: {  	_ =	sdelay $0x2  }
0x4b: {  	s11 =	sshra.s32 s11, $0x2  }
0x4c: {  	[tilespmem:s11+$0x140] =	vst v1  }
0x4d: {  	[bflag:$0x0] =	sbarrier.arrive $0xFFFF  }
0x4e: {  	[tilespmem:s3], [sflag:$0x1] =	stream.linear.gather [hbm4b:s22+s3], $0x50, $0x38;
	[tilespmem:$0x2E40] =	vst v63  }
0x4f: {  	s4 =	rddreg [dreg:$0x4]  }
0x50: {  	[tilespmem:s31], [sflag:$0x2] =	stream.linear.gather [hbm4b:s4+s3], $0x50, $0x38;
	[tilespmem:$0x2E40] =	vst v63  }
0x51: {  	s19 =	simm.s32 $0xA0  }
0x52: {  	[tilespmem:s19], [sflag:$0x3] =	stream.linear.gather [hbm4b:s26+s3], $0x50, $0x38;
	[tilespmem:$0x2E40] =	vst v63  }
0x53: {  	_ =	swait.ge [sflag:s0], $0x50  }
0x54: {  	[sflag:s0] =	ssyncset.done $0x0  }
0x55: {  	[sflag:s0] =	ssyncadd.s32 $0xFFFFFFB0  }
0x56: {  	[spmem:s2] =	stream.indirect.scatter.add.f32 [tilespmem:s29], [sflag:$0x5], $0x10, s3, s31, $0xb8;
	[tilespmem:$0x2E40] =	vst v63  }
0x57: {  	s21 =	simm.s32 $0xF0;
	p0 =	por $0x0, $0x0;
	s4 =	simm.s32 $0x2  }
0x58: {  	[tilespmem:s21], [sflag:$0x4] =	stream.linear.gather [hbm4b:s28+s3], $0x50, $0x38;
	[tilespmem:$0x2E40] =	vst v63  }
0x59: {  	s11 =	simm.s32 $0x4;
	s12 =	sand.u32 @!p0 $0x3, s4;
	_ =	swait.ge [sflag:s1], $0x50  }
0x5a: {  	s11 =	sand.u32 @!p0 $0x3, s11;
	s12 =	sxor.u32 @!p0 $0x2, s12;
	[sflag:s1] =	ssyncset.done $0x0  }
0x5b: {  	s14 =	smul.u32 @!p0 $0x140, s11;
	s12 =	sadd.s32 @!p0 $0x5, s12;
	[sflag:s1] =	ssyncadd.s32 $0xFFFFFFB0  }
0x5c: {  	[spmem:s2] =	stream.indirect.scatter.add.f32 [tilespmem:s29], [sflag:$0x6], $0x10, s31, s31, $0xb8;
	[tilespmem:$0x2E40] =	vst v63  }
0x5d: {  	s13 =	simm.s32 $0x5;
	_ =	swait.ge @!p0 [sflag:s12], $0x500  }
0x5e: {  	s11 =	sadd.s32 @!p0 $0x1, s11;
	s14 =	sshrl.u32 @!p0 s14, $0x2;
	[sflag:s12] =	ssyncset.done @!p0 $0x0  }
0x5f: {  	s16 =	sand.u32 $0x3, s4;
	[sflag:s12] =	ssyncadd.s32 @!p0 $0xFFFFFB00;
	s12 =	simm.s32 @!p0 $0x0  }
0x60: {  	[tilespmem:s14], [sflag:s11] =	stream.linear.gather @!p0 [hbm4b:s20+s12], $0x50, $0x38;
	[tilespmem:$0x2E40] =	vst v63  }
0x61: {  	s4 =	simm.s32 $0x6;
	s15 =	smul.u32 $0x140, s16;
	s14 =	sadd.s32 $0x1, s16  }
0x62: {  	s12 =	simm.s32 $0x3;
	s11 =	sadd.s32 $0xA, s20;
	_ =	swait.ge [sflag:s14], $0x50  }
.LBB2_6:
0x63: {  	p0 =	sgt.u32 s12, $0x7A  }
0x64: {  	s16 =	sadd.s32 $0x5, s16;
	s17 =	smov.u32 s4;
	s4 =	sadd.s32 $0x1, s4  }
0x65: {  	s18 =	sand.u32 @!p0 $0x3, s12;
	s13 =	sand.u32 @!p0 $0x3, s13;
	[sflag:s14] =	ssyncset.done $0x0  }
0x66: {  	s18 =	sxor.u32 @!p0 $0x2, s18;
	s19 =	smul.u32 @!p0 $0x140, s13;
	s21 =	sadd.s32 @!p0 $0x1, s13  }
0x67: {  	s13 =	sshrl.u32 s15, $0x2;
	s18 =	sadd.s32 @!p0 $0x5, s18;
	[sflag:s14] =	ssyncadd.s32 $0xFFFFFFB0  }
0x68: {  	[spmem:s2] =	stream.indirect.scatter.add.f32 [tilespmem:s29], [sflag:s16], $0x10, s13, s31, $0xb8;
	[tilespmem:$0x2E40] =	vst v63  }
0x69: {  	p1 =	sne.s32 s4, $0x7F;
	s14 =	sshrl.u32 @!p0 s19, $0x2;
	_ =	swait.ge @!p0 [sflag:s18], $0x500  }
.Ltmp2:
0x6a: {  	s13 =	smov.u32 s17;
	[sflag:s18] =	ssyncset.done @!p0 $0x0;
	(pc) =	sbr.rel @p1 .LBB2_6-.Ltmp2, $4  }
0x6b: {  	s15 =	simm.s32 @!p0 $0x0;
	s16 =	sand.u32 $0x3, s12;
	[sflag:s18] =	ssyncadd.s32 @!p0 $0xFFFFFB00  }
0x6c: {  	[tilespmem:s14], [sflag:s21] =	stream.linear.gather @!p0 [hbm4b:s11+s15], $0x50, $0x38;
	[tilespmem:$0x2E40] =	vst v63  }
0x6d: {  	s14 =	sadd.s32 $0x1, s16;
	s15 =	smul.u32 $0x140, s16  }
0x6e: {  	s12 =	sadd.s32 $0xFFFFFFFE, s13;
	s11 =	sadd.s32 $0xA, s11;
	_ =	swait.ge [sflag:s14], $0x50  }
0x6f: {  	[sflag:s14] =	ssyncset.done $0x0;
	p0 =	sgt.u32 s12, $0x7A  }
0x70: {  	s4 =	sadd.s32 $0x5, s16;
	s17 =	sshrl.u32 s15, $0x2;
	[sflag:s14] =	ssyncadd.s32 $0xFFFFFFB0  }
0x71: {  	[spmem:s2] =	stream.indirect.scatter.add.f32 [tilespmem:s29], [sflag:s4], $0x10, s17, s31, $0xb8;
	[tilespmem:$0x2E40] =	vst v63  }
0x72: {  	s4 =	sand.u32 @!p0 $0x3, s12  }
0x73: {  	s4 =	sxor.u32 @!p0 $0x2, s4  }
0x74: {  	s13 =	sand.u32 @!p0 $0x3, s13;
	s4 =	sadd.s32 @!p0 $0x5, s4  }
0x75: {  	s18 =	sand.u32 $0x3, s12;
	s14 =	smul.u32 @!p0 $0x140, s13;
	_ =	swait.ge @!p0 [sflag:s4], $0x500  }
0x76: {  	s19 =	sadd.s32 $0x1, s18;
	s13 =	sadd.s32 @!p0 $0x1, s13;
	[sflag:s4] =	ssyncset.done @!p0 $0x0  }
0x77: {  	s14 =	sshrl.u32 @!p0 s14, $0x2;
	[sflag:s4] =	ssyncadd.s32 @!p0 $0xFFFFFB00;
	s4 =	simm.s32 @!p0 $0x0  }
0x78: {  	[tilespmem:s14], [sflag:s13] =	stream.linear.gather @!p0 [hbm4b:s11+s4], $0x50, $0x38;
	[tilespmem:$0x2E40] =	vst v63  }
0x79: {  	s12 =	smul.u32 $0x140, s18;
	_ =	swait.ge [sflag:s19], $0x50  }
0x7a: {  	[sflag:s19] =	ssyncset.done $0x0  }
0x7b: {  	s21 =	sshrl.u32 s12, $0x2;
	s4 =	sadd.s32 $0x5, s18;
	[sflag:s19] =	ssyncadd.s32 $0xFFFFFFB0  }
0x7c: {  	[spmem:s2] =	stream.indirect.scatter.add.f32 [tilespmem:s29], [sflag:s4], $0x10, s21, s31, $0xb8;
	[tilespmem:$0x2E40] =	vst v63  }
0x7d: {  	_ =	swait.ge [sflag:s5], $0x500  }
0x7e: {  	[sflag:s5] =	ssyncset.done $0x0  }
0x7f: {  	[sflag:s5] =	ssyncadd.s32 $0xFFFFFB00  }
0x80: {  	_ =	swait.ge [sflag:s6], $0x500  }
0x81: {  	[sflag:s6] =	ssyncset.done $0x0  }
0x82: {  	[sflag:s6] =	ssyncadd.s32 $0xFFFFFB00  }
0x83: {  	_ =	swait.ge [sflag:s7], $0x500  }
0x84: {  	[sflag:s7] =	ssyncset.done $0x0  }
0x85: {  	[sflag:s7] =	ssyncadd.s32 $0xFFFFFB00  }
0x86: {  	_ =	swait.ge [sflag:s9], $0x500  }
0x87: {  	[sflag:s9] =	ssyncset.done $0x0  }
0x88: {  	[sflag:s9] =	ssyncadd.s32 $0xFFFFFB00  }
0x89: {  	s12 =	stileid.u32;
	[bflag:$0x0] =	sbarrier.arrive $0xFFFF  }
0x8a: {  	s4 =	sshll.u32 s12, $0x6;
	s13 =	rddreg [dreg:$0x5]  }
0x8b: {  	s4 =	sor.u32 $0x1C09, s4;
	s14 =	rddreg [dreg:$0x12]  }
0x8c: {  	[hbm:s13], [sflag:s4] =	dma.local [spmem:s14], $0x100  }
0x8d: {  	_ =	swait.ge [sflag:s30], $0x100  }
0x8e: {  	[sflag:s30] =	ssyncset.done $0x0;
	s15 =	rddreg [dreg:$0xb]  }
0x8f: {  	s16 =	rddreg [dreg:$0x13];
	[sflag:s30] =	ssyncadd.s32 $0xFFFFFF00  }
0x90: {  	[hbm:s15], [sflag:s4] =	dma.local [spmem:s16], $0x100  }
0x91: {  	_ =	swait.ge [sflag:s30], $0x100  }
0x92: {  	[sflag:s30] =	ssyncset.done $0x0  }
0x93: {  	s17 =	rddreg [dreg:$0xc];
	[sflag:s30] =	ssyncadd.s32 $0xFFFFFF00  }
0x94: {  	[hbm:s17], [sflag:s4] =	dma.local [spmem:s23], $0x100  }
0x95: {  	_ =	swait.ge [sflag:s30], $0x100  }
0x96: {  	[sflag:s30] =	ssyncset.done $0x0  }
0x97: {  	s18 =	rddreg [dreg:$0xd];
	[sflag:s30] =	ssyncadd.s32 $0xFFFFFF00  }
0x98: {  	[hbm:s18], [sflag:s4] =	dma.local [spmem:s24], $0x100  }
0x99: {  	_ =	swait.ge [sflag:s30], $0x100  }
0x9a: {  	[sflag:s30] =	ssyncset.done $0x0  }
0x9b: {  	s19 =	rddreg [dreg:$0xe];
	[sflag:s30] =	ssyncadd.s32 $0xFFFFFF00  }
0x9c: {  	[hbm:s19], [sflag:s4] =	dma.local [spmem:s25], $0x100  }
0x9d: {  	_ =	swait.ge [sflag:s30], $0x100  }
0x9e: {  	s10 =	sadd.s32 $0x1, s10;
	s21 =	rddreg [dreg:$0x6]  }
0x9f: {  	p0 =	sne.s32 s10, s21  }
.Ltmp3:
0xa0: {  	_ = 	snop;
	(pc) =	sbr.rel @p0 .LBB2_1-.Ltmp3, $3  }
0xa1: {  	_ =	sdelay $0x1  }
0xa2: {  	[sflag:s30] =	ssyncset.done $0x0  }
0xa3: {  	[sflag:s30] =	ssyncadd.s32 $0xFFFFFF00  }
0xa4: {  	_ =	sfence.sel $0x180000  }
0xa5: {  	[bflag:$0x0] =	sbarrier.arrive $0xFFFF  }
0xa6: {  	_ =	strace $0x90000047  }
0xa7: {  	s0 =	stileid.u32;
	[bflag:$0x2] =	sbarrier.arrive $0xFFFF  }
0xa8: {  	p0 =	sne.s32 s0, $0x0;
	s0 =	rddreg [dreg:$0x3]  }
0xa9: {  	s0 =	sadd.s32 @!p0 $0x100000, s0  }
0xaa: {  	[sflag:s0] =	ssyncadd.tile.s32 @!p0 $0x1;
	_ =	shalt  }
.Lfunc_end2:
_tile_overlayer_lowered:
.L_overlay_start_2:
0xab: {  	(tag) =	ssettag $0x2  }
0xac: {  	s0 =	rddreg [dreg:$0x0];
	s2 =	stileid.u32  }
0xad: {  	s1 =	rddreg [dreg:$0x1];
	p0 =	sne.s32 s2, $0x0  }
0xae: {  	s3 =	rddreg [dreg:$0x2];
	[bflag:$0x3] =	sbarrier.arrive $0xFFFF;
	s2 =	simm.s32 @!p0 $0x1C09  }
0xaf: {  	[timem:s3], [sflag:s2] =	dma.local @!p0 [hbm:s0], s1  }
0xb0: {  	s0 =	simm.s32 @!p0 $0x9  }
0xb1: {  	_ =	swait.ge @!p0 [sflag:s0], s1  }
0xb2: {  	s1 =	ssub.s32 @!p0 $0x0, s1;
	[sflag:s0] =	ssyncset.done @!p0 $0x0  }
0xb3: {  	[sflag:s0] =	ssyncadd.s32 @!p0 s1  }
0xb4: {  	[bflag:$0x3] =	sbarrier.arrive $0xFFFF  }
0xb5: {  	_ =	shalt  }

</sc_bundles>
